<compile_context>
chip_gen: v7x
topology: tpu7x:2x2x1
jax: 0.10.2.dev20260603
libtpu: 0.0.44.dev20260713+nightly
codegen_flags: <defaults>
</compile_context>

<pallas_src>
import functools

import jax
import jax.numpy as jnp
from jax import lax
from jax.experimental import pallas as pl
from jax.experimental.pallas import tpu as pltpu
from jax.experimental.pallas import tpu_sc as plsc

N = 10000
E = 320000
D = 128
DE = 16
LEAK = 0.1
EPS = 1e-5
NT = 32
NPT = 320
NPAD = NT * NPT
CAP = 16384
M_SL = E + N
EPW = E // NT
F32 = jnp.float32
HB = NPT * 16


def _sc_mesh():
    return plsc.VectorSubcoreMesh(core_axis_name="c", subcore_axis_name="s")


def _wid():
    return lax.axis_index("s") * 2 + lax.axis_index("c")



_WE = 4000


def sc_prep(dst):
    @functools.partial(
        pl.kernel, mesh=_sc_mesh(),
        out_type=(
            jax.ShapeDtypeStruct((NT * CAP,), jnp.int32),
            jax.ShapeDtypeStruct((NT * CAP,), jnp.int32),
            jax.ShapeDtypeStruct((NT * 8,), jnp.int32),
        ),
        scratch_types=[
            pltpu.VMEM((_WE,), jnp.int32),
            pltpu.VMEM((CAP,), jnp.int32),
            pltpu.VMEM((CAP,), jnp.int32),
            pltpu.VMEM((16,), jnp.int32),
        ],
        compiler_params=pltpu.CompilerParams(needs_layout_passes=False),
    )
    def k(dst_h, eid_h, dl_h, cnt_h, dst_v, eid_v, dl_v, tmp_v):
        wid = _wid()
        base = wid * NPT
        zero16 = jnp.zeros((16,), jnp.int32)
        ones16 = jnp.ones((16,), jnp.int32)
        dump16 = jnp.full((16,), NPT, jnp.int32)
        lane = jnp.arange(16, dtype=jnp.int32)

        def zf(i, _):
            eid_v[pl.ds(i * 16, 16)] = zero16
            dl_v[pl.ds(i * 16, 16)] = dump16
            return ()
        lax.fori_loop(0, CAP // 16, zf, ())

        def win(w, cnt):
            pltpu.sync_copy(dst_h.at[pl.ds(w * _WE, _WE)], dst_v)

            def vr(j, cnt):
                dv = dst_v[pl.ds(j * 16, 16)] - base
                md = (dv >= 0) & (dv < NPT)
                dvc = jnp.where(md, dv, 0)
                eid = (w * _WE + j * 16) + lane
                plsc.store_compressed(eid_v.at[pl.ds(cnt, 16)], eid, mask=md)
                plsc.store_compressed(dl_v.at[pl.ds(cnt, 16)], dvc, mask=md)
                nm = plsc.all_reduce_population_count(md)
                return cnt + jnp.max(nm)

            return lax.fori_loop(0, _WE // 16, vr, cnt)

        cnt = lax.fori_loop(0, E // _WE, win, jnp.int32(0))
        pltpu.sync_copy(eid_v, eid_h.at[pl.ds(wid * CAP, CAP)])
        pltpu.sync_copy(dl_v, dl_h.at[pl.ds(wid * CAP, CAP)])
        tmp_v[...] = jnp.full((16,), cnt, jnp.int32)
        pltpu.sync_copy(tmp_v.at[pl.ds(0, 8)], cnt_h.at[pl.ds(wid * 8, 8)])

    return k(dst)



def sc_gather128(table, idx):
    W = 400

    @functools.partial(
        pl.kernel, mesh=_sc_mesh(),
        out_type=jax.ShapeDtypeStruct((E, D), F32),
        scratch_types=[
            pltpu.VMEM((W,), jnp.int32),
            pltpu.VMEM((W, D), F32),
            pltpu.SemaphoreType.DMA,
        ],
        compiler_params=pltpu.CompilerParams(needs_layout_passes=False),
    )
    def k(tab_h, idx_h, out_h, idx_v, rows_v, sem):
        wid = _wid()
        base = wid * EPW

        def body(w, _):
            off = base + w * W
            pltpu.sync_copy(idx_h.at[pl.ds(off, W)], idx_v)
            pltpu.async_copy(tab_h.at[idx_v], rows_v, sem).wait()
            pltpu.sync_copy(rows_v, out_h.at[pl.ds(off, W)])
            return ()

        lax.fori_loop(0, EPW // W, body, ())

    return k(table, idx)



def sc_gatheradd16(u, v, a_idx, b_idx):
    W = 2000

    @functools.partial(
        pl.kernel, mesh=_sc_mesh(),
        out_type=jax.ShapeDtypeStruct((E, DE), F32),
        scratch_types=[
            pltpu.VMEM((W,), jnp.int32),
            pltpu.VMEM((W, DE), F32),
            pltpu.SemaphoreType.DMA,
        ],
        compiler_params=pltpu.CompilerParams(use_tc_tiling_on_sc=False, needs_layout_passes=False),
    )
    def k(u_h, v_h, a_h, b_h, out_h, idx_v, rows_v, sem):
        wid = _wid()
        base = wid * EPW

        def body(w, _):
            off = base + w * W
            pltpu.sync_copy(a_h.at[pl.ds(off, W)], idx_v)
            pltpu.async_copy(u_h.at[idx_v], rows_v, sem).wait()
            pltpu.sync_copy(b_h.at[pl.ds(off, W)], idx_v)
            pltpu.async_copy(v_h.at[idx_v], rows_v, sem, add=True).wait()
            pltpu.sync_copy(rows_v, out_h.at[pl.ds(off, W)])
            return ()

        lax.fori_loop(0, EPW // W, body, ())

    return k(u, v, a_idx, b_idx)



def sc_scatter_max(msg, msg_self, eids_flat, dls_flat, cnts_flat):
    W = 400

    @functools.partial(
        pl.kernel, mesh=_sc_mesh(),
        out_type=jax.ShapeDtypeStruct((NPAD, D), F32),
        scratch_types=[
            pltpu.VMEM((NPT + 1, D), F32),
            pltpu.VMEM((W,), jnp.int32),
            pltpu.VMEM((W + 16,), jnp.int32),
            pltpu.VMEM((W, D), F32),
            pltpu.VMEM((16,), jnp.int32),
            pltpu.SemaphoreType.DMA,
        ],
        compiler_params=pltpu.CompilerParams(needs_layout_passes=False),
    )
    def k(msg_h, self_h, eid_h, dl_h, cnt_h, out_h,
          agg_v, eid_v, dl_v, rows_v, cnt_v, sem):
        wid = _wid()
        nbase = wid * NPT
        pltpu.sync_copy(self_h.at[pl.ds(nbase, NPT)], agg_v.at[pl.ds(0, NPT)])
        pltpu.sync_copy(cnt_h.at[pl.ds(wid * 8, 8)], cnt_v.at[pl.ds(0, 8)])
        cnt = cnt_v[pl.ds(0, 16)][0]
        nwin = (cnt + (W - 1)) // W

        def win(w, _):
            off = wid * CAP + w * W
            pltpu.sync_copy(eid_h.at[pl.ds(off, W)], eid_v)
            pltpu.sync_copy(dl_h.at[pl.ds(off, W)], dl_v.at[pl.ds(0, W)])
            pltpu.async_copy(msg_h.at[eid_v], rows_v, sem).wait()

            def ed(j, _):
                d = dl_v[pl.ds(j, 16)][0]
                for c in range(D // 16):
                    sl = pl.ds(c * 16, 16)
                    agg_v[d, sl] = jnp.maximum(agg_v[d, sl], rows_v[j, sl])
                return ()

            lax.fori_loop(0, W, ed, ())
            return ()

        lax.fori_loop(0, nwin, win, ())
        pltpu.sync_copy(agg_v.at[pl.ds(0, NPT)], out_h.at[pl.ds(nbase, NPT)])

    return k(msg, msg_self, eids_flat, dls_flat, cnts_flat)



def _dot(a, b):
    a = a.astype(jnp.bfloat16).astype(F32)
    b = b.astype(jnp.bfloat16).astype(F32)
    return jnp.dot(a, b, preferred_element_type=F32,
                   precision=lax.Precision.HIGHEST)


def _lrelu(x):
    return jnp.where(x >= 0, x, LEAK * x)


def _rsqrt(x):
    return 1.0 / jnp.sqrt(x)


def tc_hist_reduce(hs, hd):
    def kf(hs_ref, hd_ref, od_ref, id_ref):
        od_ref[...] = jnp.sum(hs_ref[...].astype(F32), axis=1, keepdims=True)
        id_ref[...] = jnp.sum(hd_ref[...].astype(F32), axis=1, keepdims=True)

    return pl.pallas_call(
        kf,
        out_shape=(jax.ShapeDtypeStruct((NPAD, 1), F32),
                   jax.ShapeDtypeStruct((NPAD, 1), F32)),
    )(hs, hd)


def tc_colsums(x):
    K = x.shape[1]
    BE = 8000
    nb = E // BE

    def kf(x_ref, sums_ref, acc_ref):
        i = pl.program_id(0)
        v = x_ref[...]
        mb = jnp.sum(v, 0, keepdims=True) * (1.0 / BE)
        vc = v - mb
        m2b = jnp.sum(vc * vc, 0, keepdims=True)

        @pl.when(i == 0)
        def _():
            acc_ref[...] = jnp.concatenate([mb, m2b], 0)

        @pl.when(i > 0)
        def _():
            na = jnp.float32(i) * BE
            nb_ = jnp.float32(BE)
            ma = acc_ref[0:1, :]
            m2a = acc_ref[1:2, :]
            dlt = mb - ma
            f = nb_ / (na + nb_)
            mn = ma + dlt * f
            m2n = m2a + m2b + dlt * dlt * (na * f)
            acc_ref[...] = jnp.concatenate([mn, m2n], 0)

        @pl.when(i == nb - 1)
        def _():
            sums_ref[...] = acc_ref[...]

    return pl.pallas_call(
        kf, grid=(nb,),
        in_specs=[pl.BlockSpec((BE, K), lambda i: (i, 0))],
        out_specs=pl.BlockSpec((2, K), lambda i: (0, 0)),
        out_shape=jax.ShapeDtypeStruct((2, K), F32),
        scratch_shapes=[pltpu.VMEM((2, K), F32)],
    )(x)


def tc_nodeA(x, outdeg, bn_g, bn_b, g1x, be1x, W1x, b1, cp):
    def kf(x_ref, od_ref, bg_ref, bb_ref, g1_ref, be1_ref, W_ref, b1_ref,
           cp_ref, y_ref, hs_ref, sums_ref):
        x = x_ref[...]
        m = jnp.sum(x, 0, keepdims=True) * (1.0 / N)
        xc = x - m
        v = jnp.sum(xc * xc, 0, keepdims=True) * (1.0 / N)
        xb = xc / jnp.sqrt(v + EPS) * bg_ref[...] + bb_ref[...]
        c = od_ref[...] + 1.0
        w1 = jnp.sum(c * xb, 0, keepdims=True) * (1.0 / M_SL)
        xbc = xb - w1
        q1 = jnp.sum(c * xbc * xbc, 0, keepdims=True) * (1.0 / M_SL)
        xb1 = (xb - w1) / jnp.sqrt(q1 + EPS) * g1_ref[...] + be1_ref[...]
        y = _dot(xb1, W_ref[...]) + b1_ref[...]
        y_ref[...] = y
        hs = _lrelu(y + cp_ref[...])
        hs_ref[...] = hs
        ms = jnp.sum(hs, 0, keepdims=True) * (1.0 / N)
        hc = hs - ms
        m2s = jnp.sum(hc * hc, 0, keepdims=True)
        sums_ref[...] = jnp.concatenate([ms, m2s], 0)

    return pl.pallas_call(
        kf,
        out_shape=(jax.ShapeDtypeStruct((N, D), F32),
                   jax.ShapeDtypeStruct((N, D), F32),
                   jax.ShapeDtypeStruct((2, D), F32)),
    )(x, outdeg, bn_g, bn_b, g1x, be1x, W1x, b1, cp)


_BEH = 2000


def tc_edgeA(g, dpos, mp, vp, gp_, bp_, W1p):
    nb = E // _BEH

    def kf(g_ref, dp_ref, mp_ref, vp_ref, gp_ref, bp_ref, W_ref, sums_ref,
           acc_ref):
        i = pl.program_id(0)
        dpn = (dp_ref[...] - mp_ref[...]) / jnp.sqrt(vp_ref[...] + EPS)             * gp_ref[...] + bp_ref[...]
        z = g_ref[...] + _dot(dpn, W_ref[...])
        h = _lrelu(z)
        mb = jnp.sum(h, 0, keepdims=True) * (1.0 / _BEH)
        hc = h - mb
        m2b = jnp.sum(hc * hc, 0, keepdims=True)

        @pl.when(i == 0)
        def _():
            acc_ref[...] = jnp.concatenate([mb, m2b], 0)

        @pl.when(i > 0)
        def _():
            na = jnp.float32(i) * _BEH
            nb_ = jnp.float32(_BEH)
            ma = acc_ref[0:1, :]
            m2a = acc_ref[1:2, :]
            dlt = mb - ma
            f = nb_ / (na + nb_)
            mn = ma + dlt * f
            m2n = m2a + m2b + dlt * dlt * (na * f)
            acc_ref[...] = jnp.concatenate([mn, m2n], 0)

        @pl.when(i == nb - 1)
        def _():
            sums_ref[...] = acc_ref[...]

    return pl.pallas_call(
        kf, grid=(nb,),
        in_specs=[pl.BlockSpec((_BEH, D), lambda i: (i, 0)),
                  pl.BlockSpec((_BEH, DE), lambda i: (i, 0)),
                  pl.BlockSpec((1, DE), lambda i: (0, 0)),
                  pl.BlockSpec((1, DE), lambda i: (0, 0)),
                  pl.BlockSpec((1, DE), lambda i: (0, 0)),
                  pl.BlockSpec((1, DE), lambda i: (0, 0)),
                  pl.BlockSpec((DE, D), lambda i: (0, 0))],
        out_specs=pl.BlockSpec((2, D), lambda i: (0, 0)),
        out_shape=jax.ShapeDtypeStruct((2, D), F32),
        scratch_shapes=[pltpu.VMEM((2, D), F32)],
    )(g, dpos, mp, vp, gp_, bp_, W1p)


def tc_edgeB(g, dpos, mp, vp, gp_, bp_, W1p, m2, v2, g2, be2, W2, b2):
    nb = E // _BEH

    def kf(g_ref, dp_ref, mp_ref, vp_ref, gp_ref, bp_ref, W_ref,
           m2_ref, v2_ref, g2_ref, be2_ref, W2_ref, b2_ref, out_ref):
        dpn = (dp_ref[...] - mp_ref[...]) / jnp.sqrt(vp_ref[...] + EPS)             * gp_ref[...] + bp_ref[...]
        z = g_ref[...] + _dot(dpn, W_ref[...])
        hb = (_lrelu(z) - m2_ref[...]) / jnp.sqrt(v2_ref[...] + EPS)             * g2_ref[...] + be2_ref[...]
        out_ref[...] = _dot(hb, W2_ref[...]) + b2_ref[...]

    return pl.pallas_call(
        kf, grid=(nb,),
        in_specs=[pl.BlockSpec((_BEH, D), lambda i: (i, 0)),
                  pl.BlockSpec((_BEH, DE), lambda i: (i, 0)),
                  pl.BlockSpec((1, DE), lambda i: (0, 0)),
                  pl.BlockSpec((1, DE), lambda i: (0, 0)),
                  pl.BlockSpec((1, DE), lambda i: (0, 0)),
                  pl.BlockSpec((1, DE), lambda i: (0, 0)),
                  pl.BlockSpec((DE, D), lambda i: (0, 0)),
                  pl.BlockSpec((1, D), lambda i: (0, 0)),
                  pl.BlockSpec((1, D), lambda i: (0, 0)),
                  pl.BlockSpec((1, D), lambda i: (0, 0)),
                  pl.BlockSpec((1, D), lambda i: (0, 0)),
                  pl.BlockSpec((D, D), lambda i: (0, 0)),
                  pl.BlockSpec((1, D), lambda i: (0, 0))],
        out_specs=pl.BlockSpec((_BEH, D), lambda i: (i, 0)),
        out_shape=jax.ShapeDtypeStruct((E, D), F32),
    )(g, dpos, mp, vp, gp_, bp_, W1p, m2, v2, g2, be2, W2, b2)


def tc_msgself(hself, m2, v2, g2, be2, W2, b2):
    def kf(hs_ref, m_ref, v_ref, g_ref, be_ref, W_ref, b_ref, out_ref):
        hb = (hs_ref[...] - m_ref[...]) / jnp.sqrt(v_ref[...] + EPS) \
            * g_ref[...] + be_ref[...]
        out_ref[0:N, :] = _dot(hb, W_ref[...]) + b_ref[...]
        out_ref[N:NPAD, :] = jnp.zeros((NPAD - N, D), F32)

    return pl.pallas_call(
        kf,
        out_shape=jax.ShapeDtypeStruct((NPAD, D), F32),
    )(hself, m2, v2, g2, be2, W2, b2)


def tc_global1(agg, gp):
    def kf(a_ref, gg1, gbe1, gW1, gb1, gg2, gbe2, gW2, gb2, xn_ref):
        a = a_ref[...]
        m = jnp.sum(a, 0, keepdims=True) * (1.0 / N)
        ac = a - m
        q = jnp.sum(ac * ac, 0, keepdims=True) * (1.0 / N)
        xb = ac / jnp.sqrt(q + EPS) * gg1[...] + gbe1[...]
        x1 = _lrelu(_dot(xb, gW1[...]) + gb1[...])
        m2 = jnp.sum(x1, 0, keepdims=True) * (1.0 / N)
        x1c = x1 - m2
        q2 = jnp.sum(x1c * x1c, 0, keepdims=True) * (1.0 / N)
        x2 = x1c / jnp.sqrt(q2 + EPS) * gg2[...] + gbe2[...]
        xn_ref[...] = _lrelu(_dot(x2, gW2[...]) + gb2[...])

    return pl.pallas_call(
        kf,
        out_shape=jax.ShapeDtypeStruct((N, D), F32),
    )(agg, gp["g1"][None], gp["be1"][None], gp["W1"], gp["b1"][None],
      gp["g2"][None], gp["be2"][None], gp["W2"], gp["b2"][None])


def tc_global2(xn, outdeg, indeg, g1A, be1A, g1B, be1B, A1, B1, b1e):
    def kf(xn_ref, od_ref, id_ref, g1A_ref, be1A_ref, g1B_ref, be1B_ref,
           A1_ref, B1_ref, b1e_ref, u_ref, v_ref):
        xn = xn_ref[...]
        od = od_ref[...]
        idg = id_ref[...]
        wA = jnp.sum(od * xn, 0, keepdims=True) * (1.0 / E)
        xnA = xn - wA
        qA = jnp.sum(od * xnA * xnA, 0, keepdims=True) * (1.0 / E)
        xbA = xnA / jnp.sqrt(qA + EPS) * g1A_ref[...] + be1A_ref[...]
        u_ref[...] = _dot(xbA, A1_ref[...])
        wB = jnp.sum(idg * xn, 0, keepdims=True) * (1.0 / E)
        xnB = xn - wB
        qB = jnp.sum(idg * xnB * xnB, 0, keepdims=True) * (1.0 / E)
        xbB = xnB / jnp.sqrt(qB + EPS) * g1B_ref[...] + be1B_ref[...]
        v_ref[...] = _dot(xbB, B1_ref[...]) + b1e_ref[...]

    return pl.pallas_call(
        kf,
        out_shape=(jax.ShapeDtypeStruct((N, DE), F32),
                   jax.ShapeDtypeStruct((N, DE), F32)),
    )(xn, outdeg, indeg, g1A, be1A, g1B, be1B, A1, B1, b1e)


_BEC = 8000


def tc_edgeC(guv, e, mEv, vEv, gE, beE, C1):
    nb = E // _BEC

    def kf(g_ref, e_ref, m_ref, v_ref, gg_ref, be_ref, C_ref, a_ref,
           sums_ref, acc_ref):
        i = pl.program_id(0)
        eb = (e_ref[...] - m_ref[...]) / jnp.sqrt(v_ref[...] + EPS) \
            * gg_ref[...] + be_ref[...]
        t = g_ref[...] + _dot(eb, C_ref[...])
        a = _lrelu(t)
        a_ref[...] = a
        mb = jnp.sum(a, 0, keepdims=True) * (1.0 / _BEC)
        avc = a - mb
        m2b = jnp.sum(avc * avc, 0, keepdims=True)

        @pl.when(i == 0)
        def _():
            acc_ref[...] = jnp.concatenate([mb, m2b], 0)

        @pl.when(i > 0)
        def _():
            na = jnp.float32(i) * _BEC
            nb_ = jnp.float32(_BEC)
            ma = acc_ref[0:1, :]
            m2a = acc_ref[1:2, :]
            dlt = mb - ma
            f = nb_ / (na + nb_)
            mn = ma + dlt * f
            m2n = m2a + m2b + dlt * dlt * (na * f)
            acc_ref[...] = jnp.concatenate([mn, m2n], 0)

        @pl.when(i == nb - 1)
        def _():
            sums_ref[...] = acc_ref[...]

    return pl.pallas_call(
        kf, grid=(nb,),
        in_specs=[pl.BlockSpec((_BEC, DE), lambda i: (i, 0)),
                  pl.BlockSpec((_BEC, DE), lambda i: (i, 0)),
                  pl.BlockSpec((1, DE), lambda i: (0, 0)),
                  pl.BlockSpec((1, DE), lambda i: (0, 0)),
                  pl.BlockSpec((1, DE), lambda i: (0, 0)),
                  pl.BlockSpec((1, DE), lambda i: (0, 0)),
                  pl.BlockSpec((DE, DE), lambda i: (0, 0))],
        out_specs=(pl.BlockSpec((_BEC, DE), lambda i: (i, 0)),
                   pl.BlockSpec((2, DE), lambda i: (0, 0))),
        out_shape=(jax.ShapeDtypeStruct((E, DE), F32),
                   jax.ShapeDtypeStruct((2, DE), F32)),
        scratch_shapes=[pltpu.VMEM((2, DE), F32)],
    )(guv, e, mEv, vEv, gE, beE, C1)


def tc_edgeD(a, m2e, v2e, g2e, be2e, W2e, b2e):
    nb = E // _BEC

    def kf(a_ref, m_ref, v_ref, g_ref, be_ref, W_ref, b_ref, out_ref,
           sums_ref, acc_ref):
        i = pl.program_id(0)
        ab = (a_ref[...] - m_ref[...]) / jnp.sqrt(v_ref[...] + EPS) \
            * g_ref[...] + be_ref[...]
        en = _dot(ab, W_ref[...]) + b_ref[...]
        out_ref[...] = en
        mb = jnp.sum(en, 0, keepdims=True) * (1.0 / _BEC)
        enc = en - mb
        m2b = jnp.sum(enc * enc, 0, keepdims=True)

        @pl.when(i == 0)
        def _():
            acc_ref[...] = jnp.concatenate([mb, m2b], 0)

        @pl.when(i > 0)
        def _():
            na = jnp.float32(i) * _BEC
            nb_ = jnp.float32(_BEC)
            ma = acc_ref[0:1, :]
            m2a = acc_ref[1:2, :]
            dlt = mb - ma
            f = nb_ / (na + nb_)
            mn = ma + dlt * f
            m2n = m2a + m2b + dlt * dlt * (na * f)
            acc_ref[...] = jnp.concatenate([mn, m2n], 0)

        @pl.when(i == nb - 1)
        def _():
            sums_ref[...] = acc_ref[...]

    return pl.pallas_call(
        kf, grid=(nb,),
        in_specs=[pl.BlockSpec((_BEC, DE), lambda i: (i, 0)),
                  pl.BlockSpec((1, DE), lambda i: (0, 0)),
                  pl.BlockSpec((1, DE), lambda i: (0, 0)),
                  pl.BlockSpec((1, DE), lambda i: (0, 0)),
                  pl.BlockSpec((1, DE), lambda i: (0, 0)),
                  pl.BlockSpec((DE, DE), lambda i: (0, 0)),
                  pl.BlockSpec((1, DE), lambda i: (0, 0))],
        out_specs=(pl.BlockSpec((_BEC, DE), lambda i: (i, 0)),
                   pl.BlockSpec((2, DE), lambda i: (0, 0))),
        out_shape=(jax.ShapeDtypeStruct((E, DE), F32),
                   jax.ShapeDtypeStruct((2, DE), F32)),
        scratch_shapes=[pltpu.VMEM((2, DE), F32)],
    )(a, m2e, v2e, g2e, be2e, W2e, b2e)


def tc_edgeD_last(a, m2e, v2e, g2e, be2e, W2e, b2e, Wp, bp):
    nb = E // _BEC

    def kf(a_ref, m_ref, v_ref, g_ref, be_ref, W_ref, b_ref, Wp_ref, bp_ref,
           out_ref):
        ab = (a_ref[...] - m_ref[...]) / jnp.sqrt(v_ref[...] + EPS) \
            * g_ref[...] + be_ref[...]
        en = _dot(ab, W_ref[...]) + b_ref[...]
        out_ref[...] = _dot(en, Wp_ref[...]) + bp_ref[...]

    return pl.pallas_call(
        kf, grid=(nb,),
        in_specs=[pl.BlockSpec((_BEC, DE), lambda i: (i, 0)),
                  pl.BlockSpec((1, DE), lambda i: (0, 0)),
                  pl.BlockSpec((1, DE), lambda i: (0, 0)),
                  pl.BlockSpec((1, DE), lambda i: (0, 0)),
                  pl.BlockSpec((1, DE), lambda i: (0, 0)),
                  pl.BlockSpec((DE, DE), lambda i: (0, 0)),
                  pl.BlockSpec((1, DE), lambda i: (0, 0)),
                  pl.BlockSpec((DE, 1), lambda i: (0, 0)),
                  pl.BlockSpec((1, 1), lambda i: (0, 0))],
        out_specs=pl.BlockSpec((_BEC, 1), lambda i: (i, 0)),
        out_shape=jax.ShapeDtypeStruct((E, 1), F32),
    )(a, m2e, v2e, g2e, be2e, W2e, b2e, Wp, bp)


def tc_pred(e, Wp, bp):
    nb = E // _BEC

    def kf(e_ref, W_ref, b_ref, out_ref):
        out_ref[...] = jnp.dot(e_ref[...], W_ref[...],
                               preferred_element_type=F32) + b_ref[...]

    return pl.pallas_call(
        kf, grid=(nb,),
        in_specs=[pl.BlockSpec((_BEC, DE), lambda i: (i, 0)),
                  pl.BlockSpec((DE, 1), lambda i: (0, 0)),
                  pl.BlockSpec((1, 1), lambda i: (0, 0))],
        out_specs=pl.BlockSpec((_BEC, 1), lambda i: (i, 0)),
        out_shape=jax.ShapeDtypeStruct((E, 1), F32),
    )(e, Wp, bp)



def _bn(x, g, b):
    m = jnp.mean(x, axis=0)
    v = jnp.var(x, axis=0)
    return (x - m) / jnp.sqrt(v + EPS) * g + b


def _seq5(x, p):
    x = _bn(x, p["g1"], p["be1"])
    x = x @ p["W1"] + p["b1"]
    x = _lrelu(x)
    x = _bn(x, p["g2"], p["be2"])
    x = x @ p["W2"] + p["b2"]
    return x


def kernel(node_features, edge_indices, edge_attr, xbatch, pos, params):
    x = node_features.reshape(-1, D)
    e = edge_attr.reshape(-1, DE)
    src = edge_indices[0]
    dst = edge_indices[1]

    eids_f, dls_f, cnts_f = sc_prep(dst)

    loop = jnp.arange(N, dtype=src.dtype)
    src_sl = jnp.concatenate([src, loop])
    dst_sl = jnp.concatenate([dst, loop])
    dpos_sl = pos[src_sl] - pos[dst_sl]

    for li, lp in enumerate(params["layers"]):
        x = _bn(x, lp["bn_node_g"], lp["bn_node_b"])
        msg = jnp.concatenate([x[src_sl], dpos_sl], axis=1)
        msg = _seq5(msg, lp["local"])
        msg_self = jnp.concatenate(
            [msg[E:], jnp.zeros((NPAD - N, D), F32)], axis=0)
        agg = sc_scatter_max(msg[:E], msg_self, eids_f, dls_f, cnts_f)[:N]
        x = _lrelu(_seq5(agg, lp["global"]))
        ecat = jnp.concatenate([x[src], x[dst], e], axis=1)
        e = _seq5(ecat, lp["edge"])

    e_pred = e @ params["pred"]["W"] + params["pred"]["b"]
    return x, e_pred

# --- scband reference (transcript-rebuilt; emitter-appended) ---
"""Pipeline reference for scband-point-conv-model-14190571946302 (READ-ONLY COPY).

The authoritative reference and input builder live on the scoring server;
editing this copy changes nothing except your own understanding.
"""

import jax, jax.numpy as jnp
import numpy as np

N = 10000
E = 320000
D = 128
DE = 16
NUM_MP = 3
LEAK = 0.1
EPS = 1e-5

def _lin_init(key, fan_in, fan_out):
    k1, k2 = jax.random.split(key)
    lim = 1.0 / np.sqrt(fan_in)
    W = jax.random.uniform(k1, (fan_in, fan_out), minval=-lim, maxval=lim, dtype=jnp.float32)
    b = jax.random.uniform(k2, (fan_out,), minval=-lim, maxval=lim, dtype=jnp.float32)
    return W, b

def _seq5_init(key, din, dout):
    k1, k2 = jax.random.split(key)
    W1, b1 = _lin_init(k1, din, dout)
    W2, b2 = _lin_init(k2, dout, dout)
    return {"g1": jnp.ones((din,), jnp.float32), "be1": jnp.zeros((din,), jnp.float32),
            "W1": W1, "b1": b1,
            "g2": jnp.ones((dout,), jnp.float32), "be2": jnp.zeros((dout,), jnp.float32),
            "W2": W2, "b2": b2}

def _bn(x, g, b):
    m = jnp.mean(x, axis=0)
    v = jnp.var(x, axis=0)
    return (x - m) / jnp.sqrt(v + EPS) * g + b

def _lrelu(x):
    return jnp.where(x >= 0, x, LEAK * x)

def _seq5(x, p):
    x = _bn(x, p["g1"], p["be1"])
    x = x @ p["W1"] + p["b1"]
    x = _lrelu(x)
    x = _bn(x, p["g2"], p["be2"])
    x = x @ p["W2"] + p["b2"]
    return x

def _forward(node_features, edge_attr, pos, params, edge_indices):
    x = node_features.reshape(-1, D)
    e = edge_attr.reshape(-1, DE)
    src = edge_indices[0]
    dst = edge_indices[1]
    loop = jnp.arange(N, dtype=src.dtype)
    src_sl = jnp.concatenate([src, loop])
    dst_sl = jnp.concatenate([dst, loop])
    for lp in params["layers"]:
        x = _bn(x, lp["bn_node_g"], lp["bn_node_b"])
        msg = jnp.concatenate([x[src_sl], pos[src_sl] - pos[dst_sl]], axis=1)
        msg = _seq5(msg, lp["local"])
        agg = jax.ops.segment_max(msg, dst_sl, num_segments=N)
        x = _lrelu(_seq5(agg, lp["global"]))
        ecat = jnp.concatenate([x[src], x[dst], e], axis=1)
        e = _seq5(ecat, lp["edge"])
    e_pred = e @ params["pred"]["W"] + params["pred"]["b"]
    return x, e_pred

def setup_inputs(seed: int = 0):
    key = jax.random.key(seed)
    ks = jax.random.split(key, 8)
    node_features = jax.random.normal(ks[0], (N, D), dtype=jnp.float32)
    edge_indices = jax.random.randint(ks[1], (2, E), 0, N, dtype=jnp.int32)
    edge_attr = jax.random.normal(ks[2], (E, DE), dtype=jnp.float32)
    xbatch = jnp.zeros((N,), dtype=jnp.int32)
    pos = jax.random.normal(ks[3], (N, 3), dtype=jnp.float32)
    layers = []
    for i in range(NUM_MP):
        kk = jax.random.fold_in(key, 100 + i)
        ka, kb, kc = jax.random.split(kk, 3)
        layers.append({
            "bn_node_g": jnp.ones((D,), jnp.float32),
            "bn_node_b": jnp.zeros((D,), jnp.float32),
            "local": _seq5_init(ka, D + 3, D),
            "global": _seq5_init(kb, D, D),
            "edge": _seq5_init(kc, 2 * D + DE, DE),
        })
    Wp, bp = _lin_init(jax.random.fold_in(key, 999), DE, 1)
    params = {"layers": layers, "pred": {"W": Wp, "b": bp}}
    return {"node_features": node_features, "edge_indices": edge_indices,
            "edge_attr": edge_attr, "xbatch": xbatch, "pos": pos, "params": params}

def reference(node_features, edge_indices, edge_attr, xbatch, pos, params):
    return _forward(node_features, edge_attr, pos, params, edge_indices)

if __name__ == "__main__":
    import jax
    _d = setup_inputs()
    print(jax.jit(kernel)(*tuple(_d.values())))

</pallas_src>

<mosaic_0001>
#map = affine_map<(d0, d1) -> (0)>
module attributes {stable_mosaic.version = 14 : i64} {
  func.func @k(%arg0: i32, %arg1: i32, %arg2: memref<320000xi32, #tpu.memory_space<hbm>>, %arg3: memref<524288xi32, #tpu.memory_space<hbm>>, %arg4: memref<524288xi32, #tpu.memory_space<hbm>>, %arg5: memref<256xi32, #tpu.memory_space<hbm>>, %arg6: memref<4000xi32, #tpu.memory_space<vmem>>, %arg7: memref<16384xi32, #tpu.memory_space<vmem>>, %arg8: memref<16384xi32, #tpu.memory_space<vmem>>, %arg9: memref<16xi32, #tpu.memory_space<vmem>>) attributes {dimension_semantics = [#tpu.dimension_semantics<core_parallel>, #tpu.dimension_semantics<subcore_parallel>], iteration_bounds = array<i64: 2, 16>, scalar_prefetch = 0 : i64, scratch_operands = 4 : i64, tpu.core_type = #tpu.core_type<sc_vector_subcore>, window_params = [{transform_indices = #map}, {transform_indices = #map}, {transform_indices = #map}, {transform_indices = #map}]} {
    %mul3A = arith.constant 2 : i32
    %mul3A_0 = arith.muli %arg1, %mul3A : i32
    %add3A = arith.addi %mul3A_0, %arg0 : i32
    %mul3A_1 = arith.constant 320 : i32
    %mul3A_2 = arith.muli %add3A, %mul3A_1 : i32
    %broadcast_in_dim3A = arith.constant 0 : i32
    %broadcast_in_dim3A_3 = vector.broadcast %broadcast_in_dim3A : i32 to vector<16xi32>
    %broadcast_in_dim3A_4 = arith.constant 1 : i32
    %broadcast_in_dim3A_5 = vector.broadcast %broadcast_in_dim3A_4 : i32 to vector<16xi32>
    %broadcast_in_dim3A_6 = arith.constant 320 : i32
    %broadcast_in_dim3A_7 = vector.broadcast %broadcast_in_dim3A_6 : i32 to vector<16xi32>
    %iota3A = tpu.iota {dimensions = array<i32: 0>} : vector<16xi32>
    %scan3A = arith.constant 0 : i32
    %scan3A_8 = arith.constant 1024 : i32
    %scan3A_9 = arith.addi %scan3A, %scan3A_8 : i32
    %scan3A_10 = arith.constant 1 : i32
    scf.for %scan3A_27 = %scan3A to %scan3A_9 step %scan3A_10  : i32 {
      %mul3A_28 = arith.constant 16 : i32
      %mul3A_29 = arith.muli %scan3A_27, %mul3A_28 : i32
      %swap3A_30 = arith.index_cast %mul3A_29 : i32 to index
      %swap3A_31 = tpu.vector_load %arg7[%swap3A_30] {strides = array<i32>} : memref<16384xi32, #tpu.memory_space<vmem>>, vector<16xi32>,
      tpu.vector_store %arg7[%swap3A_30], %broadcast_in_dim3A_3 {strides = array<i32>} : memref<16384xi32, #tpu.memory_space<vmem>>, vector<16xi32>,
      %mul3A_32 = arith.constant 16 : i32
      %mul3A_33 = arith.muli %scan3A_27, %mul3A_32 : i32
      %swap3A_34 = arith.index_cast %mul3A_33 : i32 to index
      %swap3A_35 = tpu.vector_load %arg8[%swap3A_34] {strides = array<i32>} : memref<16384xi32, #tpu.memory_space<vmem>>, vector<16xi32>,
      tpu.vector_store %arg8[%swap3A_34], %broadcast_in_dim3A_7 {strides = array<i32>} : memref<16384xi32, #tpu.memory_space<vmem>>, vector<16xi32>,
    }
    %scan3A_11 = arith.constant 1024 : i32
    %scan3A_12 = arith.constant 0 : i32
    %scan3A_13 = arith.constant 0 : i32
    %scan3A_14 = arith.constant 80 : i32
    %scan3A_15 = arith.addi %scan3A_13, %scan3A_14 : i32
    %scan3A_16 = arith.constant 1 : i32
    %scan3A_17 = scf.for %scan3A_27 = %scan3A_13 to %scan3A_15 step %scan3A_16 iter_args(%scan3A_28 = %scan3A_12) -> (i32)  : i32 {
      %mul3A_29 = arith.constant 4000 : i32
      %mul3A_30 = arith.muli %scan3A_27, %mul3A_29 : i32
      "tpu.region"() ({
        %run_scoped3A = tpu.sem_alloc : memref<!tpu.dma_semaphore, #tpu.memory_space<semaphore_mem>>
        %dma_start3A = tpu.memref_slice %arg2[%mul3A_30] : memref<320000xi32, #tpu.memory_space<hbm>> -> memref<4000xi32, #tpu.memory_space<hbm>>
        %dma_start3A_37 = tpu.memref_slice %arg2[%mul3A_30] : memref<320000xi32, #tpu.memory_space<hbm>> -> memref<4000xi32, #tpu.memory_space<hbm>>
        tpu.enqueue_dma source(%dma_start3A_37 : memref<4000xi32, #tpu.memory_space<hbm>>) target(%arg6 : memref<4000xi32, #tpu.memory_space<vmem>>) target_semaphore(%run_scoped3A : memref<!tpu.dma_semaphore, #tpu.memory_space<semaphore_mem>>)
        %dma_wait3A = tpu.memref_slice %arg2[%mul3A_30] : memref<320000xi32, #tpu.memory_space<hbm>> -> memref<4000xi32, #tpu.memory_space<hbm>>
        %dma_wait3A_38 = tpu.memref_slice %arg2[%mul3A_30] : memref<320000xi32, #tpu.memory_space<hbm>> -> memref<4000xi32, #tpu.memory_space<hbm>>
        tpu.wait_dma2 semaphore(%run_scoped3A : memref<!tpu.dma_semaphore, #tpu.memory_space<semaphore_mem>>) src(%dma_wait3A_38 : memref<4000xi32, #tpu.memory_space<hbm>>) dst(%arg6 : memref<4000xi32, #tpu.memory_space<vmem>>)
        tpu.yield
      }) : () -> ()
      %scan3A_31 = arith.constant 0 : i32
      %scan3A_32 = arith.constant 250 : i32
      %scan3A_33 = arith.addi %scan3A_31, %scan3A_32 : i32
      %scan3A_34 = arith.constant 1 : i32
      %scan3A_35 = scf.for %scan3A_37 = %scan3A_31 to %scan3A_33 step %scan3A_34 iter_args(%scan3A_38 = %scan3A_28) -> (i32)  : i32 {
        %mul3A_39 = arith.constant 16 : i32
        %mul3A_40 = arith.muli %scan3A_37, %mul3A_39 : i32
        %get3A = arith.index_cast %mul3A_40 : i32 to index
        %get3A_41 = tpu.vector_load %arg6[%get3A] {strides = array<i32>} : memref<4000xi32, #tpu.memory_space<vmem>>, vector<16xi32>,
        %sub3A = vector.broadcast %mul3A_2 : i32 to vector<16xi32>
        %sub3A_42 = arith.subi %get3A_41, %sub3A : vector<16xi32>
        %ge3A = arith.constant 0 : i32
        %ge3A_43 = vector.broadcast %ge3A : i32 to vector<16xi32>
        %ge3A_44 = arith.cmpi sge, %sub3A_42, %ge3A_43 : vector<16xi32>
        %lt3A = arith.constant 320 : i32
        %lt3A_45 = vector.broadcast %lt3A : i32 to vector<16xi32>
        %lt3A_46 = arith.cmpi slt, %sub3A_42, %lt3A_45 : vector<16xi32>
        %and3A = arith.andi %ge3A_44, %lt3A_46 : vector<16xi1>
        %jit3A = arith.constant 0 : i32
        %broadcast_in_dim3A_47 = vector.broadcast %jit3A : i32 to vector<16xi32>
        %select_n3A = arith.select %and3A, %sub3A_42, %broadcast_in_dim3A_47 : vector<16xi1>, vector<16xi32>
        %mul3A_48 = arith.constant 4000 : i32
        %mul3A_49 = arith.muli %scan3A_27, %mul3A_48 : i32
        %mul3A_50 = arith.constant 16 : i32
        %mul3A_51 = arith.muli %scan3A_37, %mul3A_50 : i32
        %add3A_52 = arith.addi %mul3A_49, %mul3A_51 : i32
        %add3A_53 = vector.broadcast %add3A_52 : i32 to vector<16xi32>
        %add3A_54 = arith.addi %add3A_53, %iota3A : vector<16xi32>
        %swap3A_55 = arith.index_cast %scan3A_38 : i32 to index
        %swap3A_56 = tpu.vector_load %arg7[%swap3A_55] masked %and3A {strides = array<i32>} : memref<16384xi32, #tpu.memory_space<vmem>>, vector<16xi32>, vector<16xi1>
        tpu.vector_store %arg7[%swap3A_55], %add3A_54 masked %and3A {strides = array<i32>} : memref<16384xi32, #tpu.memory_space<vmem>>, vector<16xi32>, vector<16xi1>
        %swap3A_57 = arith.index_cast %scan3A_38 : i32 to index
        %swap3A_58 = tpu.vector_load %arg8[%swap3A_57] masked %and3A {strides = array<i32>} : memref<16384xi32, #tpu.memory_space<vmem>>, vector<16xi32>, vector<16xi1>
        tpu.vector_store %arg8[%swap3A_57], %select_n3A masked %and3A {strides = array<i32>} : memref<16384xi32, #tpu.memory_space<vmem>>, vector<16xi32>, vector<16xi1>
        %all_reduce_population_count3A = tpu.all_reduce %and3A {dim = 0 : i64, kind = #tpu.reduction_kind<sum>} : vector<16xi1> -> vector<16xi32>
        %reduce_max3A = arith.constant true
        %reduce_max3A_59 = vector.broadcast %reduce_max3A : i1 to vector<16xi1>
        %reduce_max3A_60 = arith.constant -2147483648 : i32
        %reduce_max3A_61 = vector.broadcast %reduce_max3A_60 : i32 to vector<16xi32>
        %reduce_max3A_62 = arith.xori %all_reduce_population_count3A, %reduce_max3A_61 : vector<16xi32>
        %reduce_max3A_63 = tpu.scan <max>, %reduce_max3A_62 masked %reduce_max3A_59 : vector<16xi32>, vector<16xi1> -> vector<16xi32>
        %reduce_max3A_64 = arith.xori %reduce_max3A_63, %reduce_max3A_61 : vector<16xi32>
        %reduce_max3A_65 = vector.extract %reduce_max3A_64[15] : i32 from vector<16xi32>
        %add3A_66 = arith.addi %scan3A_38, %reduce_max3A_65 : i32
        scf.yield %add3A_66 : i32
      }
      %scan3A_36 = arith.constant 250 : i32
      scf.yield %scan3A_35 : i32
    }
    %scan3A_18 = arith.constant 80 : i32
    %mul3A_19 = arith.constant 16384 : i32
    %mul3A_20 = arith.muli %add3A, %mul3A_19 : i32
    "tpu.region"() ({
      %run_scoped3A = tpu.sem_alloc : memref<!tpu.dma_semaphore, #tpu.memory_space<semaphore_mem>>
      %dma_start3A = tpu.memref_slice %arg3[%mul3A_20] : memref<524288xi32, #tpu.memory_space<hbm>> -> memref<16384xi32, #tpu.memory_space<hbm>>
      %dma_start3A_27 = tpu.memref_slice %arg3[%mul3A_20] : memref<524288xi32, #tpu.memory_space<hbm>> -> memref<16384xi32, #tpu.memory_space<hbm>>
      tpu.enqueue_dma source(%arg7 : memref<16384xi32, #tpu.memory_space<vmem>>) target(%dma_start3A_27 : memref<16384xi32, #tpu.memory_space<hbm>>) target_semaphore(%run_scoped3A : memref<!tpu.dma_semaphore, #tpu.memory_space<semaphore_mem>>)
      %dma_wait3A = tpu.memref_slice %arg3[%mul3A_20] : memref<524288xi32, #tpu.memory_space<hbm>> -> memref<16384xi32, #tpu.memory_space<hbm>>
      %dma_wait3A_28 = tpu.memref_slice %arg3[%mul3A_20] : memref<524288xi32, #tpu.memory_space<hbm>> -> memref<16384xi32, #tpu.memory_space<hbm>>
      tpu.wait_dma2 semaphore(%run_scoped3A : memref<!tpu.dma_semaphore, #tpu.memory_space<semaphore_mem>>) src(%arg7 : memref<16384xi32, #tpu.memory_space<vmem>>) dst(%dma_wait3A_28 : memref<16384xi32, #tpu.memory_space<hbm>>)
      tpu.yield
    }) : () -> ()
    %mul3A_21 = arith.constant 16384 : i32
    %mul3A_22 = arith.muli %add3A, %mul3A_21 : i32
    "tpu.region"() ({
      %run_scoped3A = tpu.sem_alloc : memref<!tpu.dma_semaphore, #tpu.memory_space<semaphore_mem>>
      %dma_start3A = tpu.memref_slice %arg4[%mul3A_22] : memref<524288xi32, #tpu.memory_space<hbm>> -> memref<16384xi32, #tpu.memory_space<hbm>>
      %dma_start3A_27 = tpu.memref_slice %arg4[%mul3A_22] : memref<524288xi32, #tpu.memory_space<hbm>> -> memref<16384xi32, #tpu.memory_space<hbm>>
      tpu.enqueue_dma source(%arg8 : memref<16384xi32, #tpu.memory_space<vmem>>) target(%dma_start3A_27 : memref<16384xi32, #tpu.memory_space<hbm>>) target_semaphore(%run_scoped3A : memref<!tpu.dma_semaphore, #tpu.memory_space<semaphore_mem>>)
      %dma_wait3A = tpu.memref_slice %arg4[%mul3A_22] : memref<524288xi32, #tpu.memory_space<hbm>> -> memref<16384xi32, #tpu.memory_space<hbm>>
      %dma_wait3A_28 = tpu.memref_slice %arg4[%mul3A_22] : memref<524288xi32, #tpu.memory_space<hbm>> -> memref<16384xi32, #tpu.memory_space<hbm>>
      tpu.wait_dma2 semaphore(%run_scoped3A : memref<!tpu.dma_semaphore, #tpu.memory_space<semaphore_mem>>) src(%arg8 : memref<16384xi32, #tpu.memory_space<vmem>>) dst(%dma_wait3A_28 : memref<16384xi32, #tpu.memory_space<hbm>>)
      tpu.yield
    }) : () -> ()
    %broadcast_in_dim3A_23 = vector.broadcast %scan3A_17 : i32 to vector<16xi32>
    %swap3A = arith.constant 0 : index
    %swap3A_24 = tpu.vector_load %arg9[%swap3A] {strides = array<i32>} : memref<16xi32, #tpu.memory_space<vmem>>, vector<16xi32>,
    tpu.vector_store %arg9[%swap3A], %broadcast_in_dim3A_23 {strides = array<i32>} : memref<16xi32, #tpu.memory_space<vmem>>, vector<16xi32>,
    %mul3A_25 = arith.constant 8 : i32
    %mul3A_26 = arith.muli %add3A, %mul3A_25 : i32
    "tpu.region"() ({
      %run_scoped3A = tpu.sem_alloc : memref<!tpu.dma_semaphore, #tpu.memory_space<semaphore_mem>>
      %dma_start3A = arith.constant 0 : i32
      %dma_start3A_27 = tpu.memref_slice %arg9[%dma_start3A] : memref<16xi32, #tpu.memory_space<vmem>> -> memref<8xi32, #tpu.memory_space<vmem>>
      %dma_start3A_28 = tpu.memref_slice %arg5[%mul3A_26] : memref<256xi32, #tpu.memory_space<hbm>> -> memref<8xi32, #tpu.memory_space<hbm>>
      %dma_start3A_29 = tpu.memref_slice %arg5[%mul3A_26] : memref<256xi32, #tpu.memory_space<hbm>> -> memref<8xi32, #tpu.memory_space<hbm>>
      %dma_start3A_30 = arith.constant 0 : i32
      %dma_start3A_31 = tpu.memref_slice %arg9[%dma_start3A_30] : memref<16xi32, #tpu.memory_space<vmem>> -> memref<8xi32, #tpu.memory_space<vmem>>
      tpu.enqueue_dma source(%dma_start3A_31 : memref<8xi32, #tpu.memory_space<vmem>>) target(%dma_start3A_29 : memref<8xi32, #tpu.memory_space<hbm>>) target_semaphore(%run_scoped3A : memref<!tpu.dma_semaphore, #tpu.memory_space<semaphore_mem>>)
      %dma_wait3A = arith.constant 0 : i32
      %dma_wait3A_32 = tpu.memref_slice %arg9[%dma_wait3A] : memref<16xi32, #tpu.memory_space<vmem>> -> memref<8xi32, #tpu.memory_space<vmem>>
      %dma_wait3A_33 = tpu.memref_slice %arg5[%mul3A_26] : memref<256xi32, #tpu.memory_space<hbm>> -> memref<8xi32, #tpu.memory_space<hbm>>
      %dma_wait3A_34 = tpu.memref_slice %arg5[%mul3A_26] : memref<256xi32, #tpu.memory_space<hbm>> -> memref<8xi32, #tpu.memory_space<hbm>>
      %dma_wait3A_35 = arith.constant 0 : i32
      %dma_wait3A_36 = tpu.memref_slice %arg9[%dma_wait3A_35] : memref<16xi32, #tpu.memory_space<vmem>> -> memref<8xi32, #tpu.memory_space<vmem>>
      tpu.wait_dma2 semaphore(%run_scoped3A : memref<!tpu.dma_semaphore, #tpu.memory_space<semaphore_mem>>) src(%dma_wait3A_36 : memref<8xi32, #tpu.memory_space<vmem>>) dst(%dma_wait3A_34 : memref<8xi32, #tpu.memory_space<hbm>>)
      tpu.yield
    }) : () -> ()
    return
  }
}

#map = affine_map<(d0, d1) -> (0, 0)>
#map1 = affine_map<(d0, d1) -> (0)>
module attributes {stable_mosaic.version = 14 : i64} {
  func.func @k(%arg0: i32, %arg1: i32, %arg2: memref<320000x128xf32, #tpu.memory_space<hbm>>, %arg3: memref<10240x128xf32, #tpu.memory_space<hbm>>, %arg4: memref<524288xi32, #tpu.memory_space<hbm>>, %arg5: memref<524288xi32, #tpu.memory_space<hbm>>, %arg6: memref<256xi32, #tpu.memory_space<hbm>>, %arg7: memref<10240x128xf32, #tpu.memory_space<hbm>>, %arg8: memref<321x128xf32, #tpu.memory_space<vmem>>, %arg9: memref<400xi32, #tpu.memory_space<vmem>>, %arg10: memref<416xi32, #tpu.memory_space<vmem>>, %arg11: memref<400x128xf32, #tpu.memory_space<vmem>>, %arg12: memref<16xi32, #tpu.memory_space<vmem>>, %arg13: memref<!tpu.dma_semaphore, #tpu.memory_space<semaphore_mem>>) attributes {dimension_semantics = [#tpu.dimension_semantics<core_parallel>, #tpu.dimension_semantics<subcore_parallel>], iteration_bounds = array<i64: 2, 16>, scalar_prefetch = 0 : i64, scratch_operands = 6 : i64, tpu.core_type = #tpu.core_type<sc_vector_subcore>, window_params = [{transform_indices = #map}, {transform_indices = #map}, {transform_indices = #map1}, {transform_indices = #map1}, {transform_indices = #map1}, {transform_indices = #map}]} {
    %mul3A = arith.constant 2 : i32
    %mul3A_0 = arith.muli %arg1, %mul3A : i32
    %add3A = arith.addi %mul3A_0, %arg0 : i32
    %mul3A_1 = arith.constant 320 : i32
    %mul3A_2 = arith.muli %add3A, %mul3A_1 : i32
    "tpu.region"() ({
      %run_scoped3A = tpu.sem_alloc : memref<!tpu.dma_semaphore, #tpu.memory_space<semaphore_mem>>
      %dma_start3A = arith.constant 0 : i32
      %dma_start3A_32 = arith.constant 0 : i32
      %dma_start3A_33 = tpu.memref_slice %arg8[%dma_start3A, %dma_start3A_32] : memref<321x128xf32, #tpu.memory_space<vmem>> -> memref<320x128xf32, #tpu.memory_space<vmem>>
      %dma_start3A_34 = arith.constant 0 : i32
      %dma_start3A_35 = tpu.memref_slice %arg3[%mul3A_2, %dma_start3A_34] : memref<10240x128xf32, #tpu.memory_space<hbm>> -> memref<320x128xf32, #tpu.memory_space<hbm>>
      %dma_start3A_36 = arith.constant 0 : i32
      %dma_start3A_37 = arith.constant 0 : i32
      %dma_start3A_38 = tpu.memref_slice %arg8[%dma_start3A_36, %dma_start3A_37] : memref<321x128xf32, #tpu.memory_space<vmem>> -> memref<320x128xf32, #tpu.memory_space<vmem>>
      %dma_start3A_39 = arith.constant 0 : i32
      %dma_start3A_40 = tpu.memref_slice %arg3[%mul3A_2, %dma_start3A_39] : memref<10240x128xf32, #tpu.memory_space<hbm>> -> memref<320x128xf32, #tpu.memory_space<hbm>>
      tpu.enqueue_dma source(%dma_start3A_40 : memref<320x128xf32, #tpu.memory_space<hbm>>) target(%dma_start3A_38 : memref<320x128xf32, #tpu.memory_space<vmem>>) target_semaphore(%run_scoped3A : memref<!tpu.dma_semaphore, #tpu.memory_space<semaphore_mem>>)
      %dma_wait3A = arith.constant 0 : i32
      %dma_wait3A_41 = arith.constant 0 : i32
      %dma_wait3A_42 = tpu.memref_slice %arg8[%dma_wait3A, %dma_wait3A_41] : memref<321x128xf32, #tpu.memory_space<vmem>> -> memref<320x128xf32, #tpu.memory_space<vmem>>
      %dma_wait3A_43 = arith.constant 0 : i32
      %dma_wait3A_44 = tpu.memref_slice %arg3[%mul3A_2, %dma_wait3A_43] : memref<10240x128xf32, #tpu.memory_space<hbm>> -> memref<320x128xf32, #tpu.memory_space<hbm>>
      %dma_wait3A_45 = arith.constant 0 : i32
      %dma_wait3A_46 = arith.constant 0 : i32
      %dma_wait3A_47 = tpu.memref_slice %arg8[%dma_wait3A_45, %dma_wait3A_46] : memref<321x128xf32, #tpu.memory_space<vmem>> -> memref<320x128xf32, #tpu.memory_space<vmem>>
      %dma_wait3A_48 = arith.constant 0 : i32
      %dma_wait3A_49 = tpu.memref_slice %arg3[%mul3A_2, %dma_wait3A_48] : memref<10240x128xf32, #tpu.memory_space<hbm>> -> memref<320x128xf32, #tpu.memory_space<hbm>>
      tpu.wait_dma2 semaphore(%run_scoped3A : memref<!tpu.dma_semaphore, #tpu.memory_space<semaphore_mem>>) src(%dma_wait3A_49 : memref<320x128xf32, #tpu.memory_space<hbm>>) dst(%dma_wait3A_47 : memref<320x128xf32, #tpu.memory_space<vmem>>)
      tpu.yield
    }) : () -> ()
    %mul3A_3 = arith.constant 8 : i32
    %mul3A_4 = arith.muli %add3A, %mul3A_3 : i32
    "tpu.region"() ({
      %run_scoped3A = tpu.sem_alloc : memref<!tpu.dma_semaphore, #tpu.memory_space<semaphore_mem>>
      %dma_start3A = arith.constant 0 : i32
      %dma_start3A_32 = tpu.memref_slice %arg12[%dma_start3A] : memref<16xi32, #tpu.memory_space<vmem>> -> memref<8xi32, #tpu.memory_space<vmem>>
      %dma_start3A_33 = tpu.memref_slice %arg6[%mul3A_4] : memref<256xi32, #tpu.memory_space<hbm>> -> memref<8xi32, #tpu.memory_space<hbm>>
      %dma_start3A_34 = arith.constant 0 : i32
      %dma_start3A_35 = tpu.memref_slice %arg12[%dma_start3A_34] : memref<16xi32, #tpu.memory_space<vmem>> -> memref<8xi32, #tpu.memory_space<vmem>>
      %dma_start3A_36 = tpu.memref_slice %arg6[%mul3A_4] : memref<256xi32, #tpu.memory_space<hbm>> -> memref<8xi32, #tpu.memory_space<hbm>>
      tpu.enqueue_dma source(%dma_start3A_36 : memref<8xi32, #tpu.memory_space<hbm>>) target(%dma_start3A_35 : memref<8xi32, #tpu.memory_space<vmem>>) target_semaphore(%run_scoped3A : memref<!tpu.dma_semaphore, #tpu.memory_space<semaphore_mem>>)
      %dma_wait3A = arith.constant 0 : i32
      %dma_wait3A_37 = tpu.memref_slice %arg12[%dma_wait3A] : memref<16xi32, #tpu.memory_space<vmem>> -> memref<8xi32, #tpu.memory_space<vmem>>
      %dma_wait3A_38 = tpu.memref_slice %arg6[%mul3A_4] : memref<256xi32, #tpu.memory_space<hbm>> -> memref<8xi32, #tpu.memory_space<hbm>>
      %dma_wait3A_39 = arith.constant 0 : i32
      %dma_wait3A_40 = tpu.memref_slice %arg12[%dma_wait3A_39] : memref<16xi32, #tpu.memory_space<vmem>> -> memref<8xi32, #tpu.memory_space<vmem>>
      %dma_wait3A_41 = tpu.memref_slice %arg6[%mul3A_4] : memref<256xi32, #tpu.memory_space<hbm>> -> memref<8xi32, #tpu.memory_space<hbm>>
      tpu.wait_dma2 semaphore(%run_scoped3A : memref<!tpu.dma_semaphore, #tpu.memory_space<semaphore_mem>>) src(%dma_wait3A_41 : memref<8xi32, #tpu.memory_space<hbm>>) dst(%dma_wait3A_40 : memref<8xi32, #tpu.memory_space<vmem>>)
      tpu.yield
    }) : () -> ()
    %get3A = arith.constant 0 : index
    %get3A_5 = tpu.vector_load %arg12[%get3A] {strides = array<i32>} : memref<16xi32, #tpu.memory_space<vmem>>, vector<16xi32>,
    %slice3A = vector.extract_strided_slice %get3A_5 {offsets = [0], sizes = [1], strides = [1]} : vector<16xi32> to vector<1xi32>
    %squeeze3A = vector.extract %slice3A[0] : i32 from vector<1xi32>
    %add3A_6 = arith.constant 399 : i32
    %add3A_7 = arith.addi %squeeze3A, %add3A_6 : i32
    %jit3A = arith.constant 400 : i32
    %div3A = arith.divsi %add3A_7, %jit3A : i32
    %sign3A = arith.constant 0 : i32
    %sign3A_8 = arith.cmpi sgt, %add3A_7, %sign3A : i32
    %sign3A_9 = arith.extui %sign3A_8 : i1 to i32
    %sign3A_10 = arith.constant 0 : i32
    %sign3A_11 = arith.cmpi slt, %add3A_7, %sign3A_10 : i32
    %sign3A_12 = arith.extui %sign3A_11 : i1 to i32
    %sign3A_13 = arith.subi %sign3A_9, %sign3A_12 : i32
    %sign3A_14 = arith.constant 0 : i32
    %sign3A_15 = arith.cmpi sgt, %jit3A, %sign3A_14 : i32
    %sign3A_16 = arith.extui %sign3A_15 : i1 to i32
    %sign3A_17 = arith.constant 0 : i32
    %sign3A_18 = arith.cmpi slt, %jit3A, %sign3A_17 : i32
    %sign3A_19 = arith.extui %sign3A_18 : i1 to i32
    %sign3A_20 = arith.subi %sign3A_16, %sign3A_19 : i32
    %ne3A = arith.cmpi ne, %sign3A_13, %sign3A_20 : i32
    %rem3A = arith.remsi %add3A_7, %jit3A : i32
    %ne3A_21 = arith.constant 0 : i32
    %ne3A_22 = arith.cmpi ne, %rem3A, %ne3A_21 : i32
    %and3A = arith.andi %ne3A, %ne3A_22 : i1
    %sub3A = arith.constant 1 : i32
    %sub3A_23 = arith.subi %div3A, %sub3A : i32
    %select_n3A = arith.select %and3A, %sub3A_23, %div3A : i32
    %while3A = arith.constant 0 : i32
    %while3A_24 = arith.subi %select_n3A, %while3A : i32
    %while3A_25 = arith.addi %while3A, %while3A_24 : i32
    %while3A_26 = arith.constant 1 : i32
    %while3A_27 = arith.divsi %while3A_24, %while3A_26 : i32
    %while3A_28 = arith.muli %while3A_27, %while3A_26 : i32
    %while3A_29 = arith.addi %while3A, %while3A_28 : i32
    %while3A_30 = arith.constant 1 : i32
    scf.for %while3A_32 = %while3A to %while3A_29 step %while3A_30  : i32 {
      %mul3A_33 = arith.constant 16384 : i32
      %mul3A_34 = arith.muli %add3A, %mul3A_33 : i32
      %mul3A_35 = arith.constant 400 : i32
      %mul3A_36 = arith.muli %while3A_32, %mul3A_35 : i32
      %add3A_37 = arith.addi %mul3A_34, %mul3A_36 : i32
      "tpu.region"() ({
        %run_scoped3A = tpu.sem_alloc : memref<!tpu.dma_semaphore, #tpu.memory_space<semaphore_mem>>
        %dma_start3A_46 = tpu.memref_slice %arg4[%add3A_37] : memref<524288xi32, #tpu.memory_space<hbm>> -> memref<400xi32, #tpu.memory_space<hbm>>
        %dma_start3A_47 = tpu.memref_slice %arg4[%add3A_37] : memref<524288xi32, #tpu.memory_space<hbm>> -> memref<400xi32, #tpu.memory_space<hbm>>
        tpu.enqueue_dma source(%dma_start3A_47 : memref<400xi32, #tpu.memory_space<hbm>>) target(%arg9 : memref<400xi32, #tpu.memory_space<vmem>>) target_semaphore(%run_scoped3A : memref<!tpu.dma_semaphore, #tpu.memory_space<semaphore_mem>>)
        %dma_wait3A_48 = tpu.memref_slice %arg4[%add3A_37] : memref<524288xi32, #tpu.memory_space<hbm>> -> memref<400xi32, #tpu.memory_space<hbm>>
        %dma_wait3A_49 = tpu.memref_slice %arg4[%add3A_37] : memref<524288xi32, #tpu.memory_space<hbm>> -> memref<400xi32, #tpu.memory_space<hbm>>
        tpu.wait_dma2 semaphore(%run_scoped3A : memref<!tpu.dma_semaphore, #tpu.memory_space<semaphore_mem>>) src(%dma_wait3A_49 : memref<400xi32, #tpu.memory_space<hbm>>) dst(%arg9 : memref<400xi32, #tpu.memory_space<vmem>>)
        tpu.yield
      }) : () -> ()
      "tpu.region"() ({
        %run_scoped3A = tpu.sem_alloc : memref<!tpu.dma_semaphore, #tpu.memory_space<semaphore_mem>>
        %dma_start3A_46 = arith.constant 0 : i32
        %dma_start3A_47 = tpu.memref_slice %arg10[%dma_start3A_46] : memref<416xi32, #tpu.memory_space<vmem>> -> memref<400xi32, #tpu.memory_space<vmem>>
        %dma_start3A_48 = tpu.memref_slice %arg5[%add3A_37] : memref<524288xi32, #tpu.memory_space<hbm>> -> memref<400xi32, #tpu.memory_space<hbm>>
        %dma_start3A_49 = arith.constant 0 : i32
        %dma_start3A_50 = tpu.memref_slice %arg10[%dma_start3A_49] : memref<416xi32, #tpu.memory_space<vmem>> -> memref<400xi32, #tpu.memory_space<vmem>>
        %dma_start3A_51 = tpu.memref_slice %arg5[%add3A_37] : memref<524288xi32, #tpu.memory_space<hbm>> -> memref<400xi32, #tpu.memory_space<hbm>>
        tpu.enqueue_dma source(%dma_start3A_51 : memref<400xi32, #tpu.memory_space<hbm>>) target(%dma_start3A_50 : memref<400xi32, #tpu.memory_space<vmem>>) target_semaphore(%run_scoped3A : memref<!tpu.dma_semaphore, #tpu.memory_space<semaphore_mem>>)
        %dma_wait3A_52 = arith.constant 0 : i32
        %dma_wait3A_53 = tpu.memref_slice %arg10[%dma_wait3A_52] : memref<416xi32, #tpu.memory_space<vmem>> -> memref<400xi32, #tpu.memory_space<vmem>>
        %dma_wait3A_54 = tpu.memref_slice %arg5[%add3A_37] : memref<524288xi32, #tpu.memory_space<hbm>> -> memref<400xi32, #tpu.memory_space<hbm>>
        %dma_wait3A_55 = arith.constant 0 : i32
        %dma_wait3A_56 = tpu.memref_slice %arg10[%dma_wait3A_55] : memref<416xi32, #tpu.memory_space<vmem>> -> memref<400xi32, #tpu.memory_space<vmem>>
        %dma_wait3A_57 = tpu.memref_slice %arg5[%add3A_37] : memref<524288xi32, #tpu.memory_space<hbm>> -> memref<400xi32, #tpu.memory_space<hbm>>
        tpu.wait_dma2 semaphore(%run_scoped3A : memref<!tpu.dma_semaphore, #tpu.memory_space<semaphore_mem>>) src(%dma_wait3A_57 : memref<400xi32, #tpu.memory_space<hbm>>) dst(%dma_wait3A_56 : memref<400xi32, #tpu.memory_space<vmem>>)
        tpu.yield
      }) : () -> ()
      %dma_start3A = arith.constant 0 : i32
      %dma_start3A_38 = arith.constant 0 : i32
      %dma_start3A_39 = tpu.memref_slice %arg2[%dma_start3A, %dma_start3A_38] : memref<320000x128xf32, #tpu.memory_space<hbm>> -> memref<320000x128xf32, #tpu.memory_space<hbm>>
      tpu.enqueue_indirect_dma source(%dma_start3A_39 : memref<320000x128xf32, #tpu.memory_space<hbm>>) target(%arg11 : memref<400x128xf32, #tpu.memory_space<vmem>>) offsets(%arg9 : memref<400xi32, #tpu.memory_space<vmem>>) semaphore(%arg13 : memref<!tpu.dma_semaphore, #tpu.memory_space<semaphore_mem>>)
      %dma_wait3A = arith.constant 0 : i32
      %dma_wait3A_40 = arith.constant 0 : i32
      %dma_wait3A_41 = tpu.memref_slice %arg2[%dma_wait3A, %dma_wait3A_40] : memref<320000x128xf32, #tpu.memory_space<hbm>> -> memref<320000x128xf32, #tpu.memory_space<hbm>>
      tpu.wait_indirect_dma semaphore(%arg13 : memref<!tpu.dma_semaphore, #tpu.memory_space<semaphore_mem>>) src(%dma_wait3A_41 : memref<320000x128xf32, #tpu.memory_space<hbm>>) dst(%arg11 : memref<400x128xf32, #tpu.memory_space<vmem>>)
      %scan3A = arith.constant 0 : i32
      %scan3A_42 = arith.constant 400 : i32
      %scan3A_43 = arith.addi %scan3A, %scan3A_42 : i32
      %scan3A_44 = arith.constant 1 : i32
      scf.for %scan3A_46 = %scan3A to %scan3A_43 step %scan3A_44  : i32 {
        %get3A_47 = arith.index_cast %scan3A_46 : i32 to index
        %get3A_48 = tpu.vector_load %arg10[%get3A_47] {strides = array<i32>} : memref<416xi32, #tpu.memory_space<vmem>>, vector<16xi32>,
        %slice3A_49 = vector.extract_strided_slice %get3A_48 {offsets = [0], sizes = [1], strides = [1]} : vector<16xi32> to vector<1xi32>
        %squeeze3A_50 = vector.extract %slice3A_49[0] : i32 from vector<1xi32>
        %get3A_51 = arith.index_cast %squeeze3A_50 : i32 to index
        %get3A_52 = arith.constant 0 : index
        %get3A_53 = tpu.vector_load %arg8[%get3A_51, %get3A_52] {strides = array<i32>} : memref<321x128xf32, #tpu.memory_space<vmem>>, vector<16xf32>,
        %get3A_54 = arith.index_cast %scan3A_46 : i32 to index
        %get3A_55 = arith.constant 0 : index
        %get3A_56 = tpu.vector_load %arg11[%get3A_54, %get3A_55] {strides = array<i32>} : memref<400x128xf32, #tpu.memory_space<vmem>>, vector<16xf32>,
        %max3A = arith.maximumf %get3A_53, %get3A_56 : vector<16xf32>
        %swap3A = arith.index_cast %squeeze3A_50 : i32 to index
        %swap3A_57 = arith.constant 0 : index
        %swap3A_58 = tpu.vector_load %arg8[%swap3A, %swap3A_57] {strides = array<i32>} : memref<321x128xf32, #tpu.memory_space<vmem>>, vector<16xf32>,
        tpu.vector_store %arg8[%swap3A, %swap3A_57], %max3A {strides = array<i32>} : memref<321x128xf32, #tpu.memory_space<vmem>>, vector<16xf32>,
        %get3A_59 = arith.index_cast %squeeze3A_50 : i32 to index
        %get3A_60 = arith.constant 16 : index
        %get3A_61 = tpu.vector_load %arg8[%get3A_59, %get3A_60] {strides = array<i32>} : memref<321x128xf32, #tpu.memory_space<vmem>>, vector<16xf32>,
        %get3A_62 = arith.index_cast %scan3A_46 : i32 to index
        %get3A_63 = arith.constant 16 : index
        %get3A_64 = tpu.vector_load %arg11[%get3A_62, %get3A_63] {strides = array<i32>} : memref<400x128xf32, #tpu.memory_space<vmem>>, vector<16xf32>,
        %max3A_65 = arith.maximumf %get3A_61, %get3A_64 : vector<16xf32>
        %swap3A_66 = arith.index_cast %squeeze3A_50 : i32 to index
        %swap3A_67 = arith.constant 16 : index
        %swap3A_68 = tpu.vector_load %arg8[%swap3A_66, %swap3A_67] {strides = array<i32>} : memref<321x128xf32, #tpu.memory_space<vmem>>, vector<16xf32>,
        tpu.vector_store %arg8[%swap3A_66, %swap3A_67], %max3A_65 {strides = array<i32>} : memref<321x128xf32, #tpu.memory_space<vmem>>, vector<16xf32>,
        %get3A_69 = arith.index_cast %squeeze3A_50 : i32 to index
        %get3A_70 = arith.constant 32 : index
        %get3A_71 = tpu.vector_load %arg8[%get3A_69, %get3A_70] {strides = array<i32>} : memref<321x128xf32, #tpu.memory_space<vmem>>, vector<16xf32>,
        %get3A_72 = arith.index_cast %scan3A_46 : i32 to index
        %get3A_73 = arith.constant 32 : index
        %get3A_74 = tpu.vector_load %arg11[%get3A_72, %get3A_73] {strides = array<i32>} : memref<400x128xf32, #tpu.memory_space<vmem>>, vector<16xf32>,
        %max3A_75 = arith.maximumf %get3A_71, %get3A_74 : vector<16xf32>
        %swap3A_76 = arith.index_cast %squeeze3A_50 : i32 to index
        %swap3A_77 = arith.constant 32 : index
        %swap3A_78 = tpu.vector_load %arg8[%swap3A_76, %swap3A_77] {strides = array<i32>} : memref<321x128xf32, #tpu.memory_space<vmem>>, vector<16xf32>,
        tpu.vector_store %arg8[%swap3A_76, %swap3A_77], %max3A_75 {strides = array<i32>} : memref<321x128xf32, #tpu.memory_space<vmem>>, vector<16xf32>,
        %get3A_79 = arith.index_cast %squeeze3A_50 : i32 to index
        %get3A_80 = arith.constant 48 : index
        %get3A_81 = tpu.vector_load %arg8[%get3A_79, %get3A_80] {strides = array<i32>} : memref<321x128xf32, #tpu.memory_space<vmem>>, vector<16xf32>,
        %get3A_82 = arith.index_cast %scan3A_46 : i32 to index
        %get3A_83 = arith.constant 48 : index
        %get3A_84 = tpu.vector_load %arg11[%get3A_82, %get3A_83] {strides = array<i32>} : memref<400x128xf32, #tpu.memory_space<vmem>>, vector<16xf32>,
        %max3A_85 = arith.maximumf %get3A_81, %get3A_84 : vector<16xf32>
        %swap3A_86 = arith.index_cast %squeeze3A_50 : i32 to index
        %swap3A_87 = arith.constant 48 : index
        %swap3A_88 = tpu.vector_load %arg8[%swap3A_86, %swap3A_87] {strides = array<i32>} : memref<321x128xf32, #tpu.memory_space<vmem>>, vector<16xf32>,
        tpu.vector_store %arg8[%swap3A_86, %swap3A_87], %max3A_85 {strides = array<i32>} : memref<321x128xf32, #tpu.memory_space<vmem>>, vector<16xf32>,
        %get3A_89 = arith.index_cast %squeeze3A_50 : i32 to index
        %get3A_90 = arith.constant 64 : index
        %get3A_91 = tpu.vector_load %arg8[%get3A_89, %get3A_90] {strides = array<i32>} : memref<321x128xf32, #tpu.memory_space<vmem>>, vector<16xf32>,
        %get3A_92 = arith.index_cast %scan3A_46 : i32 to index
        %get3A_93 = arith.constant 64 : index
        %get3A_94 = tpu.vector_load %arg11[%get3A_92, %get3A_93] {strides = array<i32>} : memref<400x128xf32, #tpu.memory_space<vmem>>, vector<16xf32>,
        %max3A_95 = arith.maximumf %get3A_91, %get3A_94 : vector<16xf32>
        %swap3A_96 = arith.index_cast %squeeze3A_50 : i32 to index
        %swap3A_97 = arith.constant 64 : index
        %swap3A_98 = tpu.vector_load %arg8[%swap3A_96, %swap3A_97] {strides = array<i32>} : memref<321x128xf32, #tpu.memory_space<vmem>>, vector<16xf32>,
        tpu.vector_store %arg8[%swap3A_96, %swap3A_97], %max3A_95 {strides = array<i32>} : memref<321x128xf32, #tpu.memory_space<vmem>>, vector<16xf32>,
        %get3A_99 = arith.index_cast %squeeze3A_50 : i32 to index
        %get3A_100 = arith.constant 80 : index
        %get3A_101 = tpu.vector_load %arg8[%get3A_99, %get3A_100] {strides = array<i32>} : memref<321x128xf32, #tpu.memory_space<vmem>>, vector<16xf32>,
        %get3A_102 = arith.index_cast %scan3A_46 : i32 to index
        %get3A_103 = arith.constant 80 : index
        %get3A_104 = tpu.vector_load %arg11[%get3A_102, %get3A_103] {strides = array<i32>} : memref<400x128xf32, #tpu.memory_space<vmem>>, vector<16xf32>,
        %max3A_105 = arith.maximumf %get3A_101, %get3A_104 : vector<16xf32>
        %swap3A_106 = arith.index_cast %squeeze3A_50 : i32 to index
        %swap3A_107 = arith.constant 80 : index
        %swap3A_108 = tpu.vector_load %arg8[%swap3A_106, %swap3A_107] {strides = array<i32>} : memref<321x128xf32, #tpu.memory_space<vmem>>, vector<16xf32>,
        tpu.vector_store %arg8[%swap3A_106, %swap3A_107], %max3A_105 {strides = array<i32>} : memref<321x128xf32, #tpu.memory_space<vmem>>, vector<16xf32>,
        %get3A_109 = arith.index_cast %squeeze3A_50 : i32 to index
        %get3A_110 = arith.constant 96 : index
        %get3A_111 = tpu.vector_load %arg8[%get3A_109, %get3A_110] {strides = array<i32>} : memref<321x128xf32, #tpu.memory_space<vmem>>, vector<16xf32>,
        %get3A_112 = arith.index_cast %scan3A_46 : i32 to index
        %get3A_113 = arith.constant 96 : index
        %get3A_114 = tpu.vector_load %arg11[%get3A_112, %get3A_113] {strides = array<i32>} : memref<400x128xf32, #tpu.memory_space<vmem>>, vector<16xf32>,
        %max3A_115 = arith.maximumf %get3A_111, %get3A_114 : vector<16xf32>
        %swap3A_116 = arith.index_cast %squeeze3A_50 : i32 to index
        %swap3A_117 = arith.constant 96 : index
        %swap3A_118 = tpu.vector_load %arg8[%swap3A_116, %swap3A_117] {strides = array<i32>} : memref<321x128xf32, #tpu.memory_space<vmem>>, vector<16xf32>,
        tpu.vector_store %arg8[%swap3A_116, %swap3A_117], %max3A_115 {strides = array<i32>} : memref<321x128xf32, #tpu.memory_space<vmem>>, vector<16xf32>,
        %get3A_119 = arith.index_cast %squeeze3A_50 : i32 to index
        %get3A_120 = arith.constant 112 : index
        %get3A_121 = tpu.vector_load %arg8[%get3A_119, %get3A_120] {strides = array<i32>} : memref<321x128xf32, #tpu.memory_space<vmem>>, vector<16xf32>,
        %get3A_122 = arith.index_cast %scan3A_46 : i32 to index
        %get3A_123 = arith.constant 112 : index
        %get3A_124 = tpu.vector_load %arg11[%get3A_122, %get3A_123] {strides = array<i32>} : memref<400x128xf32, #tpu.memory_space<vmem>>, vector<16xf32>,
        %max3A_125 = arith.maximumf %get3A_121, %get3A_124 : vector<16xf32>
        %swap3A_126 = arith.index_cast %squeeze3A_50 : i32 to index
        %swap3A_127 = arith.constant 112 : index
        %swap3A_128 = tpu.vector_load %arg8[%swap3A_126, %swap3A_127] {strides = array<i32>} : memref<321x128xf32, #tpu.memory_space<vmem>>, vector<16xf32>,
        tpu.vector_store %arg8[%swap3A_126, %swap3A_127], %max3A_125 {strides = array<i32>} : memref<321x128xf32, #tpu.memory_space<vmem>>, vector<16xf32>,
      }
      %scan3A_45 = arith.constant 400 : i32
    }
    %while3A_31 = arith.constant 1 : i32
    scf.for %while3A_32 = %while3A_29 to %while3A_25 step %while3A_31  : i32 {
      %mul3A_33 = arith.constant 16384 : i32
      %mul3A_34 = arith.muli %add3A, %mul3A_33 : i32
      %mul3A_35 = arith.constant 400 : i32
      %mul3A_36 = arith.muli %while3A_32, %mul3A_35 : i32
      %add3A_37 = arith.addi %mul3A_34, %mul3A_36 : i32
      "tpu.region"() ({
        %run_scoped3A = tpu.sem_alloc : memref<!tpu.dma_semaphore, #tpu.memory_space<semaphore_mem>>
        %dma_start3A_46 = tpu.memref_slice %arg4[%add3A_37] : memref<524288xi32, #tpu.memory_space<hbm>> -> memref<400xi32, #tpu.memory_space<hbm>>
        %dma_start3A_47 = tpu.memref_slice %arg4[%add3A_37] : memref<524288xi32, #tpu.memory_space<hbm>> -> memref<400xi32, #tpu.memory_space<hbm>>
        tpu.enqueue_dma source(%dma_start3A_47 : memref<400xi32, #tpu.memory_space<hbm>>) target(%arg9 : memref<400xi32, #tpu.memory_space<vmem>>) target_semaphore(%run_scoped3A : memref<!tpu.dma_semaphore, #tpu.memory_space<semaphore_mem>>)
        %dma_wait3A_48 = tpu.memref_slice %arg4[%add3A_37] : memref<524288xi32, #tpu.memory_space<hbm>> -> memref<400xi32, #tpu.memory_space<hbm>>
        %dma_wait3A_49 = tpu.memref_slice %arg4[%add3A_37] : memref<524288xi32, #tpu.memory_space<hbm>> -> memref<400xi32, #tpu.memory_space<hbm>>
        tpu.wait_dma2 semaphore(%run_scoped3A : memref<!tpu.dma_semaphore, #tpu.memory_space<semaphore_mem>>) src(%dma_wait3A_49 : memref<400xi32, #tpu.memory_space<hbm>>) dst(%arg9 : memref<400xi32, #tpu.memory_space<vmem>>)
        tpu.yield
      }) : () -> ()
      "tpu.region"() ({
        %run_scoped3A = tpu.sem_alloc : memref<!tpu.dma_semaphore, #tpu.memory_space<semaphore_mem>>
        %dma_start3A_46 = arith.constant 0 : i32
        %dma_start3A_47 = tpu.memref_slice %arg10[%dma_start3A_46] : memref<416xi32, #tpu.memory_space<vmem>> -> memref<400xi32, #tpu.memory_space<vmem>>
        %dma_start3A_48 = tpu.memref_slice %arg5[%add3A_37] : memref<524288xi32, #tpu.memory_space<hbm>> -> memref<400xi32, #tpu.memory_space<hbm>>
        %dma_start3A_49 = arith.constant 0 : i32
        %dma_start3A_50 = tpu.memref_slice %arg10[%dma_start3A_49] : memref<416xi32, #tpu.memory_space<vmem>> -> memref<400xi32, #tpu.memory_space<vmem>>
        %dma_start3A_51 = tpu.memref_slice %arg5[%add3A_37] : memref<524288xi32, #tpu.memory_space<hbm>> -> memref<400xi32, #tpu.memory_space<hbm>>
        tpu.enqueue_dma source(%dma_start3A_51 : memref<400xi32, #tpu.memory_space<hbm>>) target(%dma_start3A_50 : memref<400xi32, #tpu.memory_space<vmem>>) target_semaphore(%run_scoped3A : memref<!tpu.dma_semaphore, #tpu.memory_space<semaphore_mem>>)
        %dma_wait3A_52 = arith.constant 0 : i32
        %dma_wait3A_53 = tpu.memref_slice %arg10[%dma_wait3A_52] : memref<416xi32, #tpu.memory_space<vmem>> -> memref<400xi32, #tpu.memory_space<vmem>>
        %dma_wait3A_54 = tpu.memref_slice %arg5[%add3A_37] : memref<524288xi32, #tpu.memory_space<hbm>> -> memref<400xi32, #tpu.memory_space<hbm>>
        %dma_wait3A_55 = arith.constant 0 : i32
        %dma_wait3A_56 = tpu.memref_slice %arg10[%dma_wait3A_55] : memref<416xi32, #tpu.memory_space<vmem>> -> memref<400xi32, #tpu.memory_space<vmem>>
        %dma_wait3A_57 = tpu.memref_slice %arg5[%add3A_37] : memref<524288xi32, #tpu.memory_space<hbm>> -> memref<400xi32, #tpu.memory_space<hbm>>
        tpu.wait_dma2 semaphore(%run_scoped3A : memref<!tpu.dma_semaphore, #tpu.memory_space<semaphore_mem>>) src(%dma_wait3A_57 : memref<400xi32, #tpu.memory_space<hbm>>) dst(%dma_wait3A_56 : memref<400xi32, #tpu.memory_space<vmem>>)
        tpu.yield
      }) : () -> ()
      %dma_start3A = arith.constant 0 : i32
      %dma_start3A_38 = arith.constant 0 : i32
      %dma_start3A_39 = tpu.memref_slice %arg2[%dma_start3A, %dma_start3A_38] : memref<320000x128xf32, #tpu.memory_space<hbm>> -> memref<320000x128xf32, #tpu.memory_space<hbm>>
      tpu.enqueue_indirect_dma source(%dma_start3A_39 : memref<320000x128xf32, #tpu.memory_space<hbm>>) target(%arg11 : memref<400x128xf32, #tpu.memory_space<vmem>>) offsets(%arg9 : memref<400xi32, #tpu.memory_space<vmem>>) semaphore(%arg13 : memref<!tpu.dma_semaphore, #tpu.memory_space<semaphore_mem>>)
      %dma_wait3A = arith.constant 0 : i32
      %dma_wait3A_40 = arith.constant 0 : i32
      %dma_wait3A_41 = tpu.memref_slice %arg2[%dma_wait3A, %dma_wait3A_40] : memref<320000x128xf32, #tpu.memory_space<hbm>> -> memref<320000x128xf32, #tpu.memory_space<hbm>>
      tpu.wait_indirect_dma semaphore(%arg13 : memref<!tpu.dma_semaphore, #tpu.memory_space<semaphore_mem>>) src(%dma_wait3A_41 : memref<320000x128xf32, #tpu.memory_space<hbm>>) dst(%arg11 : memref<400x128xf32, #tpu.memory_space<vmem>>)
      %scan3A = arith.constant 0 : i32
      %scan3A_42 = arith.constant 400 : i32
      %scan3A_43 = arith.addi %scan3A, %scan3A_42 : i32
      %scan3A_44 = arith.constant 1 : i32
      scf.for %scan3A_46 = %scan3A to %scan3A_43 step %scan3A_44  : i32 {
        %get3A_47 = arith.index_cast %scan3A_46 : i32 to index
        %get3A_48 = tpu.vector_load %arg10[%get3A_47] {strides = array<i32>} : memref<416xi32, #tpu.memory_space<vmem>>, vector<16xi32>,
        %slice3A_49 = vector.extract_strided_slice %get3A_48 {offsets = [0], sizes = [1], strides = [1]} : vector<16xi32> to vector<1xi32>
        %squeeze3A_50 = vector.extract %slice3A_49[0] : i32 from vector<1xi32>
        %get3A_51 = arith.index_cast %squeeze3A_50 : i32 to index
        %get3A_52 = arith.constant 0 : index
        %get3A_53 = tpu.vector_load %arg8[%get3A_51, %get3A_52] {strides = array<i32>} : memref<321x128xf32, #tpu.memory_space<vmem>>, vector<16xf32>,
        %get3A_54 = arith.index_cast %scan3A_46 : i32 to index
        %get3A_55 = arith.constant 0 : index
        %get3A_56 = tpu.vector_load %arg11[%get3A_54, %get3A_55] {strides = array<i32>} : memref<400x128xf32, #tpu.memory_space<vmem>>, vector<16xf32>,
        %max3A = arith.maximumf %get3A_53, %get3A_56 : vector<16xf32>
        %swap3A = arith.index_cast %squeeze3A_50 : i32 to index
        %swap3A_57 = arith.constant 0 : index
        %swap3A_58 = tpu.vector_load %arg8[%swap3A, %swap3A_57] {strides = array<i32>} : memref<321x128xf32, #tpu.memory_space<vmem>>, vector<16xf32>,
        tpu.vector_store %arg8[%swap3A, %swap3A_57], %max3A {strides = array<i32>} : memref<321x128xf32, #tpu.memory_space<vmem>>, vector<16xf32>,
        %get3A_59 = arith.index_cast %squeeze3A_50 : i32 to index
        %get3A_60 = arith.constant 16 : index
        %get3A_61 = tpu.vector_load %arg8[%get3A_59, %get3A_60] {strides = array<i32>} : memref<321x128xf32, #tpu.memory_space<vmem>>, vector<16xf32>,
        %get3A_62 = arith.index_cast %scan3A_46 : i32 to index
        %get3A_63 = arith.constant 16 : index
        %get3A_64 = tpu.vector_load %arg11[%get3A_62, %get3A_63] {strides = array<i32>} : memref<400x128xf32, #tpu.memory_space<vmem>>, vector<16xf32>,
        %max3A_65 = arith.maximumf %get3A_61, %get3A_64 : vector<16xf32>
        %swap3A_66 = arith.index_cast %squeeze3A_50 : i32 to index
        %swap3A_67 = arith.constant 16 : index
        %swap3A_68 = tpu.vector_load %arg8[%swap3A_66, %swap3A_67] {strides = array<i32>} : memref<321x128xf32, #tpu.memory_space<vmem>>, vector<16xf32>,
        tpu.vector_store %arg8[%swap3A_66, %swap3A_67], %max3A_65 {strides = array<i32>} : memref<321x128xf32, #tpu.memory_space<vmem>>, vector<16xf32>,
        %get3A_69 = arith.index_cast %squeeze3A_50 : i32 to index
        %get3A_70 = arith.constant 32 : index
        %get3A_71 = tpu.vector_load %arg8[%get3A_69, %get3A_70] {strides = array<i32>} : memref<321x128xf32, #tpu.memory_space<vmem>>, vector<16xf32>,
        %get3A_72 = arith.index_cast %scan3A_46 : i32 to index
        %get3A_73 = arith.constant 32 : index
        %get3A_74 = tpu.vector_load %arg11[%get3A_72, %get3A_73] {strides = array<i32>} : memref<400x128xf32, #tpu.memory_space<vmem>>, vector<16xf32>,
        %max3A_75 = arith.maximumf %get3A_71, %get3A_74 : vector<16xf32>
        %swap3A_76 = arith.index_cast %squeeze3A_50 : i32 to index
        %swap3A_77 = arith.constant 32 : index
        %swap3A_78 = tpu.vector_load %arg8[%swap3A_76, %swap3A_77] {strides = array<i32>} : memref<321x128xf32, #tpu.memory_space<vmem>>, vector<16xf32>,
        tpu.vector_store %arg8[%swap3A_76, %swap3A_77], %max3A_75 {strides = array<i32>} : memref<321x128xf32, #tpu.memory_space<vmem>>, vector<16xf32>,
        %get3A_79 = arith.index_cast %squeeze3A_50 : i32 to index
        %get3A_80 = arith.constant 48 : index
        %get3A_81 = tpu.vector_load %arg8[%get3A_79, %get3A_80] {strides = array<i32>} : memref<321x128xf32, #tpu.memory_space<vmem>>, vector<16xf32>,
        %get3A_82 = arith.index_cast %scan3A_46 : i32 to index
        %get3A_83 = arith.constant 48 : index
        %get3A_84 = tpu.vector_load %arg11[%get3A_82, %get3A_83] {strides = array<i32>} : memref<400x128xf32, #tpu.memory_space<vmem>>, vector<16xf32>,
        %max3A_85 = arith.maximumf %get3A_81, %get3A_84 : vector<16xf32>
        %swap3A_86 = arith.index_cast %squeeze3A_50 : i32 to index
        %swap3A_87 = arith.constant 48 : index
        %swap3A_88 = tpu.vector_load %arg8[%swap3A_86, %swap3A_87] {strides = array<i32>} : memref<321x128xf32, #tpu.memory_space<vmem>>, vector<16xf32>,
        tpu.vector_store %arg8[%swap3A_86, %swap3A_87], %max3A_85 {strides = array<i32>} : memref<321x128xf32, #tpu.memory_space<vmem>>, vector<16xf32>,
        %get3A_89 = arith.index_cast %squeeze3A_50 : i32 to index
        %get3A_90 = arith.constant 64 : index
        %get3A_91 = tpu.vector_load %arg8[%get3A_89, %get3A_90] {strides = array<i32>} : memref<321x128xf32, #tpu.memory_space<vmem>>, vector<16xf32>,
        %get3A_92 = arith.index_cast %scan3A_46 : i32 to index
        %get3A_93 = arith.constant 64 : index
        %get3A_94 = tpu.vector_load %arg11[%get3A_92, %get3A_93] {strides = array<i32>} : memref<400x128xf32, #tpu.memory_space<vmem>>, vector<16xf32>,
        %max3A_95 = arith.maximumf %get3A_91, %get3A_94 : vector<16xf32>
        %swap3A_96 = arith.index_cast %squeeze3A_50 : i32 to index
        %swap3A_97 = arith.constant 64 : index
        %swap3A_98 = tpu.vector_load %arg8[%swap3A_96, %swap3A_97] {strides = array<i32>} : memref<321x128xf32, #tpu.memory_space<vmem>>, vector<16xf32>,
        tpu.vector_store %arg8[%swap3A_96, %swap3A_97], %max3A_95 {strides = array<i32>} : memref<321x128xf32, #tpu.memory_space<vmem>>, vector<16xf32>,
        %get3A_99 = arith.index_cast %squeeze3A_50 : i32 to index
        %get3A_100 = arith.constant 80 : index
        %get3A_101 = tpu.vector_load %arg8[%get3A_99, %get3A_100] {strides = array<i32>} : memref<321x128xf32, #tpu.memory_space<vmem>>, vector<16xf32>,
        %get3A_102 = arith.index_cast %scan3A_46 : i32 to index
        %get3A_103 = arith.constant 80 : index
        %get3A_104 = tpu.vector_load %arg11[%get3A_102, %get3A_103] {strides = array<i32>} : memref<400x128xf32, #tpu.memory_space<vmem>>, vector<16xf32>,
        %max3A_105 = arith.maximumf %get3A_101, %get3A_104 : vector<16xf32>
        %swap3A_106 = arith.index_cast %squeeze3A_50 : i32 to index
        %swap3A_107 = arith.constant 80 : index
        %swap3A_108 = tpu.vector_load %arg8[%swap3A_106, %swap3A_107] {strides = array<i32>} : memref<321x128xf32, #tpu.memory_space<vmem>>, vector<16xf32>,
        tpu.vector_store %arg8[%swap3A_106, %swap3A_107], %max3A_105 {strides = array<i32>} : memref<321x128xf32, #tpu.memory_space<vmem>>, vector<16xf32>,
        %get3A_109 = arith.index_cast %squeeze3A_50 : i32 to index
        %get3A_110 = arith.constant 96 : index
        %get3A_111 = tpu.vector_load %arg8[%get3A_109, %get3A_110] {strides = array<i32>} : memref<321x128xf32, #tpu.memory_space<vmem>>, vector<16xf32>,
        %get3A_112 = arith.index_cast %scan3A_46 : i32 to index
        %get3A_113 = arith.constant 96 : index
        %get3A_114 = tpu.vector_load %arg11[%get3A_112, %get3A_113] {strides = array<i32>} : memref<400x128xf32, #tpu.memory_space<vmem>>, vector<16xf32>,
        %max3A_115 = arith.maximumf %get3A_111, %get3A_114 : vector<16xf32>
        %swap3A_116 = arith.index_cast %squeeze3A_50 : i32 to index
        %swap3A_117 = arith.constant 96 : index
        %swap3A_118 = tpu.vector_load %arg8[%swap3A_116, %swap3A_117] {strides = array<i32>} : memref<321x128xf32, #tpu.memory_space<vmem>>, vector<16xf32>,
        tpu.vector_store %arg8[%swap3A_116, %swap3A_117], %max3A_115 {strides = array<i32>} : memref<321x128xf32, #tpu.memory_space<vmem>>, vector<16xf32>,
        %get3A_119 = arith.index_cast %squeeze3A_50 : i32 to index
        %get3A_120 = arith.constant 112 : index
        %get3A_121 = tpu.vector_load %arg8[%get3A_119, %get3A_120] {strides = array<i32>} : memref<321x128xf32, #tpu.memory_space<vmem>>, vector<16xf32>,
        %get3A_122 = arith.index_cast %scan3A_46 : i32 to index
        %get3A_123 = arith.constant 112 : index
        %get3A_124 = tpu.vector_load %arg11[%get3A_122, %get3A_123] {strides = array<i32>} : memref<400x128xf32, #tpu.memory_space<vmem>>, vector<16xf32>,
        %max3A_125 = arith.maximumf %get3A_121, %get3A_124 : vector<16xf32>
        %swap3A_126 = arith.index_cast %squeeze3A_50 : i32 to index
        %swap3A_127 = arith.constant 112 : index
        %swap3A_128 = tpu.vector_load %arg8[%swap3A_126, %swap3A_127] {strides = array<i32>} : memref<321x128xf32, #tpu.memory_space<vmem>>, vector<16xf32>,
        tpu.vector_store %arg8[%swap3A_126, %swap3A_127], %max3A_125 {strides = array<i32>} : memref<321x128xf32, #tpu.memory_space<vmem>>, vector<16xf32>,
      }
      %scan3A_45 = arith.constant 400 : i32
    }
    "tpu.region"() ({
      %run_scoped3A = tpu.sem_alloc : memref<!tpu.dma_semaphore, #tpu.memory_space<semaphore_mem>>
      %dma_start3A = arith.constant 0 : i32
      %dma_start3A_32 = arith.constant 0 : i32
      %dma_start3A_33 = tpu.memref_slice %arg8[%dma_start3A, %dma_start3A_32] : memref<321x128xf32, #tpu.memory_space<vmem>> -> memref<320x128xf32, #tpu.memory_space<vmem>>
      %dma_start3A_34 = arith.constant 0 : i32
      %dma_start3A_35 = tpu.memref_slice %arg7[%mul3A_2, %dma_start3A_34] : memref<10240x128xf32, #tpu.memory_space<hbm>> -> memref<320x128xf32, #tpu.memory_space<hbm>>
      %dma_start3A_36 = arith.constant 0 : i32
      %dma_start3A_37 = tpu.memref_slice %arg7[%mul3A_2, %dma_start3A_36] : memref<10240x128xf32, #tpu.memory_space<hbm>> -> memref<320x128xf32, #tpu.memory_space<hbm>>
      %dma_start3A_38 = arith.constant 0 : i32
      %dma_start3A_39 = arith.constant 0 : i32
      %dma_start3A_40 = tpu.memref_slice %arg8[%dma_start3A_38, %dma_start3A_39] : memref<321x128xf32, #tpu.memory_space<vmem>> -> memref<320x128xf32, #tpu.memory_space<vmem>>
      tpu.enqueue_dma source(%dma_start3A_40 : memref<320x128xf32, #tpu.memory_space<vmem>>) target(%dma_start3A_37 : memref<320x128xf32, #tpu.memory_space<hbm>>) target_semaphore(%run_scoped3A : memref<!tpu.dma_semaphore, #tpu.memory_space<semaphore_mem>>)
      %dma_wait3A = arith.constant 0 : i32
      %dma_wait3A_41 = arith.constant 0 : i32
      %dma_wait3A_42 = tpu.memref_slice %arg8[%dma_wait3A, %dma_wait3A_41] : memref<321x128xf32, #tpu.memory_space<vmem>> -> memref<320x128xf32, #tpu.memory_space<vmem>>
      %dma_wait3A_43 = arith.constant 0 : i32
      %dma_wait3A_44 = tpu.memref_slice %arg7[%mul3A_2, %dma_wait3A_43] : memref<10240x128xf32, #tpu.memory_space<hbm>> -> memref<320x128xf32, #tpu.memory_space<hbm>>
      %dma_wait3A_45 = arith.constant 0 : i32
      %dma_wait3A_46 = tpu.memref_slice %arg7[%mul3A_2, %dma_wait3A_45] : memref<10240x128xf32, #tpu.memory_space<hbm>> -> memref<320x128xf32, #tpu.memory_space<hbm>>
      %dma_wait3A_47 = arith.constant 0 : i32
      %dma_wait3A_48 = arith.constant 0 : i32
      %dma_wait3A_49 = tpu.memref_slice %arg8[%dma_wait3A_47, %dma_wait3A_48] : memref<321x128xf32, #tpu.memory_space<vmem>> -> memref<320x128xf32, #tpu.memory_space<vmem>>
      tpu.wait_dma2 semaphore(%run_scoped3A : memref<!tpu.dma_semaphore, #tpu.memory_space<semaphore_mem>>) src(%dma_wait3A_49 : memref<320x128xf32, #tpu.memory_space<vmem>>) dst(%dma_wait3A_46 : memref<320x128xf32, #tpu.memory_space<hbm>>)
      tpu.yield
    }) : () -> ()
    return
  }
}

#map = affine_map<(d0, d1) -> (0, 0)>
#map1 = affine_map<(d0, d1) -> (0)>
module attributes {stable_mosaic.version = 14 : i64} {
  func.func @k(%arg0: i32, %arg1: i32, %arg2: memref<320000x128xf32, #tpu.memory_space<hbm>>, %arg3: memref<10240x128xf32, #tpu.memory_space<hbm>>, %arg4: memref<524288xi32, #tpu.memory_space<hbm>>, %arg5: memref<524288xi32, #tpu.memory_space<hbm>>, %arg6: memref<256xi32, #tpu.memory_space<hbm>>, %arg7: memref<10240x128xf32, #tpu.memory_space<hbm>>, %arg8: memref<321x128xf32, #tpu.memory_space<vmem>>, %arg9: memref<400xi32, #tpu.memory_space<vmem>>, %arg10: memref<416xi32, #tpu.memory_space<vmem>>, %arg11: memref<400x128xf32, #tpu.memory_space<vmem>>, %arg12: memref<16xi32, #tpu.memory_space<vmem>>, %arg13: memref<!tpu.dma_semaphore, #tpu.memory_space<semaphore_mem>>) attributes {dimension_semantics = [#tpu.dimension_semantics<core_parallel>, #tpu.dimension_semantics<subcore_parallel>], iteration_bounds = array<i64: 2, 16>, scalar_prefetch = 0 : i64, scratch_operands = 6 : i64, tpu.core_type = #tpu.core_type<sc_vector_subcore>, window_params = [{transform_indices = #map}, {transform_indices = #map}, {transform_indices = #map1}, {transform_indices = #map1}, {transform_indices = #map1}, {transform_indices = #map}]} {
    %mul3A = arith.constant 2 : i32
    %mul3A_0 = arith.muli %arg1, %mul3A : i32
    %add3A = arith.addi %mul3A_0, %arg0 : i32
    %mul3A_1 = arith.constant 320 : i32
    %mul3A_2 = arith.muli %add3A, %mul3A_1 : i32
    "tpu.region"() ({
      %run_scoped3A = tpu.sem_alloc : memref<!tpu.dma_semaphore, #tpu.memory_space<semaphore_mem>>
      %dma_start3A = arith.constant 0 : i32
      %dma_start3A_32 = arith.constant 0 : i32
      %dma_start3A_33 = tpu.memref_slice %arg8[%dma_start3A, %dma_start3A_32] : memref<321x128xf32, #tpu.memory_space<vmem>> -> memref<320x128xf32, #tpu.memory_space<vmem>>
      %dma_start3A_34 = arith.constant 0 : i32
      %dma_start3A_35 = tpu.memref_slice %arg3[%mul3A_2, %dma_start3A_34] : memref<10240x128xf32, #tpu.memory_space<hbm>> -> memref<320x128xf32, #tpu.memory_space<hbm>>
      %dma_start3A_36 = arith.constant 0 : i32
      %dma_start3A_37 = arith.constant 0 : i32
      %dma_start3A_38 = tpu.memref_slice %arg8[%dma_start3A_36, %dma_start3A_37] : memref<321x128xf32, #tpu.memory_space<vmem>> -> memref<320x128xf32, #tpu.memory_space<vmem>>
      %dma_start3A_39 = arith.constant 0 : i32
      %dma_start3A_40 = tpu.memref_slice %arg3[%mul3A_2, %dma_start3A_39] : memref<10240x128xf32, #tpu.memory_space<hbm>> -> memref<320x128xf32, #tpu.memory_space<hbm>>
      tpu.enqueue_dma source(%dma_start3A_40 : memref<320x128xf32, #tpu.memory_space<hbm>>) target(%dma_start3A_38 : memref<320x128xf32, #tpu.memory_space<vmem>>) target_semaphore(%run_scoped3A : memref<!tpu.dma_semaphore, #tpu.memory_space<semaphore_mem>>)
      %dma_wait3A = arith.constant 0 : i32
      %dma_wait3A_41 = arith.constant 0 : i32
      %dma_wait3A_42 = tpu.memref_slice %arg8[%dma_wait3A, %dma_wait3A_41] : memref<321x128xf32, #tpu.memory_space<vmem>> -> memref<320x128xf32, #tpu.memory_space<vmem>>
      %dma_wait3A_43 = arith.constant 0 : i32
      %dma_wait3A_44 = tpu.memref_slice %arg3[%mul3A_2, %dma_wait3A_43] : memref<10240x128xf32, #tpu.memory_space<hbm>> -> memref<320x128xf32, #tpu.memory_space<hbm>>
      %dma_wait3A_45 = arith.constant 0 : i32
      %dma_wait3A_46 = arith.constant 0 : i32
      %dma_wait3A_47 = tpu.memref_slice %arg8[%dma_wait3A_45, %dma_wait3A_46] : memref<321x128xf32, #tpu.memory_space<vmem>> -> memref<320x128xf32, #tpu.memory_space<vmem>>
      %dma_wait3A_48 = arith.constant 0 : i32
      %dma_wait3A_49 = tpu.memref_slice %arg3[%mul3A_2, %dma_wait3A_48] : memref<10240x128xf32, #tpu.memory_space<hbm>> -> memref<320x128xf32, #tpu.memory_space<hbm>>
      tpu.wait_dma2 semaphore(%run_scoped3A : memref<!tpu.dma_semaphore, #tpu.memory_space<semaphore_mem>>) src(%dma_wait3A_49 : memref<320x128xf32, #tpu.memory_space<hbm>>) dst(%dma_wait3A_47 : memref<320x128xf32, #tpu.memory_space<vmem>>)
      tpu.yield
    }) : () -> ()
    %mul3A_3 = arith.constant 8 : i32
    %mul3A_4 = arith.muli %add3A, %mul3A_3 : i32
    "tpu.region"() ({
      %run_scoped3A = tpu.sem_alloc : memref<!tpu.dma_semaphore, #tpu.memory_space<semaphore_mem>>
      %dma_start3A = arith.constant 0 : i32
      %dma_start3A_32 = tpu.memref_slice %arg12[%dma_start3A] : memref<16xi32, #tpu.memory_space<vmem>> -> memref<8xi32, #tpu.memory_space<vmem>>
      %dma_start3A_33 = tpu.memref_slice %arg6[%mul3A_4] : memref<256xi32, #tpu.memory_space<hbm>> -> memref<8xi32, #tpu.memory_space<hbm>>
      %dma_start3A_34 = arith.constant 0 : i32
      %dma_start3A_35 = tpu.memref_slice %arg12[%dma_start3A_34] : memref<16xi32, #tpu.memory_space<vmem>> -> memref<8xi32, #tpu.memory_space<vmem>>
      %dma_start3A_36 = tpu.memref_slice %arg6[%mul3A_4] : memref<256xi32, #tpu.memory_space<hbm>> -> memref<8xi32, #tpu.memory_space<hbm>>
      tpu.enqueue_dma source(%dma_start3A_36 : memref<8xi32, #tpu.memory_space<hbm>>) target(%dma_start3A_35 : memref<8xi32, #tpu.memory_space<vmem>>) target_semaphore(%run_scoped3A : memref<!tpu.dma_semaphore, #tpu.memory_space<semaphore_mem>>)
      %dma_wait3A = arith.constant 0 : i32
      %dma_wait3A_37 = tpu.memref_slice %arg12[%dma_wait3A] : memref<16xi32, #tpu.memory_space<vmem>> -> memref<8xi32, #tpu.memory_space<vmem>>
      %dma_wait3A_38 = tpu.memref_slice %arg6[%mul3A_4] : memref<256xi32, #tpu.memory_space<hbm>> -> memref<8xi32, #tpu.memory_space<hbm>>
      %dma_wait3A_39 = arith.constant 0 : i32
      %dma_wait3A_40 = tpu.memref_slice %arg12[%dma_wait3A_39] : memref<16xi32, #tpu.memory_space<vmem>> -> memref<8xi32, #tpu.memory_space<vmem>>
      %dma_wait3A_41 = tpu.memref_slice %arg6[%mul3A_4] : memref<256xi32, #tpu.memory_space<hbm>> -> memref<8xi32, #tpu.memory_space<hbm>>
      tpu.wait_dma2 semaphore(%run_scoped3A : memref<!tpu.dma_semaphore, #tpu.memory_space<semaphore_mem>>) src(%dma_wait3A_41 : memref<8xi32, #tpu.memory_space<hbm>>) dst(%dma_wait3A_40 : memref<8xi32, #tpu.memory_space<vmem>>)
      tpu.yield
    }) : () -> ()
    %get3A = arith.constant 0 : index
    %get3A_5 = tpu.vector_load %arg12[%get3A] {strides = array<i32>} : memref<16xi32, #tpu.memory_space<vmem>>, vector<16xi32>,
    %slice3A = vector.extract_strided_slice %get3A_5 {offsets = [0], sizes = [1], strides = [1]} : vector<16xi32> to vector<1xi32>
    %squeeze3A = vector.extract %slice3A[0] : i32 from vector<1xi32>
    %add3A_6 = arith.constant 399 : i32
    %add3A_7 = arith.addi %squeeze3A, %add3A_6 : i32
    %jit3A = arith.constant 400 : i32
    %div3A = arith.divsi %add3A_7, %jit3A : i32
    %sign3A = arith.constant 0 : i32
    %sign3A_8 = arith.cmpi sgt, %add3A_7, %sign3A : i32
    %sign3A_9 = arith.extui %sign3A_8 : i1 to i32
    %sign3A_10 = arith.constant 0 : i32
    %sign3A_11 = arith.cmpi slt, %add3A_7, %sign3A_10 : i32
    %sign3A_12 = arith.extui %sign3A_11 : i1 to i32
    %sign3A_13 = arith.subi %sign3A_9, %sign3A_12 : i32
    %sign3A_14 = arith.constant 0 : i32
    %sign3A_15 = arith.cmpi sgt, %jit3A, %sign3A_14 : i32
    %sign3A_16 = arith.extui %sign3A_15 : i1 to i32
    %sign3A_17 = arith.constant 0 : i32
    %sign3A_18 = arith.cmpi slt, %jit3A, %sign3A_17 : i32
    %sign3A_19 = arith.extui %sign3A_18 : i1 to i32
    %sign3A_20 = arith.subi %sign3A_16, %sign3A_19 : i32
    %ne3A = arith.cmpi ne, %sign3A_13, %sign3A_20 : i32
    %rem3A = arith.remsi %add3A_7, %jit3A : i32
    %ne3A_21 = arith.constant 0 : i32
    %ne3A_22 = arith.cmpi ne, %rem3A, %ne3A_21 : i32
    %and3A = arith.andi %ne3A, %ne3A_22 : i1
    %sub3A = arith.constant 1 : i32
    %sub3A_23 = arith.subi %div3A, %sub3A : i32
    %select_n3A = arith.select %and3A, %sub3A_23, %div3A : i32
    %while3A = arith.constant 0 : i32
    %while3A_24 = arith.subi %select_n3A, %while3A : i32
    %while3A_25 = arith.addi %while3A, %while3A_24 : i32
    %while3A_26 = arith.constant 1 : i32
    %while3A_27 = arith.divsi %while3A_24, %while3A_26 : i32
    %while3A_28 = arith.muli %while3A_27, %while3A_26 : i32
    %while3A_29 = arith.addi %while3A, %while3A_28 : i32
    %while3A_30 = arith.constant 1 : i32
    scf.for %while3A_32 = %while3A to %while3A_29 step %while3A_30  : i32 {
      %mul3A_33 = arith.constant 16384 : i32
      %mul3A_34 = arith.muli %add3A, %mul3A_33 : i32
      %mul3A_35 = arith.constant 400 : i32
      %mul3A_36 = arith.muli %while3A_32, %mul3A_35 : i32
      %add3A_37 = arith.addi %mul3A_34, %mul3A_36 : i32
      "tpu.region"() ({
        %run_scoped3A = tpu.sem_alloc : memref<!tpu.dma_semaphore, #tpu.memory_space<semaphore_mem>>
        %dma_start3A_46 = tpu.memref_slice %arg4[%add3A_37] : memref<524288xi32, #tpu.memory_space<hbm>> -> memref<400xi32, #tpu.memory_space<hbm>>
        %dma_start3A_47 = tpu.memref_slice %arg4[%add3A_37] : memref<524288xi32, #tpu.memory_space<hbm>> -> memref<400xi32, #tpu.memory_space<hbm>>
        tpu.enqueue_dma source(%dma_start3A_47 : memref<400xi32, #tpu.memory_space<hbm>>) target(%arg9 : memref<400xi32, #tpu.memory_space<vmem>>) target_semaphore(%run_scoped3A : memref<!tpu.dma_semaphore, #tpu.memory_space<semaphore_mem>>)
        %dma_wait3A_48 = tpu.memref_slice %arg4[%add3A_37] : memref<524288xi32, #tpu.memory_space<hbm>> -> memref<400xi32, #tpu.memory_space<hbm>>
        %dma_wait3A_49 = tpu.memref_slice %arg4[%add3A_37] : memref<524288xi32, #tpu.memory_space<hbm>> -> memref<400xi32, #tpu.memory_space<hbm>>
        tpu.wait_dma2 semaphore(%run_scoped3A : memref<!tpu.dma_semaphore, #tpu.memory_space<semaphore_mem>>) src(%dma_wait3A_49 : memref<400xi32, #tpu.memory_space<hbm>>) dst(%arg9 : memref<400xi32, #tpu.memory_space<vmem>>)
        tpu.yield
      }) : () -> ()
      "tpu.region"() ({
        %run_scoped3A = tpu.sem_alloc : memref<!tpu.dma_semaphore, #tpu.memory_space<semaphore_mem>>
        %dma_start3A_46 = arith.constant 0 : i32
        %dma_start3A_47 = tpu.memref_slice %arg10[%dma_start3A_46] : memref<416xi32, #tpu.memory_space<vmem>> -> memref<400xi32, #tpu.memory_space<vmem>>
        %dma_start3A_48 = tpu.memref_slice %arg5[%add3A_37] : memref<524288xi32, #tpu.memory_space<hbm>> -> memref<400xi32, #tpu.memory_space<hbm>>
        %dma_start3A_49 = arith.constant 0 : i32
        %dma_start3A_50 = tpu.memref_slice %arg10[%dma_start3A_49] : memref<416xi32, #tpu.memory_space<vmem>> -> memref<400xi32, #tpu.memory_space<vmem>>
        %dma_start3A_51 = tpu.memref_slice %arg5[%add3A_37] : memref<524288xi32, #tpu.memory_space<hbm>> -> memref<400xi32, #tpu.memory_space<hbm>>
        tpu.enqueue_dma source(%dma_start3A_51 : memref<400xi32, #tpu.memory_space<hbm>>) target(%dma_start3A_50 : memref<400xi32, #tpu.memory_space<vmem>>) target_semaphore(%run_scoped3A : memref<!tpu.dma_semaphore, #tpu.memory_space<semaphore_mem>>)
        %dma_wait3A_52 = arith.constant 0 : i32
        %dma_wait3A_53 = tpu.memref_slice %arg10[%dma_wait3A_52] : memref<416xi32, #tpu.memory_space<vmem>> -> memref<400xi32, #tpu.memory_space<vmem>>
        %dma_wait3A_54 = tpu.memref_slice %arg5[%add3A_37] : memref<524288xi32, #tpu.memory_space<hbm>> -> memref<400xi32, #tpu.memory_space<hbm>>
        %dma_wait3A_55 = arith.constant 0 : i32
        %dma_wait3A_56 = tpu.memref_slice %arg10[%dma_wait3A_55] : memref<416xi32, #tpu.memory_space<vmem>> -> memref<400xi32, #tpu.memory_space<vmem>>
        %dma_wait3A_57 = tpu.memref_slice %arg5[%add3A_37] : memref<524288xi32, #tpu.memory_space<hbm>> -> memref<400xi32, #tpu.memory_space<hbm>>
        tpu.wait_dma2 semaphore(%run_scoped3A : memref<!tpu.dma_semaphore, #tpu.memory_space<semaphore_mem>>) src(%dma_wait3A_57 : memref<400xi32, #tpu.memory_space<hbm>>) dst(%dma_wait3A_56 : memref<400xi32, #tpu.memory_space<vmem>>)
        tpu.yield
      }) : () -> ()
      %dma_start3A = arith.constant 0 : i32
      %dma_start3A_38 = arith.constant 0 : i32
      %dma_start3A_39 = tpu.memref_slice %arg2[%dma_start3A, %dma_start3A_38] : memref<320000x128xf32, #tpu.memory_space<hbm>> -> memref<320000x128xf32, #tpu.memory_space<hbm>>
      tpu.enqueue_indirect_dma source(%dma_start3A_39 : memref<320000x128xf32, #tpu.memory_space<hbm>>) target(%arg11 : memref<400x128xf32, #tpu.memory_space<vmem>>) offsets(%arg9 : memref<400xi32, #tpu.memory_space<vmem>>) semaphore(%arg13 : memref<!tpu.dma_semaphore, #tpu.memory_space<semaphore_mem>>)
      %dma_wait3A = arith.constant 0 : i32
      %dma_wait3A_40 = arith.constant 0 : i32
      %dma_wait3A_41 = tpu.memref_slice %arg2[%dma_wait3A, %dma_wait3A_40] : memref<320000x128xf32, #tpu.memory_space<hbm>> -> memref<320000x128xf32, #tpu.memory_space<hbm>>
      tpu.wait_indirect_dma semaphore(%arg13 : memref<!tpu.dma_semaphore, #tpu.memory_space<semaphore_mem>>) src(%dma_wait3A_41 : memref<320000x128xf32, #tpu.memory_space<hbm>>) dst(%arg11 : memref<400x128xf32, #tpu.memory_space<vmem>>)
      %scan3A = arith.constant 0 : i32
      %scan3A_42 = arith.constant 400 : i32
      %scan3A_43 = arith.addi %scan3A, %scan3A_42 : i32
      %scan3A_44 = arith.constant 1 : i32
      scf.for %scan3A_46 = %scan3A to %scan3A_43 step %scan3A_44  : i32 {
        %get3A_47 = arith.index_cast %scan3A_46 : i32 to index
        %get3A_48 = tpu.vector_load %arg10[%get3A_47] {strides = array<i32>} : memref<416xi32, #tpu.memory_space<vmem>>, vector<16xi32>,
        %slice3A_49 = vector.extract_strided_slice %get3A_48 {offsets = [0], sizes = [1], strides = [1]} : vector<16xi32> to vector<1xi32>
        %squeeze3A_50 = vector.extract %slice3A_49[0] : i32 from vector<1xi32>
        %get3A_51 = arith.index_cast %squeeze3A_50 : i32 to index
        %get3A_52 = arith.constant 0 : index
        %get3A_53 = tpu.vector_load %arg8[%get3A_51, %get3A_52] {strides = array<i32>} : memref<321x128xf32, #tpu.memory_space<vmem>>, vector<16xf32>,
        %get3A_54 = arith.index_cast %scan3A_46 : i32 to index
        %get3A_55 = arith.constant 0 : index
        %get3A_56 = tpu.vector_load %arg11[%get3A_54, %get3A_55] {strides = array<i32>} : memref<400x128xf32, #tpu.memory_space<vmem>>, vector<16xf32>,
        %max3A = arith.maximumf %get3A_53, %get3A_56 : vector<16xf32>
        %swap3A = arith.index_cast %squeeze3A_50 : i32 to index
        %swap3A_57 = arith.constant 0 : index
        %swap3A_58 = tpu.vector_load %arg8[%swap3A, %swap3A_57] {strides = array<i32>} : memref<321x128xf32, #tpu.memory_space<vmem>>, vector<16xf32>,
        tpu.vector_store %arg8[%swap3A, %swap3A_57], %max3A {strides = array<i32>} : memref<321x128xf32, #tpu.memory_space<vmem>>, vector<16xf32>,
        %get3A_59 = arith.index_cast %squeeze3A_50 : i32 to index
        %get3A_60 = arith.constant 16 : index
        %get3A_61 = tpu.vector_load %arg8[%get3A_59, %get3A_60] {strides = array<i32>} : memref<321x128xf32, #tpu.memory_space<vmem>>, vector<16xf32>,
        %get3A_62 = arith.index_cast %scan3A_46 : i32 to index
        %get3A_63 = arith.constant 16 : index
        %get3A_64 = tpu.vector_load %arg11[%get3A_62, %get3A_63] {strides = array<i32>} : memref<400x128xf32, #tpu.memory_space<vmem>>, vector<16xf32>,
        %max3A_65 = arith.maximumf %get3A_61, %get3A_64 : vector<16xf32>
        %swap3A_66 = arith.index_cast %squeeze3A_50 : i32 to index
        %swap3A_67 = arith.constant 16 : index
        %swap3A_68 = tpu.vector_load %arg8[%swap3A_66, %swap3A_67] {strides = array<i32>} : memref<321x128xf32, #tpu.memory_space<vmem>>, vector<16xf32>,
        tpu.vector_store %arg8[%swap3A_66, %swap3A_67], %max3A_65 {strides = array<i32>} : memref<321x128xf32, #tpu.memory_space<vmem>>, vector<16xf32>,
        %get3A_69 = arith.index_cast %squeeze3A_50 : i32 to index
        %get3A_70 = arith.constant 32 : index
        %get3A_71 = tpu.vector_load %arg8[%get3A_69, %get3A_70] {strides = array<i32>} : memref<321x128xf32, #tpu.memory_space<vmem>>, vector<16xf32>,
        %get3A_72 = arith.index_cast %scan3A_46 : i32 to index
        %get3A_73 = arith.constant 32 : index
        %get3A_74 = tpu.vector_load %arg11[%get3A_72, %get3A_73] {strides = array<i32>} : memref<400x128xf32, #tpu.memory_space<vmem>>, vector<16xf32>,
        %max3A_75 = arith.maximumf %get3A_71, %get3A_74 : vector<16xf32>
        %swap3A_76 = arith.index_cast %squeeze3A_50 : i32 to index
        %swap3A_77 = arith.constant 32 : index
        %swap3A_78 = tpu.vector_load %arg8[%swap3A_76, %swap3A_77] {strides = array<i32>} : memref<321x128xf32, #tpu.memory_space<vmem>>, vector<16xf32>,
        tpu.vector_store %arg8[%swap3A_76, %swap3A_77], %max3A_75 {strides = array<i32>} : memref<321x128xf32, #tpu.memory_space<vmem>>, vector<16xf32>,
        %get3A_79 = arith.index_cast %squeeze3A_50 : i32 to index
        %get3A_80 = arith.constant 48 : index
        %get3A_81 = tpu.vector_load %arg8[%get3A_79, %get3A_80] {strides = array<i32>} : memref<321x128xf32, #tpu.memory_space<vmem>>, vector<16xf32>,
        %get3A_82 = arith.index_cast %scan3A_46 : i32 to index
        %get3A_83 = arith.constant 48 : index
        %get3A_84 = tpu.vector_load %arg11[%get3A_82, %get3A_83] {strides = array<i32>} : memref<400x128xf32, #tpu.memory_space<vmem>>, vector<16xf32>,
        %max3A_85 = arith.maximumf %get3A_81, %get3A_84 : vector<16xf32>
        %swap3A_86 = arith.index_cast %squeeze3A_50 : i32 to index
        %swap3A_87 = arith.constant 48 : index
        %swap3A_88 = tpu.vector_load %arg8[%swap3A_86, %swap3A_87] {strides = array<i32>} : memref<321x128xf32, #tpu.memory_space<vmem>>, vector<16xf32>,
        tpu.vector_store %arg8[%swap3A_86, %swap3A_87], %max3A_85 {strides = array<i32>} : memref<321x128xf32, #tpu.memory_space<vmem>>, vector<16xf32>,
        %get3A_89 = arith.index_cast %squeeze3A_50 : i32 to index
        %get3A_90 = arith.constant 64 : index
        %get3A_91 = tpu.vector_load %arg8[%get3A_89, %get3A_90] {strides = array<i32>} : memref<321x128xf32, #tpu.memory_space<vmem>>, vector<16xf32>,
        %get3A_92 = arith.index_cast %scan3A_46 : i32 to index
        %get3A_93 = arith.constant 64 : index
        %get3A_94 = tpu.vector_load %arg11[%get3A_92, %get3A_93] {strides = array<i32>} : memref<400x128xf32, #tpu.memory_space<vmem>>, vector<16xf32>,
        %max3A_95 = arith.maximumf %get3A_91, %get3A_94 : vector<16xf32>
        %swap3A_96 = arith.index_cast %squeeze3A_50 : i32 to index
        %swap3A_97 = arith.constant 64 : index
        %swap3A_98 = tpu.vector_load %arg8[%swap3A_96, %swap3A_97] {strides = array<i32>} : memref<321x128xf32, #tpu.memory_space<vmem>>, vector<16xf32>,
        tpu.vector_store %arg8[%swap3A_96, %swap3A_97], %max3A_95 {strides = array<i32>} : memref<321x128xf32, #tpu.memory_space<vmem>>, vector<16xf32>,
        %get3A_99 = arith.index_cast %squeeze3A_50 : i32 to index
        %get3A_100 = arith.constant 80 : index
        %get3A_101 = tpu.vector_load %arg8[%get3A_99, %get3A_100] {strides = array<i32>} : memref<321x128xf32, #tpu.memory_space<vmem>>, vector<16xf32>,
        %get3A_102 = arith.index_cast %scan3A_46 : i32 to index
        %get3A_103 = arith.constant 80 : index
        %get3A_104 = tpu.vector_load %arg11[%get3A_102, %get3A_103] {strides = array<i32>} : memref<400x128xf32, #tpu.memory_space<vmem>>, vector<16xf32>,
        %max3A_105 = arith.maximumf %get3A_101, %get3A_104 : vector<16xf32>
        %swap3A_106 = arith.index_cast %squeeze3A_50 : i32 to index
        %swap3A_107 = arith.constant 80 : index
        %swap3A_108 = tpu.vector_load %arg8[%swap3A_106, %swap3A_107] {strides = array<i32>} : memref<321x128xf32, #tpu.memory_space<vmem>>, vector<16xf32>,
        tpu.vector_store %arg8[%swap3A_106, %swap3A_107], %max3A_105 {strides = array<i32>} : memref<321x128xf32, #tpu.memory_space<vmem>>, vector<16xf32>,
        %get3A_109 = arith.index_cast %squeeze3A_50 : i32 to index
        %get3A_110 = arith.constant 96 : index
        %get3A_111 = tpu.vector_load %arg8[%get3A_109, %get3A_110] {strides = array<i32>} : memref<321x128xf32, #tpu.memory_space<vmem>>, vector<16xf32>,
        %get3A_112 = arith.index_cast %scan3A_46 : i32 to index
        %get3A_113 = arith.constant 96 : index
        %get3A_114 = tpu.vector_load %arg11[%get3A_112, %get3A_113] {strides = array<i32>} : memref<400x128xf32, #tpu.memory_space<vmem>>, vector<16xf32>,
        %max3A_115 = arith.maximumf %get3A_111, %get3A_114 : vector<16xf32>
        %swap3A_116 = arith.index_cast %squeeze3A_50 : i32 to index
        %swap3A_117 = arith.constant 96 : index
        %swap3A_118 = tpu.vector_load %arg8[%swap3A_116, %swap3A_117] {strides = array<i32>} : memref<321x128xf32, #tpu.memory_space<vmem>>, vector<16xf32>,
        tpu.vector_store %arg8[%swap3A_116, %swap3A_117], %max3A_115 {strides = array<i32>} : memref<321x128xf32, #tpu.memory_space<vmem>>, vector<16xf32>,
        %get3A_119 = arith.index_cast %squeeze3A_50 : i32 to index
        %get3A_120 = arith.constant 112 : index
        %get3A_121 = tpu.vector_load %arg8[%get3A_119, %get3A_120] {strides = array<i32>} : memref<321x128xf32, #tpu.memory_space<vmem>>, vector<16xf32>,
        %get3A_122 = arith.index_cast %scan3A_46 : i32 to index
        %get3A_123 = arith.constant 112 : index
        %get3A_124 = tpu.vector_load %arg11[%get3A_122, %get3A_123] {strides = array<i32>} : memref<400x128xf32, #tpu.memory_space<vmem>>, vector<16xf32>,
        %max3A_125 = arith.maximumf %get3A_121, %get3A_124 : vector<16xf32>
        %swap3A_126 = arith.index_cast %squeeze3A_50 : i32 to index
        %swap3A_127 = arith.constant 112 : index
        %swap3A_128 = tpu.vector_load %arg8[%swap3A_126, %swap3A_127] {strides = array<i32>} : memref<321x128xf32, #tpu.memory_space<vmem>>, vector<16xf32>,
        tpu.vector_store %arg8[%swap3A_126, %swap3A_127], %max3A_125 {strides = array<i32>} : memref<321x128xf32, #tpu.memory_space<vmem>>, vector<16xf32>,
      }
      %scan3A_45 = arith.constant 400 : i32
    }
    %while3A_31 = arith.constant 1 : i32
    scf.for %while3A_32 = %while3A_29 to %while3A_25 step %while3A_31  : i32 {
      %mul3A_33 = arith.constant 16384 : i32
      %mul3A_34 = arith.muli %add3A, %mul3A_33 : i32
      %mul3A_35 = arith.constant 400 : i32
      %mul3A_36 = arith.muli %while3A_32, %mul3A_35 : i32
      %add3A_37 = arith.addi %mul3A_34, %mul3A_36 : i32
      "tpu.region"() ({
        %run_scoped3A = tpu.sem_alloc : memref<!tpu.dma_semaphore, #tpu.memory_space<semaphore_mem>>
        %dma_start3A_46 = tpu.memref_slice %arg4[%add3A_37] : memref<524288xi32, #tpu.memory_space<hbm>> -> memref<400xi32, #tpu.memory_space<hbm>>
        %dma_start3A_47 = tpu.memref_slice %arg4[%add3A_37] : memref<524288xi32, #tpu.memory_space<hbm>> -> memref<400xi32, #tpu.memory_space<hbm>>
        tpu.enqueue_dma source(%dma_start3A_47 : memref<400xi32, #tpu.memory_space<hbm>>) target(%arg9 : memref<400xi32, #tpu.memory_space<vmem>>) target_semaphore(%run_scoped3A : memref<!tpu.dma_semaphore, #tpu.memory_space<semaphore_mem>>)
        %dma_wait3A_48 = tpu.memref_slice %arg4[%add3A_37] : memref<524288xi32, #tpu.memory_space<hbm>> -> memref<400xi32, #tpu.memory_space<hbm>>
        %dma_wait3A_49 = tpu.memref_slice %arg4[%add3A_37] : memref<524288xi32, #tpu.memory_space<hbm>> -> memref<400xi32, #tpu.memory_space<hbm>>
        tpu.wait_dma2 semaphore(%run_scoped3A : memref<!tpu.dma_semaphore, #tpu.memory_space<semaphore_mem>>) src(%dma_wait3A_49 : memref<400xi32, #tpu.memory_space<hbm>>) dst(%arg9 : memref<400xi32, #tpu.memory_space<vmem>>)
        tpu.yield
      }) : () -> ()
      "tpu.region"() ({
        %run_scoped3A = tpu.sem_alloc : memref<!tpu.dma_semaphore, #tpu.memory_space<semaphore_mem>>
        %dma_start3A_46 = arith.constant 0 : i32
        %dma_start3A_47 = tpu.memref_slice %arg10[%dma_start3A_46] : memref<416xi32, #tpu.memory_space<vmem>> -> memref<400xi32, #tpu.memory_space<vmem>>
        %dma_start3A_48 = tpu.memref_slice %arg5[%add3A_37] : memref<524288xi32, #tpu.memory_space<hbm>> -> memref<400xi32, #tpu.memory_space<hbm>>
        %dma_start3A_49 = arith.constant 0 : i32
        %dma_start3A_50 = tpu.memref_slice %arg10[%dma_start3A_49] : memref<416xi32, #tpu.memory_space<vmem>> -> memref<400xi32, #tpu.memory_space<vmem>>
        %dma_start3A_51 = tpu.memref_slice %arg5[%add3A_37] : memref<524288xi32, #tpu.memory_space<hbm>> -> memref<400xi32, #tpu.memory_space<hbm>>
        tpu.enqueue_dma source(%dma_start3A_51 : memref<400xi32, #tpu.memory_space<hbm>>) target(%dma_start3A_50 : memref<400xi32, #tpu.memory_space<vmem>>) target_semaphore(%run_scoped3A : memref<!tpu.dma_semaphore, #tpu.memory_space<semaphore_mem>>)
        %dma_wait3A_52 = arith.constant 0 : i32
        %dma_wait3A_53 = tpu.memref_slice %arg10[%dma_wait3A_52] : memref<416xi32, #tpu.memory_space<vmem>> -> memref<400xi32, #tpu.memory_space<vmem>>
        %dma_wait3A_54 = tpu.memref_slice %arg5[%add3A_37] : memref<524288xi32, #tpu.memory_space<hbm>> -> memref<400xi32, #tpu.memory_space<hbm>>
        %dma_wait3A_55 = arith.constant 0 : i32
        %dma_wait3A_56 = tpu.memref_slice %arg10[%dma_wait3A_55] : memref<416xi32, #tpu.memory_space<vmem>> -> memref<400xi32, #tpu.memory_space<vmem>>
        %dma_wait3A_57 = tpu.memref_slice %arg5[%add3A_37] : memref<524288xi32, #tpu.memory_space<hbm>> -> memref<400xi32, #tpu.memory_space<hbm>>
        tpu.wait_dma2 semaphore(%run_scoped3A : memref<!tpu.dma_semaphore, #tpu.memory_space<semaphore_mem>>) src(%dma_wait3A_57 : memref<400xi32, #tpu.memory_space<hbm>>) dst(%dma_wait3A_56 : memref<400xi32, #tpu.memory_space<vmem>>)
        tpu.yield
      }) : () -> ()
      %dma_start3A = arith.constant 0 : i32
      %dma_start3A_38 = arith.constant 0 : i32
      %dma_start3A_39 = tpu.memref_slice %arg2[%dma_start3A, %dma_start3A_38] : memref<320000x128xf32, #tpu.memory_space<hbm>> -> memref<320000x128xf32, #tpu.memory_space<hbm>>
      tpu.enqueue_indirect_dma source(%dma_start3A_39 : memref<320000x128xf32, #tpu.memory_space<hbm>>) target(%arg11 : memref<400x128xf32, #tpu.memory_space<vmem>>) offsets(%arg9 : memref<400xi32, #tpu.memory_space<vmem>>) semaphore(%arg13 : memref<!tpu.dma_semaphore, #tpu.memory_space<semaphore_mem>>)
      %dma_wait3A = arith.constant 0 : i32
      %dma_wait3A_40 = arith.constant 0 : i32
      %dma_wait3A_41 = tpu.memref_slice %arg2[%dma_wait3A, %dma_wait3A_40] : memref<320000x128xf32, #tpu.memory_space<hbm>> -> memref<320000x128xf32, #tpu.memory_space<hbm>>
      tpu.wait_indirect_dma semaphore(%arg13 : memref<!tpu.dma_semaphore, #tpu.memory_space<semaphore_mem>>) src(%dma_wait3A_41 : memref<320000x128xf32, #tpu.memory_space<hbm>>) dst(%arg11 : memref<400x128xf32, #tpu.memory_space<vmem>>)
      %scan3A = arith.constant 0 : i32
      %scan3A_42 = arith.constant 400 : i32
      %scan3A_43 = arith.addi %scan3A, %scan3A_42 : i32
      %scan3A_44 = arith.constant 1 : i32
      scf.for %scan3A_46 = %scan3A to %scan3A_43 step %scan3A_44  : i32 {
        %get3A_47 = arith.index_cast %scan3A_46 : i32 to index
        %get3A_48 = tpu.vector_load %arg10[%get3A_47] {strides = array<i32>} : memref<416xi32, #tpu.memory_space<vmem>>, vector<16xi32>,
        %slice3A_49 = vector.extract_strided_slice %get3A_48 {offsets = [0], sizes = [1], strides = [1]} : vector<16xi32> to vector<1xi32>
        %squeeze3A_50 = vector.extract %slice3A_49[0] : i32 from vector<1xi32>
        %get3A_51 = arith.index_cast %squeeze3A_50 : i32 to index
        %get3A_52 = arith.constant 0 : index
        %get3A_53 = tpu.vector_load %arg8[%get3A_51, %get3A_52] {strides = array<i32>} : memref<321x128xf32, #tpu.memory_space<vmem>>, vector<16xf32>,
        %get3A_54 = arith.index_cast %scan3A_46 : i32 to index
        %get3A_55 = arith.constant 0 : index
        %get3A_56 = tpu.vector_load %arg11[%get3A_54, %get3A_55] {strides = array<i32>} : memref<400x128xf32, #tpu.memory_space<vmem>>, vector<16xf32>,
        %max3A = arith.maximumf %get3A_53, %get3A_56 : vector<16xf32>
        %swap3A = arith.index_cast %squeeze3A_50 : i32 to index
        %swap3A_57 = arith.constant 0 : index
        %swap3A_58 = tpu.vector_load %arg8[%swap3A, %swap3A_57] {strides = array<i32>} : memref<321x128xf32, #tpu.memory_space<vmem>>, vector<16xf32>,
        tpu.vector_store %arg8[%swap3A, %swap3A_57], %max3A {strides = array<i32>} : memref<321x128xf32, #tpu.memory_space<vmem>>, vector<16xf32>,
        %get3A_59 = arith.index_cast %squeeze3A_50 : i32 to index
        %get3A_60 = arith.constant 16 : index
        %get3A_61 = tpu.vector_load %arg8[%get3A_59, %get3A_60] {strides = array<i32>} : memref<321x128xf32, #tpu.memory_space<vmem>>, vector<16xf32>,
        %get3A_62 = arith.index_cast %scan3A_46 : i32 to index
        %get3A_63 = arith.constant 16 : index
        %get3A_64 = tpu.vector_load %arg11[%get3A_62, %get3A_63] {strides = array<i32>} : memref<400x128xf32, #tpu.memory_space<vmem>>, vector<16xf32>,
        %max3A_65 = arith.maximumf %get3A_61, %get3A_64 : vector<16xf32>
        %swap3A_66 = arith.index_cast %squeeze3A_50 : i32 to index
        %swap3A_67 = arith.constant 16 : index
        %swap3A_68 = tpu.vector_load %arg8[%swap3A_66, %swap3A_67] {strides = array<i32>} : memref<321x128xf32, #tpu.memory_space<vmem>>, vector<16xf32>,
        tpu.vector_store %arg8[%swap3A_66, %swap3A_67], %max3A_65 {strides = array<i32>} : memref<321x128xf32, #tpu.memory_space<vmem>>, vector<16xf32>,
        %get3A_69 = arith.index_cast %squeeze3A_50 : i32 to index
        %get3A_70 = arith.constant 32 : index
        %get3A_71 = tpu.vector_load %arg8[%get3A_69, %get3A_70] {strides = array<i32>} : memref<321x128xf32, #tpu.memory_space<vmem>>, vector<16xf32>,
        %get3A_72 = arith.index_cast %scan3A_46 : i32 to index
        %get3A_73 = arith.constant 32 : index
        %get3A_74 = tpu.vector_load %arg11[%get3A_72, %get3A_73] {strides = array<i32>} : memref<400x128xf32, #tpu.memory_space<vmem>>, vector<16xf32>,
        %max3A_75 = arith.maximumf %get3A_71, %get3A_74 : vector<16xf32>
        %swap3A_76 = arith.index_cast %squeeze3A_50 : i32 to index
        %swap3A_77 = arith.constant 32 : index
        %swap3A_78 = tpu.vector_load %arg8[%swap3A_76, %swap3A_77] {strides = array<i32>} : memref<321x128xf32, #tpu.memory_space<vmem>>, vector<16xf32>,
        tpu.vector_store %arg8[%swap3A_76, %swap3A_77], %max3A_75 {strides = array<i32>} : memref<321x128xf32, #tpu.memory_space<vmem>>, vector<16xf32>,
        %get3A_79 = arith.index_cast %squeeze3A_50 : i32 to index
        %get3A_80 = arith.constant 48 : index
        %get3A_81 = tpu.vector_load %arg8[%get3A_79, %get3A_80] {strides = array<i32>} : memref<321x128xf32, #tpu.memory_space<vmem>>, vector<16xf32>,
        %get3A_82 = arith.index_cast %scan3A_46 : i32 to index
        %get3A_83 = arith.constant 48 : index
        %get3A_84 = tpu.vector_load %arg11[%get3A_82, %get3A_83] {strides = array<i32>} : memref<400x128xf32, #tpu.memory_space<vmem>>, vector<16xf32>,
        %max3A_85 = arith.maximumf %get3A_81, %get3A_84 : vector<16xf32>
        %swap3A_86 = arith.index_cast %squeeze3A_50 : i32 to index
        %swap3A_87 = arith.constant 48 : index
        %swap3A_88 = tpu.vector_load %arg8[%swap3A_86, %swap3A_87] {strides = array<i32>} : memref<321x128xf32, #tpu.memory_space<vmem>>, vector<16xf32>,
        tpu.vector_store %arg8[%swap3A_86, %swap3A_87], %max3A_85 {strides = array<i32>} : memref<321x128xf32, #tpu.memory_space<vmem>>, vector<16xf32>,
        %get3A_89 = arith.index_cast %squeeze3A_50 : i32 to index
        %get3A_90 = arith.constant 64 : index
        %get3A_91 = tpu.vector_load %arg8[%get3A_89, %get3A_90] {strides = array<i32>} : memref<321x128xf32, #tpu.memory_space<vmem>>, vector<16xf32>,
        %get3A_92 = arith.index_cast %scan3A_46 : i32 to index
        %get3A_93 = arith.constant 64 : index
        %get3A_94 = tpu.vector_load %arg11[%get3A_92, %get3A_93] {strides = array<i32>} : memref<400x128xf32, #tpu.memory_space<vmem>>, vector<16xf32>,
        %max3A_95 = arith.maximumf %get3A_91, %get3A_94 : vector<16xf32>
        %swap3A_96 = arith.index_cast %squeeze3A_50 : i32 to index
        %swap3A_97 = arith.constant 64 : index
        %swap3A_98 = tpu.vector_load %arg8[%swap3A_96, %swap3A_97] {strides = array<i32>} : memref<321x128xf32, #tpu.memory_space<vmem>>, vector<16xf32>,
        tpu.vector_store %arg8[%swap3A_96, %swap3A_97], %max3A_95 {strides = array<i32>} : memref<321x128xf32, #tpu.memory_space<vmem>>, vector<16xf32>,
        %get3A_99 = arith.index_cast %squeeze3A_50 : i32 to index
        %get3A_100 = arith.constant 80 : index
        %get3A_101 = tpu.vector_load %arg8[%get3A_99, %get3A_100] {strides = array<i32>} : memref<321x128xf32, #tpu.memory_space<vmem>>, vector<16xf32>,
        %get3A_102 = arith.index_cast %scan3A_46 : i32 to index
        %get3A_103 = arith.constant 80 : index
        %get3A_104 = tpu.vector_load %arg11[%get3A_102, %get3A_103] {strides = array<i32>} : memref<400x128xf32, #tpu.memory_space<vmem>>, vector<16xf32>,
        %max3A_105 = arith.maximumf %get3A_101, %get3A_104 : vector<16xf32>
        %swap3A_106 = arith.index_cast %squeeze3A_50 : i32 to index
        %swap3A_107 = arith.constant 80 : index
        %swap3A_108 = tpu.vector_load %arg8[%swap3A_106, %swap3A_107] {strides = array<i32>} : memref<321x128xf32, #tpu.memory_space<vmem>>, vector<16xf32>,
        tpu.vector_store %arg8[%swap3A_106, %swap3A_107], %max3A_105 {strides = array<i32>} : memref<321x128xf32, #tpu.memory_space<vmem>>, vector<16xf32>,
        %get3A_109 = arith.index_cast %squeeze3A_50 : i32 to index
        %get3A_110 = arith.constant 96 : index
        %get3A_111 = tpu.vector_load %arg8[%get3A_109, %get3A_110] {strides = array<i32>} : memref<321x128xf32, #tpu.memory_space<vmem>>, vector<16xf32>,
        %get3A_112 = arith.index_cast %scan3A_46 : i32 to index
        %get3A_113 = arith.constant 96 : index
        %get3A_114 = tpu.vector_load %arg11[%get3A_112, %get3A_113] {strides = array<i32>} : memref<400x128xf32, #tpu.memory_space<vmem>>, vector<16xf32>,
        %max3A_115 = arith.maximumf %get3A_111, %get3A_114 : vector<16xf32>
        %swap3A_116 = arith.index_cast %squeeze3A_50 : i32 to index
        %swap3A_117 = arith.constant 96 : index
        %swap3A_118 = tpu.vector_load %arg8[%swap3A_116, %swap3A_117] {strides = array<i32>} : memref<321x128xf32, #tpu.memory_space<vmem>>, vector<16xf32>,
        tpu.vector_store %arg8[%swap3A_116, %swap3A_117], %max3A_115 {strides = array<i32>} : memref<321x128xf32, #tpu.memory_space<vmem>>, vector<16xf32>,
        %get3A_119 = arith.index_cast %squeeze3A_50 : i32 to index
        %get3A_120 = arith.constant 112 : index
        %get3A_121 = tpu.vector_load %arg8[%get3A_119, %get3A_120] {strides = array<i32>} : memref<321x128xf32, #tpu.memory_space<vmem>>, vector<16xf32>,
        %get3A_122 = arith.index_cast %scan3A_46 : i32 to index
        %get3A_123 = arith.constant 112 : index
        %get3A_124 = tpu.vector_load %arg11[%get3A_122, %get3A_123] {strides = array<i32>} : memref<400x128xf32, #tpu.memory_space<vmem>>, vector<16xf32>,
        %max3A_125 = arith.maximumf %get3A_121, %get3A_124 : vector<16xf32>
        %swap3A_126 = arith.index_cast %squeeze3A_50 : i32 to index
        %swap3A_127 = arith.constant 112 : index
        %swap3A_128 = tpu.vector_load %arg8[%swap3A_126, %swap3A_127] {strides = array<i32>} : memref<321x128xf32, #tpu.memory_space<vmem>>, vector<16xf32>,
        tpu.vector_store %arg8[%swap3A_126, %swap3A_127], %max3A_125 {strides = array<i32>} : memref<321x128xf32, #tpu.memory_space<vmem>>, vector<16xf32>,
      }
      %scan3A_45 = arith.constant 400 : i32
    }
    "tpu.region"() ({
      %run_scoped3A = tpu.sem_alloc : memref<!tpu.dma_semaphore, #tpu.memory_space<semaphore_mem>>
      %dma_start3A = arith.constant 0 : i32
      %dma_start3A_32 = arith.constant 0 : i32
      %dma_start3A_33 = tpu.memref_slice %arg8[%dma_start3A, %dma_start3A_32] : memref<321x128xf32, #tpu.memory_space<vmem>> -> memref<320x128xf32, #tpu.memory_space<vmem>>
      %dma_start3A_34 = arith.constant 0 : i32
      %dma_start3A_35 = tpu.memref_slice %arg7[%mul3A_2, %dma_start3A_34] : memref<10240x128xf32, #tpu.memory_space<hbm>> -> memref<320x128xf32, #tpu.memory_space<hbm>>
      %dma_start3A_36 = arith.constant 0 : i32
      %dma_start3A_37 = tpu.memref_slice %arg7[%mul3A_2, %dma_start3A_36] : memref<10240x128xf32, #tpu.memory_space<hbm>> -> memref<320x128xf32, #tpu.memory_space<hbm>>
      %dma_start3A_38 = arith.constant 0 : i32
      %dma_start3A_39 = arith.constant 0 : i32
      %dma_start3A_40 = tpu.memref_slice %arg8[%dma_start3A_38, %dma_start3A_39] : memref<321x128xf32, #tpu.memory_space<vmem>> -> memref<320x128xf32, #tpu.memory_space<vmem>>
      tpu.enqueue_dma source(%dma_start3A_40 : memref<320x128xf32, #tpu.memory_space<vmem>>) target(%dma_start3A_37 : memref<320x128xf32, #tpu.memory_space<hbm>>) target_semaphore(%run_scoped3A : memref<!tpu.dma_semaphore, #tpu.memory_space<semaphore_mem>>)
      %dma_wait3A = arith.constant 0 : i32
      %dma_wait3A_41 = arith.constant 0 : i32
      %dma_wait3A_42 = tpu.memref_slice %arg8[%dma_wait3A, %dma_wait3A_41] : memref<321x128xf32, #tpu.memory_space<vmem>> -> memref<320x128xf32, #tpu.memory_space<vmem>>
      %dma_wait3A_43 = arith.constant 0 : i32
      %dma_wait3A_44 = tpu.memref_slice %arg7[%mul3A_2, %dma_wait3A_43] : memref<10240x128xf32, #tpu.memory_space<hbm>> -> memref<320x128xf32, #tpu.memory_space<hbm>>
      %dma_wait3A_45 = arith.constant 0 : i32
      %dma_wait3A_46 = tpu.memref_slice %arg7[%mul3A_2, %dma_wait3A_45] : memref<10240x128xf32, #tpu.memory_space<hbm>> -> memref<320x128xf32, #tpu.memory_space<hbm>>
      %dma_wait3A_47 = arith.constant 0 : i32
      %dma_wait3A_48 = arith.constant 0 : i32
      %dma_wait3A_49 = tpu.memref_slice %arg8[%dma_wait3A_47, %dma_wait3A_48] : memref<321x128xf32, #tpu.memory_space<vmem>> -> memref<320x128xf32, #tpu.memory_space<vmem>>
      tpu.wait_dma2 semaphore(%run_scoped3A : memref<!tpu.dma_semaphore, #tpu.memory_space<semaphore_mem>>) src(%dma_wait3A_49 : memref<320x128xf32, #tpu.memory_space<vmem>>) dst(%dma_wait3A_46 : memref<320x128xf32, #tpu.memory_space<hbm>>)
      tpu.yield
    }) : () -> ()
    return
  }
}

#map = affine_map<(d0, d1) -> (0, 0)>
#map1 = affine_map<(d0, d1) -> (0)>
module attributes {stable_mosaic.version = 14 : i64} {
  func.func @k(%arg0: i32, %arg1: i32, %arg2: memref<320000x128xf32, #tpu.memory_space<hbm>>, %arg3: memref<10240x128xf32, #tpu.memory_space<hbm>>, %arg4: memref<524288xi32, #tpu.memory_space<hbm>>, %arg5: memref<524288xi32, #tpu.memory_space<hbm>>, %arg6: memref<256xi32, #tpu.memory_space<hbm>>, %arg7: memref<10240x128xf32, #tpu.memory_space<hbm>>, %arg8: memref<321x128xf32, #tpu.memory_space<vmem>>, %arg9: memref<400xi32, #tpu.memory_space<vmem>>, %arg10: memref<416xi32, #tpu.memory_space<vmem>>, %arg11: memref<400x128xf32, #tpu.memory_space<vmem>>, %arg12: memref<16xi32, #tpu.memory_space<vmem>>, %arg13: memref<!tpu.dma_semaphore, #tpu.memory_space<semaphore_mem>>) attributes {dimension_semantics = [#tpu.dimension_semantics<core_parallel>, #tpu.dimension_semantics<subcore_parallel>], iteration_bounds = array<i64: 2, 16>, scalar_prefetch = 0 : i64, scratch_operands = 6 : i64, tpu.core_type = #tpu.core_type<sc_vector_subcore>, window_params = [{transform_indices = #map}, {transform_indices = #map}, {transform_indices = #map1}, {transform_indices = #map1}, {transform_indices = #map1}, {transform_indices = #map}]} {
    %mul3A = arith.constant 2 : i32
    %mul3A_0 = arith.muli %arg1, %mul3A : i32
    %add3A = arith.addi %mul3A_0, %arg0 : i32
    %mul3A_1 = arith.constant 320 : i32
    %mul3A_2 = arith.muli %add3A, %mul3A_1 : i32
    "tpu.region"() ({
      %run_scoped3A = tpu.sem_alloc : memref<!tpu.dma_semaphore, #tpu.memory_space<semaphore_mem>>
      %dma_start3A = arith.constant 0 : i32
      %dma_start3A_32 = arith.constant 0 : i32
      %dma_start3A_33 = tpu.memref_slice %arg8[%dma_start3A, %dma_start3A_32] : memref<321x128xf32, #tpu.memory_space<vmem>> -> memref<320x128xf32, #tpu.memory_space<vmem>>
      %dma_start3A_34 = arith.constant 0 : i32
      %dma_start3A_35 = tpu.memref_slice %arg3[%mul3A_2, %dma_start3A_34] : memref<10240x128xf32, #tpu.memory_space<hbm>> -> memref<320x128xf32, #tpu.memory_space<hbm>>
      %dma_start3A_36 = arith.constant 0 : i32
      %dma_start3A_37 = arith.constant 0 : i32
      %dma_start3A_38 = tpu.memref_slice %arg8[%dma_start3A_36, %dma_start3A_37] : memref<321x128xf32, #tpu.memory_space<vmem>> -> memref<320x128xf32, #tpu.memory_space<vmem>>
      %dma_start3A_39 = arith.constant 0 : i32
      %dma_start3A_40 = tpu.memref_slice %arg3[%mul3A_2, %dma_start3A_39] : memref<10240x128xf32, #tpu.memory_space<hbm>> -> memref<320x128xf32, #tpu.memory_space<hbm>>
      tpu.enqueue_dma source(%dma_start3A_40 : memref<320x128xf32, #tpu.memory_space<hbm>>) target(%dma_start3A_38 : memref<320x128xf32, #tpu.memory_space<vmem>>) target_semaphore(%run_scoped3A : memref<!tpu.dma_semaphore, #tpu.memory_space<semaphore_mem>>)
      %dma_wait3A = arith.constant 0 : i32
      %dma_wait3A_41 = arith.constant 0 : i32
      %dma_wait3A_42 = tpu.memref_slice %arg8[%dma_wait3A, %dma_wait3A_41] : memref<321x128xf32, #tpu.memory_space<vmem>> -> memref<320x128xf32, #tpu.memory_space<vmem>>
      %dma_wait3A_43 = arith.constant 0 : i32
      %dma_wait3A_44 = tpu.memref_slice %arg3[%mul3A_2, %dma_wait3A_43] : memref<10240x128xf32, #tpu.memory_space<hbm>> -> memref<320x128xf32, #tpu.memory_space<hbm>>
      %dma_wait3A_45 = arith.constant 0 : i32
      %dma_wait3A_46 = arith.constant 0 : i32
      %dma_wait3A_47 = tpu.memref_slice %arg8[%dma_wait3A_45, %dma_wait3A_46] : memref<321x128xf32, #tpu.memory_space<vmem>> -> memref<320x128xf32, #tpu.memory_space<vmem>>
      %dma_wait3A_48 = arith.constant 0 : i32
      %dma_wait3A_49 = tpu.memref_slice %arg3[%mul3A_2, %dma_wait3A_48] : memref<10240x128xf32, #tpu.memory_space<hbm>> -> memref<320x128xf32, #tpu.memory_space<hbm>>
      tpu.wait_dma2 semaphore(%run_scoped3A : memref<!tpu.dma_semaphore, #tpu.memory_space<semaphore_mem>>) src(%dma_wait3A_49 : memref<320x128xf32, #tpu.memory_space<hbm>>) dst(%dma_wait3A_47 : memref<320x128xf32, #tpu.memory_space<vmem>>)
      tpu.yield
    }) : () -> ()
    %mul3A_3 = arith.constant 8 : i32
    %mul3A_4 = arith.muli %add3A, %mul3A_3 : i32
    "tpu.region"() ({
      %run_scoped3A = tpu.sem_alloc : memref<!tpu.dma_semaphore, #tpu.memory_space<semaphore_mem>>
      %dma_start3A = arith.constant 0 : i32
      %dma_start3A_32 = tpu.memref_slice %arg12[%dma_start3A] : memref<16xi32, #tpu.memory_space<vmem>> -> memref<8xi32, #tpu.memory_space<vmem>>
      %dma_start3A_33 = tpu.memref_slice %arg6[%mul3A_4] : memref<256xi32, #tpu.memory_space<hbm>> -> memref<8xi32, #tpu.memory_space<hbm>>
      %dma_start3A_34 = arith.constant 0 : i32
      %dma_start3A_35 = tpu.memref_slice %arg12[%dma_start3A_34] : memref<16xi32, #tpu.memory_space<vmem>> -> memref<8xi32, #tpu.memory_space<vmem>>
      %dma_start3A_36 = tpu.memref_slice %arg6[%mul3A_4] : memref<256xi32, #tpu.memory_space<hbm>> -> memref<8xi32, #tpu.memory_space<hbm>>
      tpu.enqueue_dma source(%dma_start3A_36 : memref<8xi32, #tpu.memory_space<hbm>>) target(%dma_start3A_35 : memref<8xi32, #tpu.memory_space<vmem>>) target_semaphore(%run_scoped3A : memref<!tpu.dma_semaphore, #tpu.memory_space<semaphore_mem>>)
      %dma_wait3A = arith.constant 0 : i32
      %dma_wait3A_37 = tpu.memref_slice %arg12[%dma_wait3A] : memref<16xi32, #tpu.memory_space<vmem>> -> memref<8xi32, #tpu.memory_space<vmem>>
      %dma_wait3A_38 = tpu.memref_slice %arg6[%mul3A_4] : memref<256xi32, #tpu.memory_space<hbm>> -> memref<8xi32, #tpu.memory_space<hbm>>
      %dma_wait3A_39 = arith.constant 0 : i32
      %dma_wait3A_40 = tpu.memref_slice %arg12[%dma_wait3A_39] : memref<16xi32, #tpu.memory_space<vmem>> -> memref<8xi32, #tpu.memory_space<vmem>>
      %dma_wait3A_41 = tpu.memref_slice %arg6[%mul3A_4] : memref<256xi32, #tpu.memory_space<hbm>> -> memref<8xi32, #tpu.memory_space<hbm>>
      tpu.wait_dma2 semaphore(%run_scoped3A : memref<!tpu.dma_semaphore, #tpu.memory_space<semaphore_mem>>) src(%dma_wait3A_41 : memref<8xi32, #tpu.memory_space<hbm>>) dst(%dma_wait3A_40 : memref<8xi32, #tpu.memory_space<vmem>>)
      tpu.yield
    }) : () -> ()
    %get3A = arith.constant 0 : index
    %get3A_5 = tpu.vector_load %arg12[%get3A] {strides = array<i32>} : memref<16xi32, #tpu.memory_space<vmem>>, vector<16xi32>,
    %slice3A = vector.extract_strided_slice %get3A_5 {offsets = [0], sizes = [1], strides = [1]} : vector<16xi32> to vector<1xi32>
    %squeeze3A = vector.extract %slice3A[0] : i32 from vector<1xi32>
    %add3A_6 = arith.constant 399 : i32
    %add3A_7 = arith.addi %squeeze3A, %add3A_6 : i32
    %jit3A = arith.constant 400 : i32
    %div3A = arith.divsi %add3A_7, %jit3A : i32
    %sign3A = arith.constant 0 : i32
    %sign3A_8 = arith.cmpi sgt, %add3A_7, %sign3A : i32
    %sign3A_9 = arith.extui %sign3A_8 : i1 to i32
    %sign3A_10 = arith.constant 0 : i32
    %sign3A_11 = arith.cmpi slt, %add3A_7, %sign3A_10 : i32
    %sign3A_12 = arith.extui %sign3A_11 : i1 to i32
    %sign3A_13 = arith.subi %sign3A_9, %sign3A_12 : i32
    %sign3A_14 = arith.constant 0 : i32
    %sign3A_15 = arith.cmpi sgt, %jit3A, %sign3A_14 : i32
    %sign3A_16 = arith.extui %sign3A_15 : i1 to i32
    %sign3A_17 = arith.constant 0 : i32
    %sign3A_18 = arith.cmpi slt, %jit3A, %sign3A_17 : i32
    %sign3A_19 = arith.extui %sign3A_18 : i1 to i32
    %sign3A_20 = arith.subi %sign3A_16, %sign3A_19 : i32
    %ne3A = arith.cmpi ne, %sign3A_13, %sign3A_20 : i32
    %rem3A = arith.remsi %add3A_7, %jit3A : i32
    %ne3A_21 = arith.constant 0 : i32
    %ne3A_22 = arith.cmpi ne, %rem3A, %ne3A_21 : i32
    %and3A = arith.andi %ne3A, %ne3A_22 : i1
    %sub3A = arith.constant 1 : i32
    %sub3A_23 = arith.subi %div3A, %sub3A : i32
    %select_n3A = arith.select %and3A, %sub3A_23, %div3A : i32
    %while3A = arith.constant 0 : i32
    %while3A_24 = arith.subi %select_n3A, %while3A : i32
    %while3A_25 = arith.addi %while3A, %while3A_24 : i32
    %while3A_26 = arith.constant 1 : i32
    %while3A_27 = arith.divsi %while3A_24, %while3A_26 : i32
    %while3A_28 = arith.muli %while3A_27, %while3A_26 : i32
    %while3A_29 = arith.addi %while3A, %while3A_28 : i32
    %while3A_30 = arith.constant 1 : i32
    scf.for %while3A_32 = %while3A to %while3A_29 step %while3A_30  : i32 {
      %mul3A_33 = arith.constant 16384 : i32
      %mul3A_34 = arith.muli %add3A, %mul3A_33 : i32
      %mul3A_35 = arith.constant 400 : i32
      %mul3A_36 = arith.muli %while3A_32, %mul3A_35 : i32
      %add3A_37 = arith.addi %mul3A_34, %mul3A_36 : i32
      "tpu.region"() ({
        %run_scoped3A = tpu.sem_alloc : memref<!tpu.dma_semaphore, #tpu.memory_space<semaphore_mem>>
        %dma_start3A_46 = tpu.memref_slice %arg4[%add3A_37] : memref<524288xi32, #tpu.memory_space<hbm>> -> memref<400xi32, #tpu.memory_space<hbm>>
        %dma_start3A_47 = tpu.memref_slice %arg4[%add3A_37] : memref<524288xi32, #tpu.memory_space<hbm>> -> memref<400xi32, #tpu.memory_space<hbm>>
        tpu.enqueue_dma source(%dma_start3A_47 : memref<400xi32, #tpu.memory_space<hbm>>) target(%arg9 : memref<400xi32, #tpu.memory_space<vmem>>) target_semaphore(%run_scoped3A : memref<!tpu.dma_semaphore, #tpu.memory_space<semaphore_mem>>)
        %dma_wait3A_48 = tpu.memref_slice %arg4[%add3A_37] : memref<524288xi32, #tpu.memory_space<hbm>> -> memref<400xi32, #tpu.memory_space<hbm>>
        %dma_wait3A_49 = tpu.memref_slice %arg4[%add3A_37] : memref<524288xi32, #tpu.memory_space<hbm>> -> memref<400xi32, #tpu.memory_space<hbm>>
        tpu.wait_dma2 semaphore(%run_scoped3A : memref<!tpu.dma_semaphore, #tpu.memory_space<semaphore_mem>>) src(%dma_wait3A_49 : memref<400xi32, #tpu.memory_space<hbm>>) dst(%arg9 : memref<400xi32, #tpu.memory_space<vmem>>)
        tpu.yield
      }) : () -> ()
      "tpu.region"() ({
        %run_scoped3A = tpu.sem_alloc : memref<!tpu.dma_semaphore, #tpu.memory_space<semaphore_mem>>
        %dma_start3A_46 = arith.constant 0 : i32
        %dma_start3A_47 = tpu.memref_slice %arg10[%dma_start3A_46] : memref<416xi32, #tpu.memory_space<vmem>> -> memref<400xi32, #tpu.memory_space<vmem>>
        %dma_start3A_48 = tpu.memref_slice %arg5[%add3A_37] : memref<524288xi32, #tpu.memory_space<hbm>> -> memref<400xi32, #tpu.memory_space<hbm>>
        %dma_start3A_49 = arith.constant 0 : i32
        %dma_start3A_50 = tpu.memref_slice %arg10[%dma_start3A_49] : memref<416xi32, #tpu.memory_space<vmem>> -> memref<400xi32, #tpu.memory_space<vmem>>
        %dma_start3A_51 = tpu.memref_slice %arg5[%add3A_37] : memref<524288xi32, #tpu.memory_space<hbm>> -> memref<400xi32, #tpu.memory_space<hbm>>
        tpu.enqueue_dma source(%dma_start3A_51 : memref<400xi32, #tpu.memory_space<hbm>>) target(%dma_start3A_50 : memref<400xi32, #tpu.memory_space<vmem>>) target_semaphore(%run_scoped3A : memref<!tpu.dma_semaphore, #tpu.memory_space<semaphore_mem>>)
        %dma_wait3A_52 = arith.constant 0 : i32
        %dma_wait3A_53 = tpu.memref_slice %arg10[%dma_wait3A_52] : memref<416xi32, #tpu.memory_space<vmem>> -> memref<400xi32, #tpu.memory_space<vmem>>
        %dma_wait3A_54 = tpu.memref_slice %arg5[%add3A_37] : memref<524288xi32, #tpu.memory_space<hbm>> -> memref<400xi32, #tpu.memory_space<hbm>>
        %dma_wait3A_55 = arith.constant 0 : i32
        %dma_wait3A_56 = tpu.memref_slice %arg10[%dma_wait3A_55] : memref<416xi32, #tpu.memory_space<vmem>> -> memref<400xi32, #tpu.memory_space<vmem>>
        %dma_wait3A_57 = tpu.memref_slice %arg5[%add3A_37] : memref<524288xi32, #tpu.memory_space<hbm>> -> memref<400xi32, #tpu.memory_space<hbm>>
        tpu.wait_dma2 semaphore(%run_scoped3A : memref<!tpu.dma_semaphore, #tpu.memory_space<semaphore_mem>>) src(%dma_wait3A_57 : memref<400xi32, #tpu.memory_space<hbm>>) dst(%dma_wait3A_56 : memref<400xi32, #tpu.memory_space<vmem>>)
        tpu.yield
      }) : () -> ()
      %dma_start3A = arith.constant 0 : i32
      %dma_start3A_38 = arith.constant 0 : i32
      %dma_start3A_39 = tpu.memref_slice %arg2[%dma_start3A, %dma_start3A_38] : memref<320000x128xf32, #tpu.memory_space<hbm>> -> memref<320000x128xf32, #tpu.memory_space<hbm>>
      tpu.enqueue_indirect_dma source(%dma_start3A_39 : memref<320000x128xf32, #tpu.memory_space<hbm>>) target(%arg11 : memref<400x128xf32, #tpu.memory_space<vmem>>) offsets(%arg9 : memref<400xi32, #tpu.memory_space<vmem>>) semaphore(%arg13 : memref<!tpu.dma_semaphore, #tpu.memory_space<semaphore_mem>>)
      %dma_wait3A = arith.constant 0 : i32
      %dma_wait3A_40 = arith.constant 0 : i32
      %dma_wait3A_41 = tpu.memref_slice %arg2[%dma_wait3A, %dma_wait3A_40] : memref<320000x128xf32, #tpu.memory_space<hbm>> -> memref<320000x128xf32, #tpu.memory_space<hbm>>
      tpu.wait_indirect_dma semaphore(%arg13 : memref<!tpu.dma_semaphore, #tpu.memory_space<semaphore_mem>>) src(%dma_wait3A_41 : memref<320000x128xf32, #tpu.memory_space<hbm>>) dst(%arg11 : memref<400x128xf32, #tpu.memory_space<vmem>>)
      %scan3A = arith.constant 0 : i32
      %scan3A_42 = arith.constant 400 : i32
      %scan3A_43 = arith.addi %scan3A, %scan3A_42 : i32
      %scan3A_44 = arith.constant 1 : i32
      scf.for %scan3A_46 = %scan3A to %scan3A_43 step %scan3A_44  : i32 {
        %get3A_47 = arith.index_cast %scan3A_46 : i32 to index
        %get3A_48 = tpu.vector_load %arg10[%get3A_47] {strides = array<i32>} : memref<416xi32, #tpu.memory_space<vmem>>, vector<16xi32>,
        %slice3A_49 = vector.extract_strided_slice %get3A_48 {offsets = [0], sizes = [1], strides = [1]} : vector<16xi32> to vector<1xi32>
        %squeeze3A_50 = vector.extract %slice3A_49[0] : i32 from vector<1xi32>
        %get3A_51 = arith.index_cast %squeeze3A_50 : i32 to index
        %get3A_52 = arith.constant 0 : index
        %get3A_53 = tpu.vector_load %arg8[%get3A_51, %get3A_52] {strides = array<i32>} : memref<321x128xf32, #tpu.memory_space<vmem>>, vector<16xf32>,
        %get3A_54 = arith.index_cast %scan3A_46 : i32 to index
        %get3A_55 = arith.constant 0 : index
        %get3A_56 = tpu.vector_load %arg11[%get3A_54, %get3A_55] {strides = array<i32>} : memref<400x128xf32, #tpu.memory_space<vmem>>, vector<16xf32>,
        %max3A = arith.maximumf %get3A_53, %get3A_56 : vector<16xf32>
        %swap3A = arith.index_cast %squeeze3A_50 : i32 to index
        %swap3A_57 = arith.constant 0 : index
        %swap3A_58 = tpu.vector_load %arg8[%swap3A, %swap3A_57] {strides = array<i32>} : memref<321x128xf32, #tpu.memory_space<vmem>>, vector<16xf32>,
        tpu.vector_store %arg8[%swap3A, %swap3A_57], %max3A {strides = array<i32>} : memref<321x128xf32, #tpu.memory_space<vmem>>, vector<16xf32>,
        %get3A_59 = arith.index_cast %squeeze3A_50 : i32 to index
        %get3A_60 = arith.constant 16 : index
        %get3A_61 = tpu.vector_load %arg8[%get3A_59, %get3A_60] {strides = array<i32>} : memref<321x128xf32, #tpu.memory_space<vmem>>, vector<16xf32>,
        %get3A_62 = arith.index_cast %scan3A_46 : i32 to index
        %get3A_63 = arith.constant 16 : index
        %get3A_64 = tpu.vector_load %arg11[%get3A_62, %get3A_63] {strides = array<i32>} : memref<400x128xf32, #tpu.memory_space<vmem>>, vector<16xf32>,
        %max3A_65 = arith.maximumf %get3A_61, %get3A_64 : vector<16xf32>
        %swap3A_66 = arith.index_cast %squeeze3A_50 : i32 to index
        %swap3A_67 = arith.constant 16 : index
        %swap3A_68 = tpu.vector_load %arg8[%swap3A_66, %swap3A_67] {strides = array<i32>} : memref<321x128xf32, #tpu.memory_space<vmem>>, vector<16xf32>,
        tpu.vector_store %arg8[%swap3A_66, %swap3A_67], %max3A_65 {strides = array<i32>} : memref<321x128xf32, #tpu.memory_space<vmem>>, vector<16xf32>,
        %get3A_69 = arith.index_cast %squeeze3A_50 : i32 to index
        %get3A_70 = arith.constant 32 : index
        %get3A_71 = tpu.vector_load %arg8[%get3A_69, %get3A_70] {strides = array<i32>} : memref<321x128xf32, #tpu.memory_space<vmem>>, vector<16xf32>,
        %get3A_72 = arith.index_cast %scan3A_46 : i32 to index
        %get3A_73 = arith.constant 32 : index
        %get3A_74 = tpu.vector_load %arg11[%get3A_72, %get3A_73] {strides = array<i32>} : memref<400x128xf32, #tpu.memory_space<vmem>>, vector<16xf32>,
        %max3A_75 = arith.maximumf %get3A_71, %get3A_74 : vector<16xf32>
        %swap3A_76 = arith.index_cast %squeeze3A_50 : i32 to index
        %swap3A_77 = arith.constant 32 : index
        %swap3A_78 = tpu.vector_load %arg8[%swap3A_76, %swap3A_77] {strides = array<i32>} : memref<321x128xf32, #tpu.memory_space<vmem>>, vector<16xf32>,
        tpu.vector_store %arg8[%swap3A_76, %swap3A_77], %max3A_75 {strides = array<i32>} : memref<321x128xf32, #tpu.memory_space<vmem>>, vector<16xf32>,
        %get3A_79 = arith.index_cast %squeeze3A_50 : i32 to index
        %get3A_80 = arith.constant 48 : index
        %get3A_81 = tpu.vector_load %arg8[%get3A_79, %get3A_80] {strides = array<i32>} : memref<321x128xf32, #tpu.memory_space<vmem>>, vector<16xf32>,
        %get3A_82 = arith.index_cast %scan3A_46 : i32 to index
        %get3A_83 = arith.constant 48 : index
        %get3A_84 = tpu.vector_load %arg11[%get3A_82, %get3A_83] {strides = array<i32>} : memref<400x128xf32, #tpu.memory_space<vmem>>, vector<16xf32>,
        %max3A_85 = arith.maximumf %get3A_81, %get3A_84 : vector<16xf32>
        %swap3A_86 = arith.index_cast %squeeze3A_50 : i32 to index
        %swap3A_87 = arith.constant 48 : index
        %swap3A_88 = tpu.vector_load %arg8[%swap3A_86, %swap3A_87] {strides = array<i32>} : memref<321x128xf32, #tpu.memory_space<vmem>>, vector<16xf32>,
        tpu.vector_store %arg8[%swap3A_86, %swap3A_87], %max3A_85 {strides = array<i32>} : memref<321x128xf32, #tpu.memory_space<vmem>>, vector<16xf32>,
        %get3A_89 = arith.index_cast %squeeze3A_50 : i32 to index
        %get3A_90 = arith.constant 64 : index
        %get3A_91 = tpu.vector_load %arg8[%get3A_89, %get3A_90] {strides = array<i32>} : memref<321x128xf32, #tpu.memory_space<vmem>>, vector<16xf32>,
        %get3A_92 = arith.index_cast %scan3A_46 : i32 to index
        %get3A_93 = arith.constant 64 : index
        %get3A_94 = tpu.vector_load %arg11[%get3A_92, %get3A_93] {strides = array<i32>} : memref<400x128xf32, #tpu.memory_space<vmem>>, vector<16xf32>,
        %max3A_95 = arith.maximumf %get3A_91, %get3A_94 : vector<16xf32>
        %swap3A_96 = arith.index_cast %squeeze3A_50 : i32 to index
        %swap3A_97 = arith.constant 64 : index
        %swap3A_98 = tpu.vector_load %arg8[%swap3A_96, %swap3A_97] {strides = array<i32>} : memref<321x128xf32, #tpu.memory_space<vmem>>, vector<16xf32>,
        tpu.vector_store %arg8[%swap3A_96, %swap3A_97], %max3A_95 {strides = array<i32>} : memref<321x128xf32, #tpu.memory_space<vmem>>, vector<16xf32>,
        %get3A_99 = arith.index_cast %squeeze3A_50 : i32 to index
        %get3A_100 = arith.constant 80 : index
        %get3A_101 = tpu.vector_load %arg8[%get3A_99, %get3A_100] {strides = array<i32>} : memref<321x128xf32, #tpu.memory_space<vmem>>, vector<16xf32>,
        %get3A_102 = arith.index_cast %scan3A_46 : i32 to index
        %get3A_103 = arith.constant 80 : index
        %get3A_104 = tpu.vector_load %arg11[%get3A_102, %get3A_103] {strides = array<i32>} : memref<400x128xf32, #tpu.memory_space<vmem>>, vector<16xf32>,
        %max3A_105 = arith.maximumf %get3A_101, %get3A_104 : vector<16xf32>
        %swap3A_106 = arith.index_cast %squeeze3A_50 : i32 to index
        %swap3A_107 = arith.constant 80 : index
        %swap3A_108 = tpu.vector_load %arg8[%swap3A_106, %swap3A_107] {strides = array<i32>} : memref<321x128xf32, #tpu.memory_space<vmem>>, vector<16xf32>,
        tpu.vector_store %arg8[%swap3A_106, %swap3A_107], %max3A_105 {strides = array<i32>} : memref<321x128xf32, #tpu.memory_space<vmem>>, vector<16xf32>,
        %get3A_109 = arith.index_cast %squeeze3A_50 : i32 to index
        %get3A_110 = arith.constant 96 : index
        %get3A_111 = tpu.vector_load %arg8[%get3A_109, %get3A_110] {strides = array<i32>} : memref<321x128xf32, #tpu.memory_space<vmem>>, vector<16xf32>,
        %get3A_112 = arith.index_cast %scan3A_46 : i32 to index
        %get3A_113 = arith.constant 96 : index
        %get3A_114 = tpu.vector_load %arg11[%get3A_112, %get3A_113] {strides = array<i32>} : memref<400x128xf32, #tpu.memory_space<vmem>>, vector<16xf32>,
        %max3A_115 = arith.maximumf %get3A_111, %get3A_114 : vector<16xf32>
        %swap3A_116 = arith.index_cast %squeeze3A_50 : i32 to index
        %swap3A_117 = arith.constant 96 : index
        %swap3A_118 = tpu.vector_load %arg8[%swap3A_116, %swap3A_117] {strides = array<i32>} : memref<321x128xf32, #tpu.memory_space<vmem>>, vector<16xf32>,
        tpu.vector_store %arg8[%swap3A_116, %swap3A_117], %max3A_115 {strides = array<i32>} : memref<321x128xf32, #tpu.memory_space<vmem>>, vector<16xf32>,
        %get3A_119 = arith.index_cast %squeeze3A_50 : i32 to index
        %get3A_120 = arith.constant 112 : index
        %get3A_121 = tpu.vector_load %arg8[%get3A_119, %get3A_120] {strides = array<i32>} : memref<321x128xf32, #tpu.memory_space<vmem>>, vector<16xf32>,
        %get3A_122 = arith.index_cast %scan3A_46 : i32 to index
        %get3A_123 = arith.constant 112 : index
        %get3A_124 = tpu.vector_load %arg11[%get3A_122, %get3A_123] {strides = array<i32>} : memref<400x128xf32, #tpu.memory_space<vmem>>, vector<16xf32>,
        %max3A_125 = arith.maximumf %get3A_121, %get3A_124 : vector<16xf32>
        %swap3A_126 = arith.index_cast %squeeze3A_50 : i32 to index
        %swap3A_127 = arith.constant 112 : index
        %swap3A_128 = tpu.vector_load %arg8[%swap3A_126, %swap3A_127] {strides = array<i32>} : memref<321x128xf32, #tpu.memory_space<vmem>>, vector<16xf32>,
        tpu.vector_store %arg8[%swap3A_126, %swap3A_127], %max3A_125 {strides = array<i32>} : memref<321x128xf32, #tpu.memory_space<vmem>>, vector<16xf32>,
      }
      %scan3A_45 = arith.constant 400 : i32
    }
    %while3A_31 = arith.constant 1 : i32
    scf.for %while3A_32 = %while3A_29 to %while3A_25 step %while3A_31  : i32 {
      %mul3A_33 = arith.constant 16384 : i32
      %mul3A_34 = arith.muli %add3A, %mul3A_33 : i32
      %mul3A_35 = arith.constant 400 : i32
      %mul3A_36 = arith.muli %while3A_32, %mul3A_35 : i32
      %add3A_37 = arith.addi %mul3A_34, %mul3A_36 : i32
      "tpu.region"() ({
        %run_scoped3A = tpu.sem_alloc : memref<!tpu.dma_semaphore, #tpu.memory_space<semaphore_mem>>
        %dma_start3A_46 = tpu.memref_slice %arg4[%add3A_37] : memref<524288xi32, #tpu.memory_space<hbm>> -> memref<400xi32, #tpu.memory_space<hbm>>
        %dma_start3A_47 = tpu.memref_slice %arg4[%add3A_37] : memref<524288xi32, #tpu.memory_space<hbm>> -> memref<400xi32, #tpu.memory_space<hbm>>
        tpu.enqueue_dma source(%dma_start3A_47 : memref<400xi32, #tpu.memory_space<hbm>>) target(%arg9 : memref<400xi32, #tpu.memory_space<vmem>>) target_semaphore(%run_scoped3A : memref<!tpu.dma_semaphore, #tpu.memory_space<semaphore_mem>>)
        %dma_wait3A_48 = tpu.memref_slice %arg4[%add3A_37] : memref<524288xi32, #tpu.memory_space<hbm>> -> memref<400xi32, #tpu.memory_space<hbm>>
        %dma_wait3A_49 = tpu.memref_slice %arg4[%add3A_37] : memref<524288xi32, #tpu.memory_space<hbm>> -> memref<400xi32, #tpu.memory_space<hbm>>
        tpu.wait_dma2 semaphore(%run_scoped3A : memref<!tpu.dma_semaphore, #tpu.memory_space<semaphore_mem>>) src(%dma_wait3A_49 : memref<400xi32, #tpu.memory_space<hbm>>) dst(%arg9 : memref<400xi32, #tpu.memory_space<vmem>>)
        tpu.yield
      }) : () -> ()
      "tpu.region"() ({
        %run_scoped3A = tpu.sem_alloc : memref<!tpu.dma_semaphore, #tpu.memory_space<semaphore_mem>>
        %dma_start3A_46 = arith.constant 0 : i32
        %dma_start3A_47 = tpu.memref_slice %arg10[%dma_start3A_46] : memref<416xi32, #tpu.memory_space<vmem>> -> memref<400xi32, #tpu.memory_space<vmem>>
        %dma_start3A_48 = tpu.memref_slice %arg5[%add3A_37] : memref<524288xi32, #tpu.memory_space<hbm>> -> memref<400xi32, #tpu.memory_space<hbm>>
        %dma_start3A_49 = arith.constant 0 : i32
        %dma_start3A_50 = tpu.memref_slice %arg10[%dma_start3A_49] : memref<416xi32, #tpu.memory_space<vmem>> -> memref<400xi32, #tpu.memory_space<vmem>>
        %dma_start3A_51 = tpu.memref_slice %arg5[%add3A_37] : memref<524288xi32, #tpu.memory_space<hbm>> -> memref<400xi32, #tpu.memory_space<hbm>>
        tpu.enqueue_dma source(%dma_start3A_51 : memref<400xi32, #tpu.memory_space<hbm>>) target(%dma_start3A_50 : memref<400xi32, #tpu.memory_space<vmem>>) target_semaphore(%run_scoped3A : memref<!tpu.dma_semaphore, #tpu.memory_space<semaphore_mem>>)
        %dma_wait3A_52 = arith.constant 0 : i32
        %dma_wait3A_53 = tpu.memref_slice %arg10[%dma_wait3A_52] : memref<416xi32, #tpu.memory_space<vmem>> -> memref<400xi32, #tpu.memory_space<vmem>>
        %dma_wait3A_54 = tpu.memref_slice %arg5[%add3A_37] : memref<524288xi32, #tpu.memory_space<hbm>> -> memref<400xi32, #tpu.memory_space<hbm>>
        %dma_wait3A_55 = arith.constant 0 : i32
        %dma_wait3A_56 = tpu.memref_slice %arg10[%dma_wait3A_55] : memref<416xi32, #tpu.memory_space<vmem>> -> memref<400xi32, #tpu.memory_space<vmem>>
        %dma_wait3A_57 = tpu.memref_slice %arg5[%add3A_37] : memref<524288xi32, #tpu.memory_space<hbm>> -> memref<400xi32, #tpu.memory_space<hbm>>
        tpu.wait_dma2 semaphore(%run_scoped3A : memref<!tpu.dma_semaphore, #tpu.memory_space<semaphore_mem>>) src(%dma_wait3A_57 : memref<400xi32, #tpu.memory_space<hbm>>) dst(%dma_wait3A_56 : memref<400xi32, #tpu.memory_space<vmem>>)
        tpu.yield
      }) : () -> ()
      %dma_start3A = arith.constant 0 : i32
      %dma_start3A_38 = arith.constant 0 : i32
      %dma_start3A_39 = tpu.memref_slice %arg2[%dma_start3A, %dma_start3A_38] : memref<320000x128xf32, #tpu.memory_space<hbm>> -> memref<320000x128xf32, #tpu.memory_space<hbm>>
      tpu.enqueue_indirect_dma source(%dma_start3A_39 : memref<320000x128xf32, #tpu.memory_space<hbm>>) target(%arg11 : memref<400x128xf32, #tpu.memory_space<vmem>>) offsets(%arg9 : memref<400xi32, #tpu.memory_space<vmem>>) semaphore(%arg13 : memref<!tpu.dma_semaphore, #tpu.memory_space<semaphore_mem>>)
      %dma_wait3A = arith.constant 0 : i32
      %dma_wait3A_40 = arith.constant 0 : i32
      %dma_wait3A_41 = tpu.memref_slice %arg2[%dma_wait3A, %dma_wait3A_40] : memref<320000x128xf32, #tpu.memory_space<hbm>> -> memref<320000x128xf32, #tpu.memory_space<hbm>>
      tpu.wait_indirect_dma semaphore(%arg13 : memref<!tpu.dma_semaphore, #tpu.memory_space<semaphore_mem>>) src(%dma_wait3A_41 : memref<320000x128xf32, #tpu.memory_space<hbm>>) dst(%arg11 : memref<400x128xf32, #tpu.memory_space<vmem>>)
      %scan3A = arith.constant 0 : i32
      %scan3A_42 = arith.constant 400 : i32
      %scan3A_43 = arith.addi %scan3A, %scan3A_42 : i32
      %scan3A_44 = arith.constant 1 : i32
      scf.for %scan3A_46 = %scan3A to %scan3A_43 step %scan3A_44  : i32 {
        %get3A_47 = arith.index_cast %scan3A_46 : i32 to index
        %get3A_48 = tpu.vector_load %arg10[%get3A_47] {strides = array<i32>} : memref<416xi32, #tpu.memory_space<vmem>>, vector<16xi32>,
        %slice3A_49 = vector.extract_strided_slice %get3A_48 {offsets = [0], sizes = [1], strides = [1]} : vector<16xi32> to vector<1xi32>
        %squeeze3A_50 = vector.extract %slice3A_49[0] : i32 from vector<1xi32>
        %get3A_51 = arith.index_cast %squeeze3A_50 : i32 to index
        %get3A_52 = arith.constant 0 : index
        %get3A_53 = tpu.vector_load %arg8[%get3A_51, %get3A_52] {strides = array<i32>} : memref<321x128xf32, #tpu.memory_space<vmem>>, vector<16xf32>,
        %get3A_54 = arith.index_cast %scan3A_46 : i32 to index
        %get3A_55 = arith.constant 0 : index
        %get3A_56 = tpu.vector_load %arg11[%get3A_54, %get3A_55] {strides = array<i32>} : memref<400x128xf32, #tpu.memory_space<vmem>>, vector<16xf32>,
        %max3A = arith.maximumf %get3A_53, %get3A_56 : vector<16xf32>
        %swap3A = arith.index_cast %squeeze3A_50 : i32 to index
        %swap3A_57 = arith.constant 0 : index
        %swap3A_58 = tpu.vector_load %arg8[%swap3A, %swap3A_57] {strides = array<i32>} : memref<321x128xf32, #tpu.memory_space<vmem>>, vector<16xf32>,
        tpu.vector_store %arg8[%swap3A, %swap3A_57], %max3A {strides = array<i32>} : memref<321x128xf32, #tpu.memory_space<vmem>>, vector<16xf32>,
        %get3A_59 = arith.index_cast %squeeze3A_50 : i32 to index
        %get3A_60 = arith.constant 16 : index
        %get3A_61 = tpu.vector_load %arg8[%get3A_59, %get3A_60] {strides = array<i32>} : memref<321x128xf32, #tpu.memory_space<vmem>>, vector<16xf32>,
        %get3A_62 = arith.index_cast %scan3A_46 : i32 to index
        %get3A_63 = arith.constant 16 : index
        %get3A_64 = tpu.vector_load %arg11[%get3A_62, %get3A_63] {strides = array<i32>} : memref<400x128xf32, #tpu.memory_space<vmem>>, vector<16xf32>,
        %max3A_65 = arith.maximumf %get3A_61, %get3A_64 : vector<16xf32>
        %swap3A_66 = arith.index_cast %squeeze3A_50 : i32 to index
        %swap3A_67 = arith.constant 16 : index
        %swap3A_68 = tpu.vector_load %arg8[%swap3A_66, %swap3A_67] {strides = array<i32>} : memref<321x128xf32, #tpu.memory_space<vmem>>, vector<16xf32>,
        tpu.vector_store %arg8[%swap3A_66, %swap3A_67], %max3A_65 {strides = array<i32>} : memref<321x128xf32, #tpu.memory_space<vmem>>, vector<16xf32>,
        %get3A_69 = arith.index_cast %squeeze3A_50 : i32 to index
        %get3A_70 = arith.constant 32 : index
        %get3A_71 = tpu.vector_load %arg8[%get3A_69, %get3A_70] {strides = array<i32>} : memref<321x128xf32, #tpu.memory_space<vmem>>, vector<16xf32>,
        %get3A_72 = arith.index_cast %scan3A_46 : i32 to index
        %get3A_73 = arith.constant 32 : index
        %get3A_74 = tpu.vector_load %arg11[%get3A_72, %get3A_73] {strides = array<i32>} : memref<400x128xf32, #tpu.memory_space<vmem>>, vector<16xf32>,
        %max3A_75 = arith.maximumf %get3A_71, %get3A_74 : vector<16xf32>
        %swap3A_76 = arith.index_cast %squeeze3A_50 : i32 to index
        %swap3A_77 = arith.constant 32 : index
        %swap3A_78 = tpu.vector_load %arg8[%swap3A_76, %swap3A_77] {strides = array<i32>} : memref<321x128xf32, #tpu.memory_space<vmem>>, vector<16xf32>,
        tpu.vector_store %arg8[%swap3A_76, %swap3A_77], %max3A_75 {strides = array<i32>} : memref<321x128xf32, #tpu.memory_space<vmem>>, vector<16xf32>,
        %get3A_79 = arith.index_cast %squeeze3A_50 : i32 to index
        %get3A_80 = arith.constant 48 : index
        %get3A_81 = tpu.vector_load %arg8[%get3A_79, %get3A_80] {strides = array<i32>} : memref<321x128xf32, #tpu.memory_space<vmem>>, vector<16xf32>,
        %get3A_82 = arith.index_cast %scan3A_46 : i32 to index
        %get3A_83 = arith.constant 48 : index
        %get3A_84 = tpu.vector_load %arg11[%get3A_82, %get3A_83] {strides = array<i32>} : memref<400x128xf32, #tpu.memory_space<vmem>>, vector<16xf32>,
        %max3A_85 = arith.maximumf %get3A_81, %get3A_84 : vector<16xf32>
        %swap3A_86 = arith.index_cast %squeeze3A_50 : i32 to index
        %swap3A_87 = arith.constant 48 : index
        %swap3A_88 = tpu.vector_load %arg8[%swap3A_86, %swap3A_87] {strides = array<i32>} : memref<321x128xf32, #tpu.memory_space<vmem>>, vector<16xf32>,
        tpu.vector_store %arg8[%swap3A_86, %swap3A_87], %max3A_85 {strides = array<i32>} : memref<321x128xf32, #tpu.memory_space<vmem>>, vector<16xf32>,
        %get3A_89 = arith.index_cast %squeeze3A_50 : i32 to index
        %get3A_90 = arith.constant 64 : index
        %get3A_91 = tpu.vector_load %arg8[%get3A_89, %get3A_90] {strides = array<i32>} : memref<321x128xf32, #tpu.memory_space<vmem>>, vector<16xf32>,
        %get3A_92 = arith.index_cast %scan3A_46 : i32 to index
        %get3A_93 = arith.constant 64 : index
        %get3A_94 = tpu.vector_load %arg11[%get3A_92, %get3A_93] {strides = array<i32>} : memref<400x128xf32, #tpu.memory_space<vmem>>, vector<16xf32>,
        %max3A_95 = arith.maximumf %get3A_91, %get3A_94 : vector<16xf32>
        %swap3A_96 = arith.index_cast %squeeze3A_50 : i32 to index
        %swap3A_97 = arith.constant 64 : index
        %swap3A_98 = tpu.vector_load %arg8[%swap3A_96, %swap3A_97] {strides = array<i32>} : memref<321x128xf32, #tpu.memory_space<vmem>>, vector<16xf32>,
        tpu.vector_store %arg8[%swap3A_96, %swap3A_97], %max3A_95 {strides = array<i32>} : memref<321x128xf32, #tpu.memory_space<vmem>>, vector<16xf32>,
        %get3A_99 = arith.index_cast %squeeze3A_50 : i32 to index
        %get3A_100 = arith.constant 80 : index
        %get3A_101 = tpu.vector_load %arg8[%get3A_99, %get3A_100] {strides = array<i32>} : memref<321x128xf32, #tpu.memory_space<vmem>>, vector<16xf32>,
        %get3A_102 = arith.index_cast %scan3A_46 : i32 to index
        %get3A_103 = arith.constant 80 : index
        %get3A_104 = tpu.vector_load %arg11[%get3A_102, %get3A_103] {strides = array<i32>} : memref<400x128xf32, #tpu.memory_space<vmem>>, vector<16xf32>,
        %max3A_105 = arith.maximumf %get3A_101, %get3A_104 : vector<16xf32>
        %swap3A_106 = arith.index_cast %squeeze3A_50 : i32 to index
        %swap3A_107 = arith.constant 80 : index
        %swap3A_108 = tpu.vector_load %arg8[%swap3A_106, %swap3A_107] {strides = array<i32>} : memref<321x128xf32, #tpu.memory_space<vmem>>, vector<16xf32>,
        tpu.vector_store %arg8[%swap3A_106, %swap3A_107], %max3A_105 {strides = array<i32>} : memref<321x128xf32, #tpu.memory_space<vmem>>, vector<16xf32>,
        %get3A_109 = arith.index_cast %squeeze3A_50 : i32 to index
        %get3A_110 = arith.constant 96 : index
        %get3A_111 = tpu.vector_load %arg8[%get3A_109, %get3A_110] {strides = array<i32>} : memref<321x128xf32, #tpu.memory_space<vmem>>, vector<16xf32>,
        %get3A_112 = arith.index_cast %scan3A_46 : i32 to index
        %get3A_113 = arith.constant 96 : index
        %get3A_114 = tpu.vector_load %arg11[%get3A_112, %get3A_113] {strides = array<i32>} : memref<400x128xf32, #tpu.memory_space<vmem>>, vector<16xf32>,
        %max3A_115 = arith.maximumf %get3A_111, %get3A_114 : vector<16xf32>
        %swap3A_116 = arith.index_cast %squeeze3A_50 : i32 to index
        %swap3A_117 = arith.constant 96 : index
        %swap3A_118 = tpu.vector_load %arg8[%swap3A_116, %swap3A_117] {strides = array<i32>} : memref<321x128xf32, #tpu.memory_space<vmem>>, vector<16xf32>,
        tpu.vector_store %arg8[%swap3A_116, %swap3A_117], %max3A_115 {strides = array<i32>} : memref<321x128xf32, #tpu.memory_space<vmem>>, vector<16xf32>,
        %get3A_119 = arith.index_cast %squeeze3A_50 : i32 to index
        %get3A_120 = arith.constant 112 : index
        %get3A_121 = tpu.vector_load %arg8[%get3A_119, %get3A_120] {strides = array<i32>} : memref<321x128xf32, #tpu.memory_space<vmem>>, vector<16xf32>,
        %get3A_122 = arith.index_cast %scan3A_46 : i32 to index
        %get3A_123 = arith.constant 112 : index
        %get3A_124 = tpu.vector_load %arg11[%get3A_122, %get3A_123] {strides = array<i32>} : memref<400x128xf32, #tpu.memory_space<vmem>>, vector<16xf32>,
        %max3A_125 = arith.maximumf %get3A_121, %get3A_124 : vector<16xf32>
        %swap3A_126 = arith.index_cast %squeeze3A_50 : i32 to index
        %swap3A_127 = arith.constant 112 : index
        %swap3A_128 = tpu.vector_load %arg8[%swap3A_126, %swap3A_127] {strides = array<i32>} : memref<321x128xf32, #tpu.memory_space<vmem>>, vector<16xf32>,
        tpu.vector_store %arg8[%swap3A_126, %swap3A_127], %max3A_125 {strides = array<i32>} : memref<321x128xf32, #tpu.memory_space<vmem>>, vector<16xf32>,
      }
      %scan3A_45 = arith.constant 400 : i32
    }
    "tpu.region"() ({
      %run_scoped3A = tpu.sem_alloc : memref<!tpu.dma_semaphore, #tpu.memory_space<semaphore_mem>>
      %dma_start3A = arith.constant 0 : i32
      %dma_start3A_32 = arith.constant 0 : i32
      %dma_start3A_33 = tpu.memref_slice %arg8[%dma_start3A, %dma_start3A_32] : memref<321x128xf32, #tpu.memory_space<vmem>> -> memref<320x128xf32, #tpu.memory_space<vmem>>
      %dma_start3A_34 = arith.constant 0 : i32
      %dma_start3A_35 = tpu.memref_slice %arg7[%mul3A_2, %dma_start3A_34] : memref<10240x128xf32, #tpu.memory_space<hbm>> -> memref<320x128xf32, #tpu.memory_space<hbm>>
      %dma_start3A_36 = arith.constant 0 : i32
      %dma_start3A_37 = tpu.memref_slice %arg7[%mul3A_2, %dma_start3A_36] : memref<10240x128xf32, #tpu.memory_space<hbm>> -> memref<320x128xf32, #tpu.memory_space<hbm>>
      %dma_start3A_38 = arith.constant 0 : i32
      %dma_start3A_39 = arith.constant 0 : i32
      %dma_start3A_40 = tpu.memref_slice %arg8[%dma_start3A_38, %dma_start3A_39] : memref<321x128xf32, #tpu.memory_space<vmem>> -> memref<320x128xf32, #tpu.memory_space<vmem>>
      tpu.enqueue_dma source(%dma_start3A_40 : memref<320x128xf32, #tpu.memory_space<vmem>>) target(%dma_start3A_37 : memref<320x128xf32, #tpu.memory_space<hbm>>) target_semaphore(%run_scoped3A : memref<!tpu.dma_semaphore, #tpu.memory_space<semaphore_mem>>)
      %dma_wait3A = arith.constant 0 : i32
      %dma_wait3A_41 = arith.constant 0 : i32
      %dma_wait3A_42 = tpu.memref_slice %arg8[%dma_wait3A, %dma_wait3A_41] : memref<321x128xf32, #tpu.memory_space<vmem>> -> memref<320x128xf32, #tpu.memory_space<vmem>>
      %dma_wait3A_43 = arith.constant 0 : i32
      %dma_wait3A_44 = tpu.memref_slice %arg7[%mul3A_2, %dma_wait3A_43] : memref<10240x128xf32, #tpu.memory_space<hbm>> -> memref<320x128xf32, #tpu.memory_space<hbm>>
      %dma_wait3A_45 = arith.constant 0 : i32
      %dma_wait3A_46 = tpu.memref_slice %arg7[%mul3A_2, %dma_wait3A_45] : memref<10240x128xf32, #tpu.memory_space<hbm>> -> memref<320x128xf32, #tpu.memory_space<hbm>>
      %dma_wait3A_47 = arith.constant 0 : i32
      %dma_wait3A_48 = arith.constant 0 : i32
      %dma_wait3A_49 = tpu.memref_slice %arg8[%dma_wait3A_47, %dma_wait3A_48] : memref<321x128xf32, #tpu.memory_space<vmem>> -> memref<320x128xf32, #tpu.memory_space<vmem>>
      tpu.wait_dma2 semaphore(%run_scoped3A : memref<!tpu.dma_semaphore, #tpu.memory_space<semaphore_mem>>) src(%dma_wait3A_49 : memref<320x128xf32, #tpu.memory_space<vmem>>) dst(%dma_wait3A_46 : memref<320x128xf32, #tpu.memory_space<hbm>>)
      tpu.yield
    }) : () -> ()
    return
  }
}

</mosaic_0001>

<sc_bundles>
// kernel: kernel.12.cloned.1.call-start
scs
__scs_entry_jumppad:
0x0: {  	(pc) =	sbr.rel $0x88, $3  }
0x1: {  	(tag) =	ssettag $0x0;
	lr =	simm.s32 $0x1  }
0x2: {  	[smem:$0x3F4D] =	sst lr;
	_ =	strace $0xD0000000  }
0x3: {  	_ = 	snop  }
0x4: {  	_ = 	snop  }
0x5: {  	_ = 	snop  }
0x6: {  	_ = 	snop  }
0x7: {  	_ = 	snop  }
__scs_overlays_trampoline_lowered:
0x8: {  	[smem:$0x3F5C] =	sst s0  }
0x9: {  	[smem:$0x3F5D] =	sst s1  }
0xa: {  	[smem:$0x3F5E] =	sst s2  }
0xb: {  	[smem:$0x3F5F] =	sst s3  }
0xc: {  	[smem:$0x3F60] =	sst s4  }
0xd: {  	[smem:$0x3F61] =	sst s5  }
0xe: {  	[smem:$0x3F62] =	sst s6  }
0xf: {  	[smem:$0x3F63] =	sst s7  }
0x10: {  	[smem:$0x3F64] =	sst s8  }
0x11: {  	[smem:$0x3F65] =	sst s9;
	s0 =	simm.s32 @!p0 $0x0  }
0x12: {  	s1 =	sld [smem:$0x3F4B];
	s0 =	simm.s32 @p0 $0x1  }
0x13: {  	[smem:$0x3F66] =	sst s0;
	s0 =	simm.s32 @!p1 $0x0  }
0x14: {  	s2 =	sld [smem:$0x3F4A];
	s0 =	simm.s32 @p1 $0x1  }
0x15: {  	[smem:$0x3F67] =	sst s0;
	s0 =	simm.s32 @!p2 $0x0  }
0x16: {  	s3 =	sld [smem:$0x3FDB];
	s0 =	simm.s32 @p2 $0x1  }
0x17: {  	s4 =	simm.s32 $0x1BF5;
	[smem:$0x3F69] =	sst s0  }
0x18: {  	s0 =	sld [smem:$0x3F4C];
	_ =	swait.ge [sflag:s4], $0x0  }
0x19: {  	s7 =	sld [smem:$0x3F4D]  }
0x1a: {  	s8 =	sadd.s32 $0xFFFFE003, lr  }
0x1b: {  	s9 =	sadd.s32 $0xFFFFFEF7, lr;
	s5 =	simm.s32 $0xFFFFFFFF;
	p2 =	slt.u32 s8, $0xFFFFF086  }
0x1c: {  	p1 =	slt.u32 s9, $0xF7A;
	s5 =	simm.s32 @!p2 $0x0  }
0x1d: {  	s5 =	simm.s32 @p1 $0x1;
	p0 =	seq.s32 s7, s2  }
0x1e: {  	s7 =	smul.u32 @!p0 $0xF7A, s2;
	p2 =	seq.s32 @!p0 s5, $0x0  }
0x1f: {  	s9 =	smul.u32 $0xF7A, s1;
	s8 =	simm.s32 @!p0 $0x1BF5;
	p2 =	por !p2, p0  }
0x20: {  	[sflag:s8] =	ssyncset.s32 @!p0 $0xFFFFF086;
	s6 =	sadd.s32 @!p0 s3, s7;
	s7 =	simm.s32 @!p0 $0x108  }
0x21: {  	s3 =	sadd.s32 s3, s9;
	s6 =	sadd.s32 @!p0 $0x88, s6;
	s7 =	simm.s32 @p2 $0x1082  }
0x22: {  	[simem:s7], [sflag:s8] =	dma.local @!p0 [hbm:s6], $0xF7A  }
0x23: {  	s9 =	sor.u32 $0xD0000000, s2;
	s6 =	simm.s32 $0x108;
	_ =	swait.ge @!p0 [sflag:s8], $0x0  }
0x24: {  	s3 =	sadd.s32 $0x88, s3;
	s6 =	simm.s32 @!p1 $0x1082;
	[sflag:s4] =	ssyncset.s32 $0xFFFFF086  }
0x25: {  	[simem:s6], [sflag:s4] =	dma.local [hbm:s3], $0xF7A  }
0x26: {  	[smem:$0x3F4D] =	sst s1;
	(tag) =	ssettag s2;
	_ =	strace s9  }
0x27: {  	s1 =	sld [smem:$0x3F5D]  }
0x28: {  	s2 =	sld [smem:$0x3F5E]  }
0x29: {  	s4 =	sld [smem:$0x3F60]  }
0x2a: {  	p0 =	seq.s32 s5, $0x0;
	s5 =	sld [smem:$0x3F61]  }
0x2b: {  	s6 =	sld [smem:$0x3F62]  }
0x2c: {  	s7 =	sld [smem:$0x3F63]  }
0x2d: {  	s3 =	simm.s32 $0x108;
	s8 =	sld [smem:$0x3F64]  }
0x2e: {  	s3 =	simm.s32 @!p0 $0x1082;
	s9 =	sld [smem:$0x3F65]  }
0x2f: {  	lr =	sadd.s32 s0, s3;
	s0 =	sld [smem:$0x3F5C]  }
0x30: {  	s3 =	sld [smem:$0x3F5F]  }
0x31: {  	[smem:$0x3F68] =	sst s10  }
0x32: {  	s10 =	sld [smem:$0x3F66];
	_ =	sdelay $0x3  }
0x33: {  	p0 =	seq.s32 s10, $0x1;
	s10 =	sld [smem:$0x3F68];
	_ =	sdelay $0x3  }
0x34: {  	[smem:$0x3F68] =	sst s10  }
0x35: {  	s10 =	sld [smem:$0x3F67];
	_ =	sdelay $0x3  }
0x36: {  	p1 =	seq.s32 s10, $0x1;
	s10 =	sld [smem:$0x3F68];
	_ =	sdelay $0x3  }
0x37: {  	[smem:$0x3F68] =	sst s10  }
0x38: {  	s10 =	sld [smem:$0x3F69]  }
0x39: {  	_ = 	snop;
	(pc) =	sbr.ind lr, $3  }
0x3a: {  	_ = 	snop  }
0x3b: {  	_ = 	snop  }
0x3c: {  	p2 =	seq.s32 s10, $0x1;
	s10 =	sld [smem:$0x3F68]  }
0x3d: {  	_ =	shalt  }
0x3e: {  	_ =	shalt  }
0x3f: {  	_ =	shalt  }
0x40: {  	_ =	shalt  }
0x41: {  	_ =	shalt  }
0x42: {  	_ =	shalt  }
0x43: {  	_ =	shalt  }
0x44: {  	_ =	shalt  }
0x45: {  	_ =	shalt  }
0x46: {  	_ =	shalt  }
0x47: {  	_ =	shalt  }
0x48: {  	_ =	shalt  }
0x49: {  	_ =	shalt  }
0x4a: {  	_ =	shalt  }
0x4b: {  	_ =	shalt  }
0x4c: {  	_ =	shalt  }
0x4d: {  	_ =	shalt  }
0x4e: {  	_ =	shalt  }
0x4f: {  	_ =	shalt  }
0x50: {  	_ =	shalt  }
0x51: {  	_ =	shalt  }
0x52: {  	_ =	shalt  }
0x53: {  	_ =	shalt  }
0x54: {  	_ =	shalt  }
0x55: {  	_ =	shalt  }
0x56: {  	_ =	shalt  }
0x57: {  	_ =	shalt  }
0x58: {  	_ =	shalt  }
0x59: {  	_ =	shalt  }
0x5a: {  	_ =	shalt  }
0x5b: {  	_ =	shalt  }
0x5c: {  	_ =	shalt  }
0x5d: {  	_ =	shalt  }
0x5e: {  	_ =	shalt  }
0x5f: {  	_ =	shalt  }
0x60: {  	_ =	shalt  }
0x61: {  	_ =	shalt  }
0x62: {  	_ =	shalt  }
0x63: {  	_ =	shalt  }
0x64: {  	_ =	shalt  }
0x65: {  	_ =	shalt  }
0x66: {  	_ =	shalt  }
0x67: {  	_ =	shalt  }
0x68: {  	_ =	shalt  }
0x69: {  	_ =	shalt  }
0x6a: {  	_ =	shalt  }
0x6b: {  	_ =	shalt  }
0x6c: {  	_ =	shalt  }
0x6d: {  	_ =	shalt  }
0x6e: {  	_ =	shalt  }
0x6f: {  	_ =	shalt  }
0x70: {  	_ =	shalt  }
0x71: {  	_ =	shalt  }
0x72: {  	_ =	shalt  }
0x73: {  	_ =	shalt  }
0x74: {  	_ =	shalt  }
0x75: {  	_ =	shalt  }
0x76: {  	_ =	shalt  }
0x77: {  	_ =	shalt  }
0x78: {  	_ =	shalt  }
0x79: {  	_ =	shalt  }
0x7a: {  	_ =	shalt  }
0x7b: {  	_ =	shalt  }
0x7c: {  	_ =	shalt  }
0x7d: {  	_ =	shalt  }
0x7e: {  	_ =	shalt  }
0x7f: {  	_ =	shalt  }
0x80: {  	_ =	shalt  }
0x81: {  	_ =	shalt  }
0x82: {  	_ =	shalt  }
0x83: {  	_ =	shalt  }
0x84: {  	_ =	shalt  }
0x85: {  	_ =	shalt  }
0x86: {  	_ =	shalt  }
0x87: {  	_ =	shalt  }
.Lfunc_end0:
.L_simem_size_0:
called_computation.2_lowered:
.L_overlay_start_0:
0x88: {  	s2 =	sld [smem:$0x3FD9]  }
0x89: {  	s3 =	sld [smem:$0x3FFE];
	_ =	sdelay $0x1  }
0x8a: {  	s1 =	srdreg.scid  }
0x8b: {  	s0 =	sand.u32 $0x1, s1  }
0x8c: {  	s14 =	sshll.u32 s0, $0xA;
	s2 =	sadd.s32 s3, s2  }
0x8d: {  	s2 =	sadd.s32 s2, s14  }
0x8e: {  	[smem:$0x3F74] =	sst s2  }
0x8f: {  	_ = 	snop  }
0x90: {  	s2 =	sld [smem:$0x3FD0];
	_ =	sdelay $0x2  }
0x91: {  	s15 =	simm.s32 $0xA;
	s4 =	simm.s32 $0x10  }
0x92: {  	[smem:s4], [sflag:s15] =	dma.local [hbm:s2], $0x1  }
0x93: {  	_ =	swait.eq [sflag:s15], $0x1  }
0x94: {  	[sflag:s15] =	ssyncset.done $0x0  }
0x95: {  	[sflag:s15] =	ssyncadd.s32 $0xFFFFFFFF  }
0x96: {  	s16 =	sld [smem:$0x11];
	(tm) =	ssettm $0x1  }
0x97: {  	s17 =	sld [smem:$0x3FFB];
	_ =	sdelay $0x3  }
0x98: {  	_ =	strace s17  }
0x99: {  	s3 =	sld [smem:$0x3FFC];
	_ =	sdelay $0x3  }
0x9a: {  	_ =	strace s3  }
0x9b: {  	s3 =	sld [smem:$0x3FFD];
	_ =	sdelay $0x3  }
0x9c: {  	_ =	strace s3  }
0x9d: {  	_ =	strace $0x8FFFFFFF  }
0x9e: {  	s18 =	sld [smem:$0x3FDB];
	_ =	sdelay $0x1  }
0x9f: {  	s19 =	simm.s32 $_scs_section_size  }
0xa0: {  	s5 =	simm.s32 $_size__tile_overlayer_lowered;
	s6 =	simm.s32 $_tile_overlayer_lowered  }
0xa1: {  	s22 =	simm.s32 $0x1BFF;
	s21 =	sshll.u32 s6, $0x1;
	s3 =	sadd.s32 s19, s18  }
0xa2: {  	s7 =	simm.s32 $0x0;
	s20 =	sshll.u32 s5, $0x1;
	s5 =	sadd.s32 s21, s3  }
0xa3: {  	[timem:s7], [sflag:s22] =	dma.local [hbm:s5], s20  }
0xa4: {  	_ =	swait.ge [sflag:s22], s20  }
0xa5: {  	s4 =	ssub.s32 $0x0, s20;
	[sflag:s22] =	ssyncset.done $0x0  }
0xa6: {  	[sflag:s22] =	ssyncadd.s32 s4;
	_ =	sdelay $0x1  }
0xa7: {  	s23 =	simm.s32 $0x1B8B  }
0xa8: {  	_ =	swait.ge [sflag:s23], $0x1  }
0xa9: {  	[sflag:s23] =	ssyncset.done $0x0  }
0xaa: {  	s25 =	simm.s32 $0x1B8E;
	s24 =	sld [smem:$0x3FFE];
	[sflag:s23] =	ssyncadd.s32 $0xFFFFFFFF  }
0xab: {  	s26 =	simm.s32 $execute0_lowered;
	[smem:$0x3FD2] =	sst s25  }
0xac: {  	s5 =	sshll.u32 s26, $0x1;
	_ =	strace $0x8000004C;
	[dreg:$0x1] =	wrdreg $0xFFFFFFFF  }
0xad: {  	s28 =	simm.s32 $_size_execute0_lowered;
	s3 =	sadd.s32 s3, s5;
	[dreg:$0x0] =	wrdreg $0x0  }
0xae: {  	s5 =	sshll.u32 s28, $0x1;
	[dreg:$0x2] =	wrdreg s3  }
0xaf: {  	[dreg:$0x3] =	wrdreg s5  }
0xb0: {  	[dreg:$0x4] =	wrdreg $0xC0  }
0xb1: {  	_ =	task [dreg:s7], $0x5FFFF  }
0xb2: {  	[dreg:$0x1] =	wrdreg $0xFFFFFFFF  }
0xb3: {  	[dreg:$0x0] =	wrdreg $0x60  }
0xb4: {  	[dreg:$0x2] =	wrdreg s24  }
0xb5: {  	[dreg:$0x3] =	wrdreg s16  }
0xb6: {  	[dreg:$0x4] =	wrdreg $0x9  }
0xb7: {  	_ =	task.clear_ibuf [dreg:s7], $0x5FFFF;
	_ =	strace $0x9000004C  }
0xb8: {  	s29 =	simm.s32 $0x9;
	_ =	strace $0x8000004E  }
0xb9: {  	_ =	swait.ge [sflag:s29], $0x1  }
0xba: {  	[sflag:s29] =	ssyncadd.s32 $0xFFFFFFFF  }
0xbb: {  	_ =	strace $0x9000004E  }
0xbc: {  	_ =	sfence  }
0xbd: {  	s30 =	sld [smem:$0x0];
	_ =	sdelay $0x2  }
0xbe: {  	s31 =	sshll.u32 s1, $0xD;
	s1 =	sshrl.u32 s1, $0x2  }
0xbf: {  	s3 =	sand.u32 $0x4000, s31;
	s1 =	sadd.s32 s1, s30  }
0xc0: {  	s0 =	sor.u32 s3, s0;
	s1 =	sshll.u32 s1, $0x11  }
0xc1: {  	s0 =	sor.u32 s1, s0  }
0xc2: {  	s0 =	sadd.s32 $0x8F2B, s0  }
0xc3: {  	[sflag:s0] =	ssyncadd.remote.s32 $0x1  }
0xc4: {  	_ =	sfence.sel $0xFFFF  }
0xc5: {  	[dreg:$0x0] =	wrdreg $0xFFFFFFFF;
	(pc) =	sbr.abs _section_cstart, $3  }
0xc6: {  	[dreg:$0x1] =	wrdreg $0xFFFFFFFF  }
0xc7: {  	_ =	task.clear_ibuf [dreg:s7], $0x2FFFF;
	_ =	strace $0x9FFFFFFF  }
0xc8: {  	(tm) =	ssettm $0x7FFFFFFF  }
0xc9: {  	_ =	shalt  }
tec
execute0_lowered:
.L_overlay_start_1:
0x0: {  	(tag) =	ssettag $0x1  }
0x1: {  	s5 =	rddreg [dreg:$0x0]  }
0x2: {  	s1 =	srdreg.scid;
	s0 =	stileid.u32  }
0x3: {  	s7 =	rddreg [dreg:$0x1];
	s2 =	simm.s32 $0x0;
	s12 =	simm.s32 $0x17000  }
0x4: {  	s13 =	simm.s32 $0x1;
	s14 =	simm.s32 $0xA400;
	s15 =	simm.s32 $0xA600  }
0x5: {  	s16 =	simm.s32 $0x190;
	s4 =	sand.u32 $0x1, s1;
	s3 =	sshll.u32 s0, $0x1  }
0x6: {  	s17 =	simm.s32 $0xA800;
	s1 =	rddreg [dreg:$0x2];
	s8 =	sor.u32 s4, s3  }
0x7: {  	s18 =	simm.s32 $0x0;
	[smem:$0x7FF] =	sst s2;
	s6 =	smul.u32 $0x1400, s8  }
.Ltmp0:
0x8: {  	_ =	strace $0x8000004D;
	s9 =	ssub.s32 $0x2, s4;
	(pc) =	sbr.rel .LBB2_1-.Ltmp0, $4  }
0x9: {  	s3 =	sadd.s32 $0xA46400, s5;
	s4 =	sadd.s32 $0x9E00, s5;
	s31 =	sshrl.u32 s9, $0x1  }
0xa: {  	s7 =	sadd.s32 s7, s8;
	s8 =	sshll.u32 s8, $0xE;
	s10 =	sadd.s32 s6, s5  }
0xb: {  	s11 =	ssub.s32 s9, s31;
	s5 =	sadd.s32 $0x19E00, s5;
	s6 =	sadd.s32 $0x53D200, s10  }
0xc: {  	s9 =	sadd.s32 $0x565200, s10;
	s10 =	smax.u32 s11, $0x1;
	s11 =	simm.s32 $0x2  }
.LBB2_5:
0xd: {  	s18 =	sadd.s32 $0x1, s18  }
0xe: {  	p0 =	sne.s32 s18, s10  }
.Ltmp1:
0xf: {  	_ = 	snop;
	(pc) =	sbr.rel @!p0 .LBB2_6-.Ltmp1, $4  }
0x10: {  	[hbm4b:s9+s2] =	stream.linear.scatter [tilespmem:s2], [sflag:$0x2], $0xA000, $0x38;
	[tilespmem:$0x17080] =	vst v63  }
0x11: {  	_ =	swait.ge [sflag:s11], $0xA000  }
0x12: {  	[sflag:s11] =	ssyncset.done $0x0  }
0x13: {  	[sflag:s11] =	ssyncadd.s32 $0xFFFF6000  }
.LBB2_1:
0x14: {  	[tilespmem:s2], [sflag:$0x2] =	stream.linear.gather [hbm4b:s6+s2], $0xA000, $0x38;
	[tilespmem:$0x17080] =	vst v63  }
0x15: {  	_ =	swait.ge [sflag:s11], $0xA000  }
0x16: {  	[sflag:s11] =	ssyncset.done $0x0  }
0x17: {  	[sflag:s11] =	ssyncadd.s32 $0xFFFF6000  }
0x18: {  	[tilespmem:s12], [sflag:$0x2] =	stream.linear.gather [hbm4b:s7+s2], $0x8, $0x38;
	[tilespmem:$0x17080] =	vst v63  }
0x19: {  	_ =	swait.ge [sflag:s11], $0x8  }
0x1a: {  	[sflag:s11] =	ssyncset.done $0x0  }
0x1b: {  	[sflag:s11] =	ssyncadd.s32 $0xFFFFFFF8  }
0x1c: {  	v0 =	vld [tilespmem:$0x17000];
	_ =	sdelay $0x4  }
0x1d: {  	(v2sf) =	vpush v0, $0x0;
	_ =	sdelay $0xe  }
0x1e: {  	s19 =	spop (v2sf)  }
0x1f: {  	s20 =	sadd.s32 $0x18F, s19  }
0x20: {  	s21 =	smulhi.u32 $0x51EB851F, s20;
	s22 =	sshra.s32 s20, $0x1F  }
0x21: {  	s22 =	smul.u32 $0x51EB851F, s22;
	_ =	sdelay $0x1  }
0x22: {  	s21 =	sadd.s32 s22, s21  }
0x23: {  	s22 =	sshrl.u32 s21, $0x1F;
	s21 =	sshra.s32 s21, $0x7  }
0x24: {  	s21 =	sadd.s32 s22, s21  }
0x25: {  	s22 =	smul.u32 $0xFFFFFE70, s21  }
0x26: {  	s19 =	ssub.s32 $0xFFFFFE71, s19  }
0x27: {  	p0 =	slt.s32 s20, $0x1;
	p1 =	sne.s32 s22, s19  }
0x28: {  	p0 =	por !p0, !p1  }
0x29: {  	s19 =	simm.s32 $0x1;
	p0 =	por !p0, !p0  }
0x2a: {  	s19 =	simm.s32 @!p0 $0x0  }
0x2b: {  	s19 =	ssub.s32 s21, s19  }
0x2c: {  	p0 =	slt.s32 s19, $0x1  }
.Ltmp2:
0x2d: {  	_ = 	snop;
	(pc) =	sbr.rel @p0 .LBB2_5-.Ltmp2, $2  }
0x2e: {  	_ =	sdelay $0x2  }
0x2f: {  	s20 =	simm.s32 $0x0  }
.LBB2_2:
0x30: {  	s21 =	smul.u32 $0x190, s20;
	_ =	sdelay $0x1  }
0x31: {  	s21 =	sadd.s32 s8, s21  }
0x32: {  	s21 =	sshrl.u32 s21, $0x3  }
0x33: {  	s23 =	simm.s32 $0x0;
	s22 =	sadd.s32 s4, s21  }
0x34: {  	[tilespmem:s14], [sflag:$0x2] =	stream.linear.gather [hbm4b:s22+s23], $0x190, $0x38;
	[tilespmem:$0x17080] =	vst v63  }
0x35: {  	_ =	swait.ge [sflag:s11], $0x190  }
0x36: {  	[sflag:s11] =	ssyncset.done $0x0  }
0x37: {  	s21 =	sadd.s32 s5, s21;
	[sflag:s11] =	ssyncadd.s32 $0xFFFFFE70  }
0x38: {  	[tilespmem:s15], [sflag:$0x2] =	stream.linear.gather [hbm4b:s21+s23], $0x190, $0x38;
	[tilespmem:$0x17080] =	vst v63  }
0x39: {  	_ =	swait.ge [sflag:s11], $0x190  }
0x3a: {  	[sflag:s11] =	ssyncset.done $0x0  }
0x3b: {  	[sflag:s11] =	ssyncadd.s32 $0xFFFFFE70  }
0x3c: {  	[tilespmem:s17], [sflag:$0x1] =	stream.indirect.gather [hbm4b:s3+s16], $0x80, s14, s16, $0xb8;
	[tilespmem:$0x17080] =	vst v63  }
0x3d: {  	_ =	swait.ge [sflag:s13], $0xC800  }
0x3e: {  	[sflag:s13] =	ssyncset.done $0x0  }
0x3f: {  	s30 =	simm.s32 $0x0;
	[sflag:s13] =	ssyncadd.s32 $0xFFFF3800  }
0x40: {  	v0 =	vld [tilespmem:s30+$0xA600];
	_ =	sdelay $0x4  }
0x41: {  	(v2sf) =	vpush v0, $0x0;
	_ =	sdelay $0xe  }
0x42: {  	s31 =	spop (v2sf)  }
0x43: {  	s21 =	simm.s32 $0xA840;
	s22 =	sshll.u32 s31, $0x9  }
0x44: {  	v0 =	vld [tilespmem:s21+$0xFFFFFFC0];
	s22 =	sshra.s32 s22, $0x2  }
0x45: {  	v1 =	vld [tilespmem:s22+$0x0];
	_ =	sdelay $0x4  }
0x46: {  	v0 =	vmax.f32 v1, v0  }
0x47: {  	[tilespmem:s22+$0x0] =	vst v0;
	v0 =	vld [tilespmem:s22+$0x10]  }
0x48: {  	v1 =	vld [tilespmem:s21+$0xFFFFFFD0];
	_ =	sdelay $0x4  }
0x49: {  	v0 =	vmax.f32 v0, v1  }
0x4a: {  	[tilespmem:s22+$0x10] =	vst v0;
	v0 =	vld [tilespmem:s22+$0x20]  }
0x4b: {  	v1 =	vld [tilespmem:s21+$0xFFFFFFE0];
	_ =	sdelay $0x4  }
0x4c: {  	v0 =	vmax.f32 v0, v1  }
0x4d: {  	[tilespmem:s22+$0x20] =	vst v0;
	v0 =	vld [tilespmem:s22+$0x30]  }
0x4e: {  	v1 =	vld [tilespmem:s21+$0xFFFFFFF0];
	_ =	sdelay $0x4  }
0x4f: {  	v0 =	vmax.f32 v0, v1  }
0x50: {  	[tilespmem:s22+$0x30] =	vst v0;
	v0 =	vld [tilespmem:s22+$0x40]  }
0x51: {  	v1 =	vld [tilespmem:s21+$0x0];
	_ =	sdelay $0x4  }
0x52: {  	v0 =	vmax.f32 v0, v1  }
0x53: {  	[tilespmem:s22+$0x40] =	vst v0;
	v0 =	vld [tilespmem:s22+$0x50]  }
0x54: {  	v1 =	vld [tilespmem:s21+$0x10];
	_ =	sdelay $0x4  }
0x55: {  	v0 =	vmax.f32 v0, v1  }
0x56: {  	[tilespmem:s22+$0x50] =	vst v0;
	v0 =	vld [tilespmem:s22+$0x60]  }
0x57: {  	v1 =	vld [tilespmem:s21+$0x20];
	_ =	sdelay $0x4  }
0x58: {  	v0 =	vmax.f32 v0, v1  }
0x59: {  	[tilespmem:s22+$0x60] =	vst v0;
	v0 =	vld [tilespmem:s22+$0x70]  }
0x5a: {  	v1 =	vld [tilespmem:s21+$0x30];
	_ =	sdelay $0x4  }
0x5b: {  	s25 =	simm.s32 $0x8;
	s23 =	simm.s32 $0x4;
	v0 =	vmax.f32 v0, v1  }
.LBB2_3:
0x5c: {  	s26 =	sshra.s32 s23, $0x2  }
0x5d: {  	[tilespmem:s22+$0x70] =	vst v0;
	s21 =	sadd.s32 $0x80, s21;
	s23 =	smov.u32 s25;
	s24 =	sadd.s32 $0x4, s25  }
0x5e: {  	p0 =	sne.s32 s25, $0x63C;
	v0 =	vld [tilespmem:s26+$0xA600];
	_ =	sdelay $0x4  }
0x5f: {  	(v2sf) =	vpush v0, $0x0;
	_ =	sdelay $0xe  }
0x60: {  	s22 =	spop (v2sf)  }
0x61: {  	s22 =	sshll.u32 s22, $0x9  }
0x62: {  	s22 =	sshra.s32 s22, $0x2;
	v0 =	vld [tilespmem:s21+$0xFFFFFFC0]  }
0x63: {  	v1 =	vld [tilespmem:s22+$0x0];
	_ =	sdelay $0x4  }
0x64: {  	v0 =	vmax.f32 v1, v0  }
0x65: {  	[tilespmem:s22+$0x0] =	vst v0;
	v0 =	vld [tilespmem:s22+$0x10]  }
0x66: {  	v1 =	vld [tilespmem:s21+$0xFFFFFFD0];
	_ =	sdelay $0x4  }
0x67: {  	v0 =	vmax.f32 v0, v1  }
0x68: {  	[tilespmem:s22+$0x10] =	vst v0;
	v0 =	vld [tilespmem:s22+$0x20]  }
0x69: {  	v1 =	vld [tilespmem:s21+$0xFFFFFFE0];
	_ =	sdelay $0x4  }
0x6a: {  	v0 =	vmax.f32 v0, v1  }
0x6b: {  	[tilespmem:s22+$0x20] =	vst v0;
	v0 =	vld [tilespmem:s22+$0x30]  }
0x6c: {  	v1 =	vld [tilespmem:s21+$0xFFFFFFF0];
	_ =	sdelay $0x4  }
0x6d: {  	v0 =	vmax.f32 v0, v1  }
0x6e: {  	[tilespmem:s22+$0x30] =	vst v0;
	v0 =	vld [tilespmem:s22+$0x40]  }
0x6f: {  	v1 =	vld [tilespmem:s21+$0x0];
	_ =	sdelay $0x4  }
0x70: {  	v0 =	vmax.f32 v0, v1  }
0x71: {  	[tilespmem:s22+$0x40] =	vst v0;
	v0 =	vld [tilespmem:s22+$0x50]  }
0x72: {  	v1 =	vld [tilespmem:s21+$0x10];
	_ =	sdelay $0x4  }
0x73: {  	v0 =	vmax.f32 v0, v1  }
0x74: {  	[tilespmem:s22+$0x50] =	vst v0;
	v0 =	vld [tilespmem:s22+$0x60]  }
0x75: {  	v1 =	vld [tilespmem:s21+$0x20];
	_ =	sdelay $0x4  }
0x76: {  	v0 =	vmax.f32 v0, v1  }
0x77: {  	[tilespmem:s22+$0x60] =	vst v0;
	v0 =	vld [tilespmem:s22+$0x70]  }
0x78: {  	v1 =	vld [tilespmem:s21+$0x30]  }
.Ltmp3:
0x79: {  	(pc) =	sbr.rel @p0 .LBB2_3-.Ltmp3, $2  }
0x7a: {  	_ =	sdelay $0x2  }
0x7b: {  	s25 =	smov.u32 s24;
	v0 =	vmax.f32 v0, v1  }
0x7c: {  	s23 =	sshra.s32 s23, $0x2;
	[tilespmem:s22+$0x70] =	vst v0  }
0x7d: {  	v0 =	vld [tilespmem:s23+$0xA600];
	_ =	sdelay $0x4  }
0x7e: {  	(v2sf) =	vpush v0, $0x0;
	_ =	sdelay $0xe  }
0x7f: {  	s31 =	spop (v2sf)  }
0x80: {  	s21 =	sadd.s32 $0x80, s21;
	s22 =	sshll.u32 s31, $0x9  }
0x81: {  	v49 =	vld [tilespmem:s21+$0xFFFFFFC0];
	s22 =	sshra.s32 s22, $0x2  }
0x82: {  	v1 =	vld [tilespmem:s22+$0x0];
	_ =	sdelay $0x4  }
0x83: {  	v0 =	vmax.f32 v1, v49  }
0x84: {  	v50 =	vld [tilespmem:s22+$0x10];
	[tilespmem:s22+$0x0] =	vst v0  }
0x85: {  	v51 =	vld [tilespmem:s21+$0xFFFFFFD0];
	_ =	sdelay $0x4  }
0x86: {  	v0 =	vmax.f32 v50, v51  }
0x87: {  	v52 =	vld [tilespmem:s22+$0x20];
	[tilespmem:s22+$0x10] =	vst v0  }
0x88: {  	v53 =	vld [tilespmem:s21+$0xFFFFFFE0];
	_ =	sdelay $0x4  }
0x89: {  	v0 =	vmax.f32 v52, v53  }
0x8a: {  	v54 =	vld [tilespmem:s22+$0x30];
	[tilespmem:s22+$0x20] =	vst v0  }
0x8b: {  	v55 =	vld [tilespmem:s21+$0xFFFFFFF0];
	_ =	sdelay $0x4  }
0x8c: {  	v0 =	vmax.f32 v54, v55  }
0x8d: {  	v56 =	vld [tilespmem:s22+$0x40];
	[tilespmem:s22+$0x30] =	vst v0  }
0x8e: {  	v57 =	vld [tilespmem:s21+$0x0];
	_ =	sdelay $0x4  }
0x8f: {  	v0 =	vmax.f32 v56, v57  }
0x90: {  	v58 =	vld [tilespmem:s22+$0x50];
	[tilespmem:s22+$0x40] =	vst v0  }
0x91: {  	v59 =	vld [tilespmem:s21+$0x10];
	_ =	sdelay $0x4  }
0x92: {  	v0 =	vmax.f32 v58, v59  }
0x93: {  	v60 =	vld [tilespmem:s22+$0x60];
	[tilespmem:s22+$0x50] =	vst v0  }
0x94: {  	v61 =	vld [tilespmem:s21+$0x20];
	_ =	sdelay $0x4  }
0x95: {  	v0 =	vmax.f32 v60, v61  }
0x96: {  	v62 =	vld [tilespmem:s22+$0x70];
	[tilespmem:s22+$0x60] =	vst v0  }
0x97: {  	s20 =	sadd.s32 $0x1, s20;
	v63 =	vld [tilespmem:s21+$0x30]  }
0x98: {  	p0 =	sne.s32 s20, s19  }
.Ltmp4:
0x99: {  	_ = 	snop;
	(pc) =	sbr.rel @p0 .LBB2_2-.Ltmp4, $4  }
.Ltmp5:
0x9a: {  	_ = 	snop;
	(pc) =	sbr.rel @!p0 .LBB2_5-.Ltmp5, $4  }
0x9b: {  	_ = 	snop  }
0x9c: {  	v0 =	vmax.f32 v62, v63  }
0x9d: {  	[tilespmem:s22+$0x70] =	vst v0  }
0x9e: {  	_ = 	snop  }
.LBB2_6:
0x9f: {  	_ =	sfence.sel $0x180000  }
0xa0: {  	[bflag:$0x0] =	sbarrier.arrive $0xFFFF  }
0xa1: {  	p0 =	sne.s32 s0, $0x0;
	_ =	strace $0x9000004D  }
0xa2: {  	s0 =	sadd.s32 @!p0 $0x100000, s1;
	[bflag:$0x2] =	sbarrier.arrive $0xFFFF  }
0xa3: {  	[sflag:s0] =	ssyncadd.tile.s32 @!p0 $0x1;
	_ =	shalt  }
.Lfunc_end2:
_tile_overlayer_lowered:
.L_overlay_start_2:
0xa4: {  	(tag) =	ssettag $0x2  }
0xa5: {  	s0 =	rddreg [dreg:$0x0];
	s2 =	stileid.u32  }
0xa6: {  	s1 =	rddreg [dreg:$0x1];
	p0 =	sne.s32 s2, $0x0  }
0xa7: {  	s3 =	rddreg [dreg:$0x2];
	[bflag:$0x3] =	sbarrier.arrive $0xFFFF;
	s2 =	simm.s32 @!p0 $0x1C02  }
0xa8: {  	[timem:s3], [sflag:s2] =	dma.local @!p0 [hbm:s0], s1  }
0xa9: {  	s0 =	simm.s32 @!p0 $0x2  }
0xaa: {  	_ =	swait.ge @!p0 [sflag:s0], s1  }
0xab: {  	s1 =	ssub.s32 @!p0 $0x0, s1;
	[sflag:s0] =	ssyncset.done @!p0 $0x0  }
0xac: {  	[sflag:s0] =	ssyncadd.s32 @!p0 s1  }
0xad: {  	[bflag:$0x3] =	sbarrier.arrive $0xFFFF  }
0xae: {  	_ =	shalt  }

// kernel: kernel.15.cloned.1.call-start
scs
__scs_entry_jumppad:
0x0: {  	(pc) =	sbr.rel $0x88, $3  }
0x1: {  	(tag) =	ssettag $0x0;
	lr =	simm.s32 $0x1  }
0x2: {  	[smem:$0x3F4D] =	sst lr;
	_ =	strace $0xD0000000  }
0x3: {  	_ = 	snop  }
0x4: {  	_ = 	snop  }
0x5: {  	_ = 	snop  }
0x6: {  	_ = 	snop  }
0x7: {  	_ = 	snop  }
__scs_overlays_trampoline_lowered:
0x8: {  	[smem:$0x3F5C] =	sst s0  }
0x9: {  	[smem:$0x3F5D] =	sst s1  }
0xa: {  	[smem:$0x3F5E] =	sst s2  }
0xb: {  	[smem:$0x3F5F] =	sst s3  }
0xc: {  	[smem:$0x3F60] =	sst s4  }
0xd: {  	[smem:$0x3F61] =	sst s5  }
0xe: {  	[smem:$0x3F62] =	sst s6  }
0xf: {  	[smem:$0x3F63] =	sst s7  }
0x10: {  	[smem:$0x3F64] =	sst s8  }
0x11: {  	[smem:$0x3F65] =	sst s9;
	s0 =	simm.s32 @!p0 $0x0  }
0x12: {  	s1 =	sld [smem:$0x3F4B];
	s0 =	simm.s32 @p0 $0x1  }
0x13: {  	[smem:$0x3F66] =	sst s0;
	s0 =	simm.s32 @!p1 $0x0  }
0x14: {  	s2 =	sld [smem:$0x3F4A];
	s0 =	simm.s32 @p1 $0x1  }
0x15: {  	[smem:$0x3F67] =	sst s0;
	s0 =	simm.s32 @!p2 $0x0  }
0x16: {  	s3 =	sld [smem:$0x3FDB];
	s0 =	simm.s32 @p2 $0x1  }
0x17: {  	s4 =	simm.s32 $0x1BF5;
	[smem:$0x3F69] =	sst s0  }
0x18: {  	s0 =	sld [smem:$0x3F4C];
	_ =	swait.ge [sflag:s4], $0x0  }
0x19: {  	s7 =	sld [smem:$0x3F4D]  }
0x1a: {  	s8 =	sadd.s32 $0xFFFFE003, lr  }
0x1b: {  	s9 =	sadd.s32 $0xFFFFFEF7, lr;
	s5 =	simm.s32 $0xFFFFFFFF;
	p2 =	slt.u32 s8, $0xFFFFF086  }
0x1c: {  	p1 =	slt.u32 s9, $0xF7A;
	s5 =	simm.s32 @!p2 $0x0  }
0x1d: {  	s5 =	simm.s32 @p1 $0x1;
	p0 =	seq.s32 s7, s2  }
0x1e: {  	s7 =	smul.u32 @!p0 $0xF7A, s2;
	p2 =	seq.s32 @!p0 s5, $0x0  }
0x1f: {  	s9 =	smul.u32 $0xF7A, s1;
	s8 =	simm.s32 @!p0 $0x1BF5;
	p2 =	por !p2, p0  }
0x20: {  	[sflag:s8] =	ssyncset.s32 @!p0 $0xFFFFF086;
	s6 =	sadd.s32 @!p0 s3, s7;
	s7 =	simm.s32 @!p0 $0x108  }
0x21: {  	s3 =	sadd.s32 s3, s9;
	s6 =	sadd.s32 @!p0 $0x88, s6;
	s7 =	simm.s32 @p2 $0x1082  }
0x22: {  	[simem:s7], [sflag:s8] =	dma.local @!p0 [hbm:s6], $0xF7A  }
0x23: {  	s9 =	sor.u32 $0xD0000000, s2;
	s6 =	simm.s32 $0x108;
	_ =	swait.ge @!p0 [sflag:s8], $0x0  }
0x24: {  	s3 =	sadd.s32 $0x88, s3;
	s6 =	simm.s32 @!p1 $0x1082;
	[sflag:s4] =	ssyncset.s32 $0xFFFFF086  }
0x25: {  	[simem:s6], [sflag:s4] =	dma.local [hbm:s3], $0xF7A  }
0x26: {  	[smem:$0x3F4D] =	sst s1;
	(tag) =	ssettag s2;
	_ =	strace s9  }
0x27: {  	s1 =	sld [smem:$0x3F5D]  }
0x28: {  	s2 =	sld [smem:$0x3F5E]  }
0x29: {  	s4 =	sld [smem:$0x3F60]  }
0x2a: {  	p0 =	seq.s32 s5, $0x0;
	s5 =	sld [smem:$0x3F61]  }
0x2b: {  	s6 =	sld [smem:$0x3F62]  }
0x2c: {  	s7 =	sld [smem:$0x3F63]  }
0x2d: {  	s3 =	simm.s32 $0x108;
	s8 =	sld [smem:$0x3F64]  }
0x2e: {  	s3 =	simm.s32 @!p0 $0x1082;
	s9 =	sld [smem:$0x3F65]  }
0x2f: {  	lr =	sadd.s32 s0, s3;
	s0 =	sld [smem:$0x3F5C]  }
0x30: {  	s3 =	sld [smem:$0x3F5F]  }
0x31: {  	[smem:$0x3F68] =	sst s10  }
0x32: {  	s10 =	sld [smem:$0x3F66];
	_ =	sdelay $0x3  }
0x33: {  	p0 =	seq.s32 s10, $0x1;
	s10 =	sld [smem:$0x3F68];
	_ =	sdelay $0x3  }
0x34: {  	[smem:$0x3F68] =	sst s10  }
0x35: {  	s10 =	sld [smem:$0x3F67];
	_ =	sdelay $0x3  }
0x36: {  	p1 =	seq.s32 s10, $0x1;
	s10 =	sld [smem:$0x3F68];
	_ =	sdelay $0x3  }
0x37: {  	[smem:$0x3F68] =	sst s10  }
0x38: {  	s10 =	sld [smem:$0x3F69]  }
0x39: {  	_ = 	snop;
	(pc) =	sbr.ind lr, $3  }
0x3a: {  	_ = 	snop  }
0x3b: {  	_ = 	snop  }
0x3c: {  	p2 =	seq.s32 s10, $0x1;
	s10 =	sld [smem:$0x3F68]  }
0x3d: {  	_ =	shalt  }
0x3e: {  	_ =	shalt  }
0x3f: {  	_ =	shalt  }
0x40: {  	_ =	shalt  }
0x41: {  	_ =	shalt  }
0x42: {  	_ =	shalt  }
0x43: {  	_ =	shalt  }
0x44: {  	_ =	shalt  }
0x45: {  	_ =	shalt  }
0x46: {  	_ =	shalt  }
0x47: {  	_ =	shalt  }
0x48: {  	_ =	shalt  }
0x49: {  	_ =	shalt  }
0x4a: {  	_ =	shalt  }
0x4b: {  	_ =	shalt  }
0x4c: {  	_ =	shalt  }
0x4d: {  	_ =	shalt  }
0x4e: {  	_ =	shalt  }
0x4f: {  	_ =	shalt  }
0x50: {  	_ =	shalt  }
0x51: {  	_ =	shalt  }
0x52: {  	_ =	shalt  }
0x53: {  	_ =	shalt  }
0x54: {  	_ =	shalt  }
0x55: {  	_ =	shalt  }
0x56: {  	_ =	shalt  }
0x57: {  	_ =	shalt  }
0x58: {  	_ =	shalt  }
0x59: {  	_ =	shalt  }
0x5a: {  	_ =	shalt  }
0x5b: {  	_ =	shalt  }
0x5c: {  	_ =	shalt  }
0x5d: {  	_ =	shalt  }
0x5e: {  	_ =	shalt  }
0x5f: {  	_ =	shalt  }
0x60: {  	_ =	shalt  }
0x61: {  	_ =	shalt  }
0x62: {  	_ =	shalt  }
0x63: {  	_ =	shalt  }
0x64: {  	_ =	shalt  }
0x65: {  	_ =	shalt  }
0x66: {  	_ =	shalt  }
0x67: {  	_ =	shalt  }
0x68: {  	_ =	shalt  }
0x69: {  	_ =	shalt  }
0x6a: {  	_ =	shalt  }
0x6b: {  	_ =	shalt  }
0x6c: {  	_ =	shalt  }
0x6d: {  	_ =	shalt  }
0x6e: {  	_ =	shalt  }
0x6f: {  	_ =	shalt  }
0x70: {  	_ =	shalt  }
0x71: {  	_ =	shalt  }
0x72: {  	_ =	shalt  }
0x73: {  	_ =	shalt  }
0x74: {  	_ =	shalt  }
0x75: {  	_ =	shalt  }
0x76: {  	_ =	shalt  }
0x77: {  	_ =	shalt  }
0x78: {  	_ =	shalt  }
0x79: {  	_ =	shalt  }
0x7a: {  	_ =	shalt  }
0x7b: {  	_ =	shalt  }
0x7c: {  	_ =	shalt  }
0x7d: {  	_ =	shalt  }
0x7e: {  	_ =	shalt  }
0x7f: {  	_ =	shalt  }
0x80: {  	_ =	shalt  }
0x81: {  	_ =	shalt  }
0x82: {  	_ =	shalt  }
0x83: {  	_ =	shalt  }
0x84: {  	_ =	shalt  }
0x85: {  	_ =	shalt  }
0x86: {  	_ =	shalt  }
0x87: {  	_ =	shalt  }
.Lfunc_end0:
.L_simem_size_0:
called_computation.3_lowered:
.L_overlay_start_0:
0x88: {  	s2 =	sld [smem:$0x3FD9]  }
0x89: {  	s3 =	sld [smem:$0x3FFE];
	_ =	sdelay $0x1  }
0x8a: {  	s1 =	srdreg.scid  }
0x8b: {  	s0 =	sand.u32 $0x1, s1  }
0x8c: {  	s14 =	sshll.u32 s0, $0xA;
	s2 =	sadd.s32 s3, s2  }
0x8d: {  	s2 =	sadd.s32 s2, s14  }
0x8e: {  	[smem:$0x3F74] =	sst s2  }
0x8f: {  	_ = 	snop  }
0x90: {  	s2 =	sld [smem:$0x3FD0];
	_ =	sdelay $0x2  }
0x91: {  	s15 =	simm.s32 $0xA;
	s4 =	simm.s32 $0x10  }
0x92: {  	[smem:s4], [sflag:s15] =	dma.local [hbm:s2], $0x1  }
0x93: {  	_ =	swait.eq [sflag:s15], $0x1  }
0x94: {  	[sflag:s15] =	ssyncset.done $0x0  }
0x95: {  	[sflag:s15] =	ssyncadd.s32 $0xFFFFFFFF  }
0x96: {  	s16 =	sld [smem:$0x11];
	(tm) =	ssettm $0x1  }
0x97: {  	s17 =	sld [smem:$0x3FFB];
	_ =	sdelay $0x3  }
0x98: {  	_ =	strace s17  }
0x99: {  	s3 =	sld [smem:$0x3FFC];
	_ =	sdelay $0x3  }
0x9a: {  	_ =	strace s3  }
0x9b: {  	s3 =	sld [smem:$0x3FFD];
	_ =	sdelay $0x3  }
0x9c: {  	_ =	strace s3  }
0x9d: {  	_ =	strace $0x8FFFFFFF  }
0x9e: {  	s18 =	sld [smem:$0x3FDB];
	_ =	sdelay $0x1  }
0x9f: {  	s19 =	simm.s32 $_scs_section_size  }
0xa0: {  	s5 =	simm.s32 $_size__tile_overlayer_lowered;
	s6 =	simm.s32 $_tile_overlayer_lowered  }
0xa1: {  	s22 =	simm.s32 $0x1BFF;
	s21 =	sshll.u32 s6, $0x1;
	s3 =	sadd.s32 s19, s18  }
0xa2: {  	s7 =	simm.s32 $0x0;
	s20 =	sshll.u32 s5, $0x1;
	s5 =	sadd.s32 s21, s3  }
0xa3: {  	[timem:s7], [sflag:s22] =	dma.local [hbm:s5], s20  }
0xa4: {  	_ =	swait.ge [sflag:s22], s20  }
0xa5: {  	s4 =	ssub.s32 $0x0, s20;
	[sflag:s22] =	ssyncset.done $0x0  }
0xa6: {  	[sflag:s22] =	ssyncadd.s32 s4;
	_ =	sdelay $0x1  }
0xa7: {  	s23 =	simm.s32 $0x1B8B  }
0xa8: {  	_ =	swait.ge [sflag:s23], $0x1  }
0xa9: {  	[sflag:s23] =	ssyncset.done $0x0  }
0xaa: {  	s25 =	simm.s32 $0x1B8E;
	s24 =	sld [smem:$0x3FFE];
	[sflag:s23] =	ssyncadd.s32 $0xFFFFFFFF  }
0xab: {  	s26 =	simm.s32 $execute0_lowered;
	[smem:$0x3FD2] =	sst s25  }
0xac: {  	s5 =	sshll.u32 s26, $0x1;
	_ =	strace $0x8000004F;
	[dreg:$0x1] =	wrdreg $0xFFFFFFFF  }
0xad: {  	s28 =	simm.s32 $_size_execute0_lowered;
	s3 =	sadd.s32 s3, s5;
	[dreg:$0x0] =	wrdreg $0x0  }
0xae: {  	s5 =	sshll.u32 s28, $0x1;
	[dreg:$0x2] =	wrdreg s3  }
0xaf: {  	[dreg:$0x3] =	wrdreg s5  }
0xb0: {  	[dreg:$0x4] =	wrdreg $0xC0  }
0xb1: {  	_ =	task [dreg:s7], $0x5FFFF  }
0xb2: {  	[dreg:$0x1] =	wrdreg $0xFFFFFFFF  }
0xb3: {  	[dreg:$0x0] =	wrdreg $0x60  }
0xb4: {  	[dreg:$0x2] =	wrdreg s24  }
0xb5: {  	[dreg:$0x3] =	wrdreg s16  }
0xb6: {  	[dreg:$0x4] =	wrdreg $0x9  }
0xb7: {  	_ =	task.clear_ibuf [dreg:s7], $0x5FFFF;
	_ =	strace $0x9000004F  }
0xb8: {  	s29 =	simm.s32 $0x9;
	_ =	strace $0x80000051  }
0xb9: {  	_ =	swait.ge [sflag:s29], $0x1  }
0xba: {  	[sflag:s29] =	ssyncadd.s32 $0xFFFFFFFF  }
0xbb: {  	_ =	strace $0x90000051  }
0xbc: {  	_ =	sfence  }
0xbd: {  	s30 =	sld [smem:$0x0];
	_ =	sdelay $0x2  }
0xbe: {  	s31 =	sshll.u32 s1, $0xD;
	s1 =	sshrl.u32 s1, $0x2  }
0xbf: {  	s3 =	sand.u32 $0x4000, s31;
	s1 =	sadd.s32 s1, s30  }
0xc0: {  	s0 =	sor.u32 s3, s0;
	s1 =	sshll.u32 s1, $0x11  }
0xc1: {  	s0 =	sor.u32 s1, s0  }
0xc2: {  	s0 =	sadd.s32 $0x8F2B, s0  }
0xc3: {  	[sflag:s0] =	ssyncadd.remote.s32 $0x1  }
0xc4: {  	_ =	sfence.sel $0xFFFF  }
0xc5: {  	[dreg:$0x0] =	wrdreg $0xFFFFFFFF;
	(pc) =	sbr.abs _section_cstart, $3  }
0xc6: {  	[dreg:$0x1] =	wrdreg $0xFFFFFFFF  }
0xc7: {  	_ =	task.clear_ibuf [dreg:s7], $0x2FFFF;
	_ =	strace $0x9FFFFFFF  }
0xc8: {  	(tm) =	ssettm $0x7FFFFFFF  }
0xc9: {  	_ =	shalt  }
tec
execute0_lowered:
.L_overlay_start_1:
0x0: {  	(tag) =	ssettag $0x1  }
0x1: {  	s5 =	rddreg [dreg:$0x0]  }
0x2: {  	s1 =	srdreg.scid;
	s0 =	stileid.u32  }
0x3: {  	s7 =	rddreg [dreg:$0x1];
	s2 =	simm.s32 $0x0;
	s12 =	simm.s32 $0x17000  }
0x4: {  	s13 =	simm.s32 $0x1;
	s14 =	simm.s32 $0xA400;
	s15 =	simm.s32 $0xA600  }
0x5: {  	s16 =	simm.s32 $0x190;
	s4 =	sand.u32 $0x1, s1;
	s3 =	sshll.u32 s0, $0x1  }
0x6: {  	s17 =	simm.s32 $0xA800;
	s1 =	rddreg [dreg:$0x2];
	s8 =	sor.u32 s4, s3  }
0x7: {  	s18 =	simm.s32 $0x0;
	[smem:$0x7FF] =	sst s2;
	s6 =	smul.u32 $0x1400, s8  }
.Ltmp0:
0x8: {  	_ =	strace $0x80000050;
	s9 =	ssub.s32 $0x2, s4;
	(pc) =	sbr.rel .LBB2_1-.Ltmp0, $4  }
0x9: {  	s3 =	sadd.s32 $0x29E00, s5;
	s4 =	sadd.s32 $0x9E00, s5;
	s31 =	sshrl.u32 s9, $0x1  }
0xa: {  	s7 =	sadd.s32 s7, s8;
	s8 =	sshll.u32 s8, $0xE;
	s10 =	sadd.s32 s6, s5  }
0xb: {  	s11 =	ssub.s32 s9, s31;
	s5 =	sadd.s32 $0x19E00, s5;
	s6 =	sadd.s32 $0x50BE00, s10  }
0xc: {  	s9 =	sadd.s32 $0x564400, s10;
	s10 =	smax.u32 s11, $0x1;
	s11 =	simm.s32 $0x2  }
.LBB2_5:
0xd: {  	s18 =	sadd.s32 $0x1, s18  }
0xe: {  	p0 =	sne.s32 s18, s10  }
.Ltmp1:
0xf: {  	_ = 	snop;
	(pc) =	sbr.rel @!p0 .LBB2_6-.Ltmp1, $4  }
0x10: {  	[hbm4b:s9+s2] =	stream.linear.scatter [tilespmem:s2], [sflag:$0x2], $0xA000, $0x38;
	[tilespmem:$0x17080] =	vst v63  }
0x11: {  	_ =	swait.ge [sflag:s11], $0xA000  }
0x12: {  	[sflag:s11] =	ssyncset.done $0x0  }
0x13: {  	[sflag:s11] =	ssyncadd.s32 $0xFFFF6000  }
.LBB2_1:
0x14: {  	[tilespmem:s2], [sflag:$0x2] =	stream.linear.gather [hbm4b:s6+s2], $0xA000, $0x38;
	[tilespmem:$0x17080] =	vst v63  }
0x15: {  	_ =	swait.ge [sflag:s11], $0xA000  }
0x16: {  	[sflag:s11] =	ssyncset.done $0x0  }
0x17: {  	[sflag:s11] =	ssyncadd.s32 $0xFFFF6000  }
0x18: {  	[tilespmem:s12], [sflag:$0x2] =	stream.linear.gather [hbm4b:s7+s2], $0x8, $0x38;
	[tilespmem:$0x17080] =	vst v63  }
0x19: {  	_ =	swait.ge [sflag:s11], $0x8  }
0x1a: {  	[sflag:s11] =	ssyncset.done $0x0  }
0x1b: {  	[sflag:s11] =	ssyncadd.s32 $0xFFFFFFF8  }
0x1c: {  	v0 =	vld [tilespmem:$0x17000];
	_ =	sdelay $0x4  }
0x1d: {  	(v2sf) =	vpush v0, $0x0;
	_ =	sdelay $0xe  }
0x1e: {  	s19 =	spop (v2sf)  }
0x1f: {  	s20 =	sadd.s32 $0x18F, s19  }
0x20: {  	s21 =	smulhi.u32 $0x51EB851F, s20;
	s22 =	sshra.s32 s20, $0x1F  }
0x21: {  	s22 =	smul.u32 $0x51EB851F, s22;
	_ =	sdelay $0x1  }
0x22: {  	s21 =	sadd.s32 s22, s21  }
0x23: {  	s22 =	sshrl.u32 s21, $0x1F;
	s21 =	sshra.s32 s21, $0x7  }
0x24: {  	s21 =	sadd.s32 s22, s21  }
0x25: {  	s22 =	smul.u32 $0xFFFFFE70, s21  }
0x26: {  	s19 =	ssub.s32 $0xFFFFFE71, s19  }
0x27: {  	p0 =	slt.s32 s20, $0x1;
	p1 =	sne.s32 s22, s19  }
0x28: {  	p0 =	por !p0, !p1  }
0x29: {  	s19 =	simm.s32 $0x1;
	p0 =	por !p0, !p0  }
0x2a: {  	s19 =	simm.s32 @!p0 $0x0  }
0x2b: {  	s19 =	ssub.s32 s21, s19  }
0x2c: {  	p0 =	slt.s32 s19, $0x1  }
.Ltmp2:
0x2d: {  	_ = 	snop;
	(pc) =	sbr.rel @p0 .LBB2_5-.Ltmp2, $2  }
0x2e: {  	_ =	sdelay $0x2  }
0x2f: {  	s20 =	simm.s32 $0x0  }
.LBB2_2:
0x30: {  	s21 =	smul.u32 $0x190, s20;
	_ =	sdelay $0x1  }
0x31: {  	s21 =	sadd.s32 s8, s21  }
0x32: {  	s21 =	sshrl.u32 s21, $0x3  }
0x33: {  	s23 =	simm.s32 $0x0;
	s22 =	sadd.s32 s4, s21  }
0x34: {  	[tilespmem:s14], [sflag:$0x2] =	stream.linear.gather [hbm4b:s22+s23], $0x190, $0x38;
	[tilespmem:$0x17080] =	vst v63  }
0x35: {  	_ =	swait.ge [sflag:s11], $0x190  }
0x36: {  	[sflag:s11] =	ssyncset.done $0x0  }
0x37: {  	s21 =	sadd.s32 s5, s21;
	[sflag:s11] =	ssyncadd.s32 $0xFFFFFE70  }
0x38: {  	[tilespmem:s15], [sflag:$0x2] =	stream.linear.gather [hbm4b:s21+s23], $0x190, $0x38;
	[tilespmem:$0x17080] =	vst v63  }
0x39: {  	_ =	swait.ge [sflag:s11], $0x190  }
0x3a: {  	[sflag:s11] =	ssyncset.done $0x0  }
0x3b: {  	[sflag:s11] =	ssyncadd.s32 $0xFFFFFE70  }
0x3c: {  	[tilespmem:s17], [sflag:$0x1] =	stream.indirect.gather [hbm4b:s3+s16], $0x80, s14, s16, $0xb8;
	[tilespmem:$0x17080] =	vst v63  }
0x3d: {  	_ =	swait.ge [sflag:s13], $0xC800  }
0x3e: {  	[sflag:s13] =	ssyncset.done $0x0  }
0x3f: {  	s30 =	simm.s32 $0x0;
	[sflag:s13] =	ssyncadd.s32 $0xFFFF3800  }
0x40: {  	v0 =	vld [tilespmem:s30+$0xA600];
	_ =	sdelay $0x4  }
0x41: {  	(v2sf) =	vpush v0, $0x0;
	_ =	sdelay $0xe  }
0x42: {  	s31 =	spop (v2sf)  }
0x43: {  	s21 =	simm.s32 $0xA840;
	s22 =	sshll.u32 s31, $0x9  }
0x44: {  	v0 =	vld [tilespmem:s21+$0xFFFFFFC0];
	s22 =	sshra.s32 s22, $0x2  }
0x45: {  	v1 =	vld [tilespmem:s22+$0x0];
	_ =	sdelay $0x4  }
0x46: {  	v0 =	vmax.f32 v1, v0  }
0x47: {  	[tilespmem:s22+$0x0] =	vst v0;
	v0 =	vld [tilespmem:s22+$0x10]  }
0x48: {  	v1 =	vld [tilespmem:s21+$0xFFFFFFD0];
	_ =	sdelay $0x4  }
0x49: {  	v0 =	vmax.f32 v0, v1  }
0x4a: {  	[tilespmem:s22+$0x10] =	vst v0;
	v0 =	vld [tilespmem:s22+$0x20]  }
0x4b: {  	v1 =	vld [tilespmem:s21+$0xFFFFFFE0];
	_ =	sdelay $0x4  }
0x4c: {  	v0 =	vmax.f32 v0, v1  }
0x4d: {  	[tilespmem:s22+$0x20] =	vst v0;
	v0 =	vld [tilespmem:s22+$0x30]  }
0x4e: {  	v1 =	vld [tilespmem:s21+$0xFFFFFFF0];
	_ =	sdelay $0x4  }
0x4f: {  	v0 =	vmax.f32 v0, v1  }
0x50: {  	[tilespmem:s22+$0x30] =	vst v0;
	v0 =	vld [tilespmem:s22+$0x40]  }
0x51: {  	v1 =	vld [tilespmem:s21+$0x0];
	_ =	sdelay $0x4  }
0x52: {  	v0 =	vmax.f32 v0, v1  }
0x53: {  	[tilespmem:s22+$0x40] =	vst v0;
	v0 =	vld [tilespmem:s22+$0x50]  }
0x54: {  	v1 =	vld [tilespmem:s21+$0x10];
	_ =	sdelay $0x4  }
0x55: {  	v0 =	vmax.f32 v0, v1  }
0x56: {  	[tilespmem:s22+$0x50] =	vst v0;
	v0 =	vld [tilespmem:s22+$0x60]  }
0x57: {  	v1 =	vld [tilespmem:s21+$0x20];
	_ =	sdelay $0x4  }
0x58: {  	v0 =	vmax.f32 v0, v1  }
0x59: {  	[tilespmem:s22+$0x60] =	vst v0;
	v0 =	vld [tilespmem:s22+$0x70]  }
0x5a: {  	v1 =	vld [tilespmem:s21+$0x30];
	_ =	sdelay $0x4  }
0x5b: {  	s25 =	simm.s32 $0x8;
	s23 =	simm.s32 $0x4;
	v0 =	vmax.f32 v0, v1  }
.LBB2_3:
0x5c: {  	s26 =	sshra.s32 s23, $0x2  }
0x5d: {  	[tilespmem:s22+$0x70] =	vst v0;
	s21 =	sadd.s32 $0x80, s21;
	s23 =	smov.u32 s25;
	s24 =	sadd.s32 $0x4, s25  }
0x5e: {  	p0 =	sne.s32 s25, $0x63C;
	v0 =	vld [tilespmem:s26+$0xA600];
	_ =	sdelay $0x4  }
0x5f: {  	(v2sf) =	vpush v0, $0x0;
	_ =	sdelay $0xe  }
0x60: {  	s22 =	spop (v2sf)  }
0x61: {  	s22 =	sshll.u32 s22, $0x9  }
0x62: {  	s22 =	sshra.s32 s22, $0x2;
	v0 =	vld [tilespmem:s21+$0xFFFFFFC0]  }
0x63: {  	v1 =	vld [tilespmem:s22+$0x0];
	_ =	sdelay $0x4  }
0x64: {  	v0 =	vmax.f32 v1, v0  }
0x65: {  	[tilespmem:s22+$0x0] =	vst v0;
	v0 =	vld [tilespmem:s22+$0x10]  }
0x66: {  	v1 =	vld [tilespmem:s21+$0xFFFFFFD0];
	_ =	sdelay $0x4  }
0x67: {  	v0 =	vmax.f32 v0, v1  }
0x68: {  	[tilespmem:s22+$0x10] =	vst v0;
	v0 =	vld [tilespmem:s22+$0x20]  }
0x69: {  	v1 =	vld [tilespmem:s21+$0xFFFFFFE0];
	_ =	sdelay $0x4  }
0x6a: {  	v0 =	vmax.f32 v0, v1  }
0x6b: {  	[tilespmem:s22+$0x20] =	vst v0;
	v0 =	vld [tilespmem:s22+$0x30]  }
0x6c: {  	v1 =	vld [tilespmem:s21+$0xFFFFFFF0];
	_ =	sdelay $0x4  }
0x6d: {  	v0 =	vmax.f32 v0, v1  }
0x6e: {  	[tilespmem:s22+$0x30] =	vst v0;
	v0 =	vld [tilespmem:s22+$0x40]  }
0x6f: {  	v1 =	vld [tilespmem:s21+$0x0];
	_ =	sdelay $0x4  }
0x70: {  	v0 =	vmax.f32 v0, v1  }
0x71: {  	[tilespmem:s22+$0x40] =	vst v0;
	v0 =	vld [tilespmem:s22+$0x50]  }
0x72: {  	v1 =	vld [tilespmem:s21+$0x10];
	_ =	sdelay $0x4  }
0x73: {  	v0 =	vmax.f32 v0, v1  }
0x74: {  	[tilespmem:s22+$0x50] =	vst v0;
	v0 =	vld [tilespmem:s22+$0x60]  }
0x75: {  	v1 =	vld [tilespmem:s21+$0x20];
	_ =	sdelay $0x4  }
0x76: {  	v0 =	vmax.f32 v0, v1  }
0x77: {  	[tilespmem:s22+$0x60] =	vst v0;
	v0 =	vld [tilespmem:s22+$0x70]  }
0x78: {  	v1 =	vld [tilespmem:s21+$0x30]  }
.Ltmp3:
0x79: {  	(pc) =	sbr.rel @p0 .LBB2_3-.Ltmp3, $2  }
0x7a: {  	_ =	sdelay $0x2  }
0x7b: {  	s25 =	smov.u32 s24;
	v0 =	vmax.f32 v0, v1  }
0x7c: {  	s23 =	sshra.s32 s23, $0x2;
	[tilespmem:s22+$0x70] =	vst v0  }
0x7d: {  	v0 =	vld [tilespmem:s23+$0xA600];
	_ =	sdelay $0x4  }
0x7e: {  	(v2sf) =	vpush v0, $0x0;
	_ =	sdelay $0xe  }
0x7f: {  	s31 =	spop (v2sf)  }
0x80: {  	s21 =	sadd.s32 $0x80, s21;
	s22 =	sshll.u32 s31, $0x9  }
0x81: {  	v49 =	vld [tilespmem:s21+$0xFFFFFFC0];
	s22 =	sshra.s32 s22, $0x2  }
0x82: {  	v1 =	vld [tilespmem:s22+$0x0];
	_ =	sdelay $0x4  }
0x83: {  	v0 =	vmax.f32 v1, v49  }
0x84: {  	v50 =	vld [tilespmem:s22+$0x10];
	[tilespmem:s22+$0x0] =	vst v0  }
0x85: {  	v51 =	vld [tilespmem:s21+$0xFFFFFFD0];
	_ =	sdelay $0x4  }
0x86: {  	v0 =	vmax.f32 v50, v51  }
0x87: {  	v52 =	vld [tilespmem:s22+$0x20];
	[tilespmem:s22+$0x10] =	vst v0  }
0x88: {  	v53 =	vld [tilespmem:s21+$0xFFFFFFE0];
	_ =	sdelay $0x4  }
0x89: {  	v0 =	vmax.f32 v52, v53  }
0x8a: {  	v54 =	vld [tilespmem:s22+$0x30];
	[tilespmem:s22+$0x20] =	vst v0  }
0x8b: {  	v55 =	vld [tilespmem:s21+$0xFFFFFFF0];
	_ =	sdelay $0x4  }
0x8c: {  	v0 =	vmax.f32 v54, v55  }
0x8d: {  	v56 =	vld [tilespmem:s22+$0x40];
	[tilespmem:s22+$0x30] =	vst v0  }
0x8e: {  	v57 =	vld [tilespmem:s21+$0x0];
	_ =	sdelay $0x4  }
0x8f: {  	v0 =	vmax.f32 v56, v57  }
0x90: {  	v58 =	vld [tilespmem:s22+$0x50];
	[tilespmem:s22+$0x40] =	vst v0  }
0x91: {  	v59 =	vld [tilespmem:s21+$0x10];
	_ =	sdelay $0x4  }
0x92: {  	v0 =	vmax.f32 v58, v59  }
0x93: {  	v60 =	vld [tilespmem:s22+$0x60];
	[tilespmem:s22+$0x50] =	vst v0  }
0x94: {  	v61 =	vld [tilespmem:s21+$0x20];
	_ =	sdelay $0x4  }
0x95: {  	v0 =	vmax.f32 v60, v61  }
0x96: {  	v62 =	vld [tilespmem:s22+$0x70];
	[tilespmem:s22+$0x60] =	vst v0  }
0x97: {  	s20 =	sadd.s32 $0x1, s20;
	v63 =	vld [tilespmem:s21+$0x30]  }
0x98: {  	p0 =	sne.s32 s20, s19  }
.Ltmp4:
0x99: {  	_ = 	snop;
	(pc) =	sbr.rel @p0 .LBB2_2-.Ltmp4, $4  }
.Ltmp5:
0x9a: {  	_ = 	snop;
	(pc) =	sbr.rel @!p0 .LBB2_5-.Ltmp5, $4  }
0x9b: {  	_ = 	snop  }
0x9c: {  	v0 =	vmax.f32 v62, v63  }
0x9d: {  	[tilespmem:s22+$0x70] =	vst v0  }
0x9e: {  	_ = 	snop  }
.LBB2_6:
0x9f: {  	_ =	sfence.sel $0x180000  }
0xa0: {  	[bflag:$0x0] =	sbarrier.arrive $0xFFFF  }
0xa1: {  	p0 =	sne.s32 s0, $0x0;
	_ =	strace $0x90000050  }
0xa2: {  	s0 =	sadd.s32 @!p0 $0x100000, s1;
	[bflag:$0x2] =	sbarrier.arrive $0xFFFF  }
0xa3: {  	[sflag:s0] =	ssyncadd.tile.s32 @!p0 $0x1;
	_ =	shalt  }
.Lfunc_end2:
_tile_overlayer_lowered:
.L_overlay_start_2:
0xa4: {  	(tag) =	ssettag $0x2  }
0xa5: {  	s0 =	rddreg [dreg:$0x0];
	s2 =	stileid.u32  }
0xa6: {  	s1 =	rddreg [dreg:$0x1];
	p0 =	sne.s32 s2, $0x0  }
0xa7: {  	s3 =	rddreg [dreg:$0x2];
	[bflag:$0x3] =	sbarrier.arrive $0xFFFF;
	s2 =	simm.s32 @!p0 $0x1C02  }
0xa8: {  	[timem:s3], [sflag:s2] =	dma.local @!p0 [hbm:s0], s1  }
0xa9: {  	s0 =	simm.s32 @!p0 $0x2  }
0xaa: {  	_ =	swait.ge @!p0 [sflag:s0], s1  }
0xab: {  	s1 =	ssub.s32 @!p0 $0x0, s1;
	[sflag:s0] =	ssyncset.done @!p0 $0x0  }
0xac: {  	[sflag:s0] =	ssyncadd.s32 @!p0 s1  }
0xad: {  	[bflag:$0x3] =	sbarrier.arrive $0xFFFF  }
0xae: {  	_ =	shalt  }

// kernel: kernel.6.cloned.1.call-start
scs
__scs_entry_jumppad:
0x0: {  	(pc) =	sbr.rel $0x88, $3  }
0x1: {  	(tag) =	ssettag $0x0;
	lr =	simm.s32 $0x1  }
0x2: {  	[smem:$0x3F4D] =	sst lr;
	_ =	strace $0xD0000000  }
0x3: {  	_ = 	snop  }
0x4: {  	_ = 	snop  }
0x5: {  	_ = 	snop  }
0x6: {  	_ = 	snop  }
0x7: {  	_ = 	snop  }
__scs_overlays_trampoline_lowered:
0x8: {  	[smem:$0x3F5C] =	sst s0  }
0x9: {  	[smem:$0x3F5D] =	sst s1  }
0xa: {  	[smem:$0x3F5E] =	sst s2  }
0xb: {  	[smem:$0x3F5F] =	sst s3  }
0xc: {  	[smem:$0x3F60] =	sst s4  }
0xd: {  	[smem:$0x3F61] =	sst s5  }
0xe: {  	[smem:$0x3F62] =	sst s6  }
0xf: {  	[smem:$0x3F63] =	sst s7  }
0x10: {  	[smem:$0x3F64] =	sst s8  }
0x11: {  	[smem:$0x3F65] =	sst s9;
	s0 =	simm.s32 @!p0 $0x0  }
0x12: {  	s1 =	sld [smem:$0x3F4B];
	s0 =	simm.s32 @p0 $0x1  }
0x13: {  	[smem:$0x3F66] =	sst s0;
	s0 =	simm.s32 @!p1 $0x0  }
0x14: {  	s2 =	sld [smem:$0x3F4A];
	s0 =	simm.s32 @p1 $0x1  }
0x15: {  	[smem:$0x3F67] =	sst s0;
	s0 =	simm.s32 @!p2 $0x0  }
0x16: {  	s3 =	sld [smem:$0x3FDB];
	s0 =	simm.s32 @p2 $0x1  }
0x17: {  	s4 =	simm.s32 $0x1BF5;
	[smem:$0x3F69] =	sst s0  }
0x18: {  	s0 =	sld [smem:$0x3F4C];
	_ =	swait.ge [sflag:s4], $0x0  }
0x19: {  	s7 =	sld [smem:$0x3F4D]  }
0x1a: {  	s8 =	sadd.s32 $0xFFFFE003, lr  }
0x1b: {  	s9 =	sadd.s32 $0xFFFFFEF7, lr;
	s5 =	simm.s32 $0xFFFFFFFF;
	p2 =	slt.u32 s8, $0xFFFFF086  }
0x1c: {  	p1 =	slt.u32 s9, $0xF7A;
	s5 =	simm.s32 @!p2 $0x0  }
0x1d: {  	s5 =	simm.s32 @p1 $0x1;
	p0 =	seq.s32 s7, s2  }
0x1e: {  	s7 =	smul.u32 @!p0 $0xF7A, s2;
	p2 =	seq.s32 @!p0 s5, $0x0  }
0x1f: {  	s9 =	smul.u32 $0xF7A, s1;
	s8 =	simm.s32 @!p0 $0x1BF5;
	p2 =	por !p2, p0  }
0x20: {  	[sflag:s8] =	ssyncset.s32 @!p0 $0xFFFFF086;
	s6 =	sadd.s32 @!p0 s3, s7;
	s7 =	simm.s32 @!p0 $0x108  }
0x21: {  	s3 =	sadd.s32 s3, s9;
	s6 =	sadd.s32 @!p0 $0x88, s6;
	s7 =	simm.s32 @p2 $0x1082  }
0x22: {  	[simem:s7], [sflag:s8] =	dma.local @!p0 [hbm:s6], $0xF7A  }
0x23: {  	s9 =	sor.u32 $0xD0000000, s2;
	s6 =	simm.s32 $0x108;
	_ =	swait.ge @!p0 [sflag:s8], $0x0  }
0x24: {  	s3 =	sadd.s32 $0x88, s3;
	s6 =	simm.s32 @!p1 $0x1082;
	[sflag:s4] =	ssyncset.s32 $0xFFFFF086  }
0x25: {  	[simem:s6], [sflag:s4] =	dma.local [hbm:s3], $0xF7A  }
0x26: {  	[smem:$0x3F4D] =	sst s1;
	(tag) =	ssettag s2;
	_ =	strace s9  }
0x27: {  	s1 =	sld [smem:$0x3F5D]  }
0x28: {  	s2 =	sld [smem:$0x3F5E]  }
0x29: {  	s4 =	sld [smem:$0x3F60]  }
0x2a: {  	p0 =	seq.s32 s5, $0x0;
	s5 =	sld [smem:$0x3F61]  }
0x2b: {  	s6 =	sld [smem:$0x3F62]  }
0x2c: {  	s7 =	sld [smem:$0x3F63]  }
0x2d: {  	s3 =	simm.s32 $0x108;
	s8 =	sld [smem:$0x3F64]  }
0x2e: {  	s3 =	simm.s32 @!p0 $0x1082;
	s9 =	sld [smem:$0x3F65]  }
0x2f: {  	lr =	sadd.s32 s0, s3;
	s0 =	sld [smem:$0x3F5C]  }
0x30: {  	s3 =	sld [smem:$0x3F5F]  }
0x31: {  	[smem:$0x3F68] =	sst s10  }
0x32: {  	s10 =	sld [smem:$0x3F66];
	_ =	sdelay $0x3  }
0x33: {  	p0 =	seq.s32 s10, $0x1;
	s10 =	sld [smem:$0x3F68];
	_ =	sdelay $0x3  }
0x34: {  	[smem:$0x3F68] =	sst s10  }
0x35: {  	s10 =	sld [smem:$0x3F67];
	_ =	sdelay $0x3  }
0x36: {  	p1 =	seq.s32 s10, $0x1;
	s10 =	sld [smem:$0x3F68];
	_ =	sdelay $0x3  }
0x37: {  	[smem:$0x3F68] =	sst s10  }
0x38: {  	s10 =	sld [smem:$0x3F69]  }
0x39: {  	_ = 	snop;
	(pc) =	sbr.ind lr, $3  }
0x3a: {  	_ = 	snop  }
0x3b: {  	_ = 	snop  }
0x3c: {  	p2 =	seq.s32 s10, $0x1;
	s10 =	sld [smem:$0x3F68]  }
0x3d: {  	_ =	shalt  }
0x3e: {  	_ =	shalt  }
0x3f: {  	_ =	shalt  }
0x40: {  	_ =	shalt  }
0x41: {  	_ =	shalt  }
0x42: {  	_ =	shalt  }
0x43: {  	_ =	shalt  }
0x44: {  	_ =	shalt  }
0x45: {  	_ =	shalt  }
0x46: {  	_ =	shalt  }
0x47: {  	_ =	shalt  }
0x48: {  	_ =	shalt  }
0x49: {  	_ =	shalt  }
0x4a: {  	_ =	shalt  }
0x4b: {  	_ =	shalt  }
0x4c: {  	_ =	shalt  }
0x4d: {  	_ =	shalt  }
0x4e: {  	_ =	shalt  }
0x4f: {  	_ =	shalt  }
0x50: {  	_ =	shalt  }
0x51: {  	_ =	shalt  }
0x52: {  	_ =	shalt  }
0x53: {  	_ =	shalt  }
0x54: {  	_ =	shalt  }
0x55: {  	_ =	shalt  }
0x56: {  	_ =	shalt  }
0x57: {  	_ =	shalt  }
0x58: {  	_ =	shalt  }
0x59: {  	_ =	shalt  }
0x5a: {  	_ =	shalt  }
0x5b: {  	_ =	shalt  }
0x5c: {  	_ =	shalt  }
0x5d: {  	_ =	shalt  }
0x5e: {  	_ =	shalt  }
0x5f: {  	_ =	shalt  }
0x60: {  	_ =	shalt  }
0x61: {  	_ =	shalt  }
0x62: {  	_ =	shalt  }
0x63: {  	_ =	shalt  }
0x64: {  	_ =	shalt  }
0x65: {  	_ =	shalt  }
0x66: {  	_ =	shalt  }
0x67: {  	_ =	shalt  }
0x68: {  	_ =	shalt  }
0x69: {  	_ =	shalt  }
0x6a: {  	_ =	shalt  }
0x6b: {  	_ =	shalt  }
0x6c: {  	_ =	shalt  }
0x6d: {  	_ =	shalt  }
0x6e: {  	_ =	shalt  }
0x6f: {  	_ =	shalt  }
0x70: {  	_ =	shalt  }
0x71: {  	_ =	shalt  }
0x72: {  	_ =	shalt  }
0x73: {  	_ =	shalt  }
0x74: {  	_ =	shalt  }
0x75: {  	_ =	shalt  }
0x76: {  	_ =	shalt  }
0x77: {  	_ =	shalt  }
0x78: {  	_ =	shalt  }
0x79: {  	_ =	shalt  }
0x7a: {  	_ =	shalt  }
0x7b: {  	_ =	shalt  }
0x7c: {  	_ =	shalt  }
0x7d: {  	_ =	shalt  }
0x7e: {  	_ =	shalt  }
0x7f: {  	_ =	shalt  }
0x80: {  	_ =	shalt  }
0x81: {  	_ =	shalt  }
0x82: {  	_ =	shalt  }
0x83: {  	_ =	shalt  }
0x84: {  	_ =	shalt  }
0x85: {  	_ =	shalt  }
0x86: {  	_ =	shalt  }
0x87: {  	_ =	shalt  }
.Lfunc_end0:
.L_simem_size_0:
called_computation_lowered:
.L_overlay_start_0:
0x88: {  	s2 =	sld [smem:$0x3FD9]  }
0x89: {  	s3 =	sld [smem:$0x3FFE];
	_ =	sdelay $0x1  }
0x8a: {  	s1 =	srdreg.scid  }
0x8b: {  	s0 =	sand.u32 $0x1, s1  }
0x8c: {  	s14 =	sshll.u32 s0, $0xA;
	s2 =	sadd.s32 s3, s2  }
0x8d: {  	s2 =	sadd.s32 s2, s14  }
0x8e: {  	[smem:$0x3F74] =	sst s2  }
0x8f: {  	_ = 	snop  }
0x90: {  	s2 =	sld [smem:$0x3FD0];
	_ =	sdelay $0x2  }
0x91: {  	s15 =	simm.s32 $0xA;
	s4 =	simm.s32 $0x10  }
0x92: {  	[smem:s4], [sflag:s15] =	dma.local [hbm:s2], $0x1  }
0x93: {  	_ =	swait.eq [sflag:s15], $0x1  }
0x94: {  	[sflag:s15] =	ssyncset.done $0x0  }
0x95: {  	[sflag:s15] =	ssyncadd.s32 $0xFFFFFFFF  }
0x96: {  	s16 =	sld [smem:$0x11];
	(tm) =	ssettm $0x1  }
0x97: {  	s17 =	sld [smem:$0x3FFB];
	_ =	sdelay $0x3  }
0x98: {  	_ =	strace s17  }
0x99: {  	s3 =	sld [smem:$0x3FFC];
	_ =	sdelay $0x3  }
0x9a: {  	_ =	strace s3  }
0x9b: {  	s3 =	sld [smem:$0x3FFD];
	_ =	sdelay $0x3  }
0x9c: {  	_ =	strace s3  }
0x9d: {  	_ =	strace $0x8FFFFFFF  }
0x9e: {  	s18 =	sld [smem:$0x3FDB];
	_ =	sdelay $0x1  }
0x9f: {  	s19 =	simm.s32 $_scs_section_size  }
0xa0: {  	s5 =	simm.s32 $_size__tile_overlayer_lowered;
	s6 =	simm.s32 $_tile_overlayer_lowered  }
0xa1: {  	s22 =	simm.s32 $0x1BFF;
	s21 =	sshll.u32 s6, $0x1;
	s3 =	sadd.s32 s19, s18  }
0xa2: {  	s7 =	simm.s32 $0x0;
	s20 =	sshll.u32 s5, $0x1;
	s5 =	sadd.s32 s21, s3  }
0xa3: {  	[timem:s7], [sflag:s22] =	dma.local [hbm:s5], s20  }
0xa4: {  	_ =	swait.ge [sflag:s22], s20  }
0xa5: {  	s4 =	ssub.s32 $0x0, s20;
	[sflag:s22] =	ssyncset.done $0x0  }
0xa6: {  	[sflag:s22] =	ssyncadd.s32 s4;
	_ =	sdelay $0x1  }
0xa7: {  	s23 =	simm.s32 $0x1B8B  }
0xa8: {  	_ =	swait.ge [sflag:s23], $0x1  }
0xa9: {  	[sflag:s23] =	ssyncset.done $0x0  }
0xaa: {  	s25 =	simm.s32 $0x1B8E;
	s24 =	sld [smem:$0x3FFE];
	[sflag:s23] =	ssyncadd.s32 $0xFFFFFFFF  }
0xab: {  	s26 =	simm.s32 $execute0_lowered;
	[smem:$0x3FD2] =	sst s25  }
0xac: {  	s5 =	sshll.u32 s26, $0x1;
	_ =	strace $0x80000046;
	[dreg:$0x1] =	wrdreg $0xFFFFFFFF  }
0xad: {  	s28 =	simm.s32 $_size_execute0_lowered;
	s3 =	sadd.s32 s3, s5;
	[dreg:$0x0] =	wrdreg $0x0  }
0xae: {  	s5 =	sshll.u32 s28, $0x1;
	[dreg:$0x2] =	wrdreg s3  }
0xaf: {  	[dreg:$0x3] =	wrdreg s5  }
0xb0: {  	[dreg:$0x4] =	wrdreg $0xC0  }
0xb1: {  	_ =	task [dreg:s7], $0x5FFFF  }
0xb2: {  	[dreg:$0x1] =	wrdreg $0xFFFFFFFF  }
0xb3: {  	[dreg:$0x0] =	wrdreg $0x60  }
0xb4: {  	[dreg:$0x2] =	wrdreg s24  }
0xb5: {  	[dreg:$0x3] =	wrdreg s16  }
0xb6: {  	[dreg:$0x4] =	wrdreg $0x9  }
0xb7: {  	_ =	task.clear_ibuf [dreg:s7], $0x5FFFF;
	_ =	strace $0x90000046  }
0xb8: {  	s29 =	simm.s32 $0x9;
	_ =	strace $0x80000048  }
0xb9: {  	_ =	swait.ge [sflag:s29], $0x1  }
0xba: {  	[sflag:s29] =	ssyncadd.s32 $0xFFFFFFFF  }
0xbb: {  	_ =	strace $0x90000048  }
0xbc: {  	_ =	sfence  }
0xbd: {  	s30 =	sld [smem:$0x0];
	_ =	sdelay $0x2  }
0xbe: {  	s31 =	sshll.u32 s1, $0xD;
	s1 =	sshrl.u32 s1, $0x2  }
0xbf: {  	s3 =	sand.u32 $0x4000, s31;
	s1 =	sadd.s32 s1, s30  }
0xc0: {  	s0 =	sor.u32 s3, s0;
	s1 =	sshll.u32 s1, $0x11  }
0xc1: {  	s0 =	sor.u32 s1, s0  }
0xc2: {  	s0 =	sadd.s32 $0x8F2B, s0  }
0xc3: {  	[sflag:s0] =	ssyncadd.remote.s32 $0x1  }
0xc4: {  	_ =	sfence.sel $0xFFFF  }
0xc5: {  	[dreg:$0x0] =	wrdreg $0xFFFFFFFF;
	(pc) =	sbr.abs _section_cstart, $3  }
0xc6: {  	[dreg:$0x1] =	wrdreg $0xFFFFFFFF  }
0xc7: {  	_ =	task.clear_ibuf [dreg:s7], $0x2FFFF;
	_ =	strace $0x9FFFFFFF  }
0xc8: {  	(tm) =	ssettm $0x7FFFFFFF  }
0xc9: {  	_ =	shalt  }
tec
execute0_lowered:
.L_overlay_start_1:
0x0: {  	(tag) =	ssettag $0x1  }
0x1: {  	s2 =	rddreg [dreg:$0x0]  }
0x2: {  	s6 =	rddreg [dreg:$0x1]  }
0x3: {  	s0 =	rddreg [dreg:$0x2]  }
0x4: {  	s4 =	srdreg.scid;
	s1 =	stileid.u32  }
0x5: {  	s3 =	simm.s32 $0x0;
	s10 =	simm.s32 $0x5000;
	s11 =	simm.s32 $0x9000  }
0x6: {  	s12 =	simm.s32 $0x0;
	s4 =	sand.u32 $0x1, s4;
	s5 =	sshll.u32 s1, $0x1  }
0x7: {  	[smem:$0x7FF] =	sst s3;
	s7 =	sor.u32 s4, s5;
	s4 =	ssub.s32 $0x2, s4  }
0x8: {  	_ =	strace $0x80000047;
	s5 =	sshll.u32 s7, $0xB;
	s8 =	sshrl.u32 s4, $0x1  }
0x9: {  	s9 =	smul.u32 $0xFFFFFEC0, s7;
	s6 =	sadd.s32 s6, s7;
	s5 =	sadd.s32 s5, s2  }
0xa: {  	v1 =	vimm.s32 $0x0;
	s8 =	ssub.s32 s4, s8;
	s4 =	sadd.s32 $0x9E00, s5;
	s5 =	sadd.s32 $0x19E00, s5  }
0xb: {  	v2 =	vimm.s32 $0x140;
	v3 =	vlaneseq.u32;
	v0 =	vmov s9;
	s7 =	smax.u32 s8, $0x1;
	s8 =	simm.s32 $0x1;
	s9 =	simm.s32 $0x1000  }
.LBB2_1:
0xc: {  	s13 =	simm.s32 $0x40;
	s14 =	simm.s32 $0x0  }
.LBB2_2:
0xd: {  	p0 =	sne.s32 s13, $0xFFC0;
	[tilespmem:s14+$0x1000] =	vst v1;
	s15 =	smov.u32 s13;
	s13 =	sadd.s32 $0x40, s13  }
.Ltmp0:
0xe: {  	[tilespmem:s14+$0x5000] =	vst v2;
	(pc) =	sbr.rel @p0 .LBB2_2-.Ltmp0, $2  }
0xf: {  	_ =	sdelay $0x2  }
0x10: {  	s14 =	sshra.s32 s15, $0x2  }
0x11: {  	[tilespmem:s14+$0x1000] =	vst v1;
	s13 =	simm.s32 $0x0  }
0x12: {  	[tilespmem:s14+$0x5000] =	vst v2;
	s14 =	simm.s32 $0x0;
	s16 =	simm.s32 $0x0;
	s15 =	simm.s32 $0x0  }
.LBB2_4:
0x13: {  	s17 =	smul.u32 $0xFA0, s15;
	_ =	sdelay $0x1  }
0x14: {  	s17 =	sshrl.u32 s17, $0x3  }
0x15: {  	s17 =	sadd.s32 s2, s17  }
0x16: {  	[tilespmem:s13], [sflag:$0x1] =	stream.linear.gather [hbm4b:s17+s13], $0xFA0, $0x38;
	[tilespmem:$0x9080] =	vst v63  }
0x17: {  	_ =	swait.ge [sflag:s8], $0xFA0  }
0x18: {  	[sflag:s8] =	ssyncset.done $0x0  }
0x19: {  	s31 =	simm.s32 $0x0;
	[sflag:s8] =	ssyncadd.s32 $0xFFFFF060  }
0x1a: {  	v4 =	vld [tilespmem:s31+$0x0];
	_ =	sdelay $0x4  }
0x1b: {  	v4 =	vadd.s32 v0, v4  }
0x1c: {  	vm0 =	vlt.u32 v4, $0x140  }
0x1d: {  	v5 =	vmpcnt.ones.xlane vm0;
	_ =	sdelay $0x1  }
0x1e: {  	v5 =	vxor.u32 $0x80000000, v5  }
0x1f: {  	(xrf0) =	vmax.scan.msk.u32 $0xffff, v5;
	_ =	sdelay $0x2  }
0x20: {  	v5 =	vor.u32 s14, v3;
	_ =	sdelay $0x2  }
0x21: {  	[tilespmem:s16+$0x1000] =	vst.msk vm0, v5;
	v5, _, _ =	vpop (xrf0)  }
0x22: {  	v4 =	vnsel vm0, $0x0, v4;
	(v2sf) =	vpush v5, $0xF  }
0x23: {  	s19 =	simm.s32 $0x10;
	s18 =	simm.s32 $0x80;
	s17 =	smov.u32 s14;
	[tilespmem:s16+$0x5000] =	vst.msk vm0, v4  }
.LBB2_5:
0x24: {  	p0 =	sne.s32 s18, $0x3E40;
	v4 =	vld [tilespmem:s19+$0x0];
	_ =	sdelay $0x4  }
0x25: {  	v4 =	vadd.s32 v0, v4  }
0x26: {  	vm0 =	vlt.u32 v4, $0x140  }
0x27: {  	v4 =	vnsel vm0, $0x0, v4;
	v5 =	vmpcnt.ones.xlane vm0;
	_ =	sdelay $0x1  }
0x28: {  	v5 =	vxor.u32 $0x80000000, v5  }
0x29: {  	(xrf0) =	vmax.scan.msk.u32 $0xffff, v5;
	_ =	sdelay $0x2  }
0x2a: {  	s19 =	spop (v2sf)  }
.Ltmp1:
0x2b: {  	s17 =	sadd.s32 $0x10, s17;
	s16 =	sadd.s32 s19, s16;
	(pc) =	sbr.rel @p0 .LBB2_5-.Ltmp1, $4  }
0x2c: {  	v6 =	vor.u32 s17, v3;
	s16 =	sadd.s32 $0x80000000, s16  }
0x2d: {  	[tilespmem:s16+$0x1000] =	vst.msk vm0, v6;
	v5, _, _ =	vpop (xrf0)  }
0x2e: {  	[tilespmem:s16+$0x5000] =	vst.msk vm0, v4;
	(v2sf) =	vpush v5, $0xF  }
0x2f: {  	s19 =	sshra.s32 s18, $0x2;
	s18 =	sadd.s32 $0x40, s18  }
0x30: {  	v4 =	vld [tilespmem:s19+$0x0];
	_ =	sdelay $0x4  }
0x31: {  	v4 =	vadd.s32 v0, v4  }
0x32: {  	vm0 =	vlt.u32 v4, $0x140  }
0x33: {  	v5 =	vmpcnt.ones.xlane vm0;
	_ =	sdelay $0x1  }
0x34: {  	v5 =	vxor.u32 $0x80000000, v5  }
0x35: {  	(xrf0) =	vmax.scan.msk.u32 $0xffff, v5;
	_ =	sdelay $0x5  }
0x36: {  	v5, _, _ =	vpop (xrf0)  }
0x37: {  	(v2sf) =	vpush v5, $0xF;
	_ =	sdelay $0xa  }
0x38: {  	s15 =	sadd.s32 $0x1, s15  }
0x39: {  	p0 =	sne.s32 s15, $0x50  }
.Ltmp2:
0x3a: {  	s18 =	spop (v2sf);
	(pc) =	sbr.rel @p0 .LBB2_4-.Ltmp2, $4  }
0x3b: {  	s17 =	sadd.s32 $0x10, s17;
	s16 =	sadd.s32 s18, s16  }
0x3c: {  	s16 =	sadd.s32 $0x80000000, s16;
	v5 =	vor.u32 s17, v3;
	s31 =	spop (v2sf)  }
0x3d: {  	v4 =	vnsel vm0, $0x0, v4;
	[tilespmem:s16+$0x1000] =	vst.msk vm0, v5;
	s17 =	sadd.s32 s31, s16  }
0x3e: {  	s14 =	sadd.s32 $0xFA0, s14;
	[tilespmem:s16+$0x5000] =	vst.msk vm0, v4;
	s16 =	sadd.s32 $0x80000000, s17  }
0x3f: {  	[hbm4b:s4+s3] =	stream.linear.scatter [tilespmem:s9], [sflag:$0x1], $0x4000, $0x38;
	[tilespmem:$0x9080] =	vst v63  }
0x40: {  	_ =	swait.ge [sflag:s8], $0x4000  }
0x41: {  	[sflag:s8] =	ssyncset.done $0x0  }
0x42: {  	[sflag:s8] =	ssyncadd.s32 $0xFFFFC000  }
0x43: {  	[hbm4b:s5+s3] =	stream.linear.scatter [tilespmem:s10], [sflag:$0x1], $0x4000, $0x38;
	[tilespmem:$0x9080] =	vst v63  }
0x44: {  	_ =	swait.ge [sflag:s8], $0x4000  }
0x45: {  	s12 =	sadd.s32 $0x1, s12;
	[sflag:s8] =	ssyncset.done $0x0  }
0x46: {  	v4 =	vmov s16;
	p0 =	sne.s32 s12, s7;
	[sflag:s8] =	ssyncadd.s32 $0xFFFFC000  }
.Ltmp3:
0x47: {  	[tilespmem:$0x9000] =	vst v4;
	(pc) =	sbr.rel @p0 .LBB2_1-.Ltmp3, $4  }
0x48: {  	[hbm4b:s6+s3] =	stream.linear.scatter [tilespmem:s11], [sflag:$0x1], $0x8, $0x38;
	[tilespmem:$0x9080] =	vst v63  }
0x49: {  	_ =	swait.ge [sflag:s8], $0x8  }
0x4a: {  	[sflag:s8] =	ssyncset.done $0x0  }
0x4b: {  	[sflag:s8] =	ssyncadd.s32 $0xFFFFFFF8  }
0x4c: {  	_ =	sfence.sel $0x180000  }
0x4d: {  	[bflag:$0x0] =	sbarrier.arrive $0xFFFF  }
0x4e: {  	p0 =	sne.s32 s1, $0x0;
	_ =	strace $0x90000047  }
0x4f: {  	s0 =	sadd.s32 @!p0 $0x100000, s0;
	[bflag:$0x2] =	sbarrier.arrive $0xFFFF  }
0x50: {  	[sflag:s0] =	ssyncadd.tile.s32 @!p0 $0x1;
	_ =	shalt  }
.Lfunc_end2:
_tile_overlayer_lowered:
.L_overlay_start_2:
0x51: {  	(tag) =	ssettag $0x2  }
0x52: {  	s0 =	rddreg [dreg:$0x0];
	s2 =	stileid.u32  }
0x53: {  	s1 =	rddreg [dreg:$0x1];
	p0 =	sne.s32 s2, $0x0  }
0x54: {  	s3 =	rddreg [dreg:$0x2];
	[bflag:$0x3] =	sbarrier.arrive $0xFFFF;
	s2 =	simm.s32 @!p0 $0x1C01  }
0x55: {  	[timem:s3], [sflag:s2] =	dma.local @!p0 [hbm:s0], s1  }
0x56: {  	s0 =	simm.s32 @!p0 $0x1  }
0x57: {  	_ =	swait.ge @!p0 [sflag:s0], s1  }
0x58: {  	s1 =	ssub.s32 @!p0 $0x0, s1;
	[sflag:s0] =	ssyncset.done @!p0 $0x0  }
0x59: {  	[sflag:s0] =	ssyncadd.s32 @!p0 s1  }
0x5a: {  	[bflag:$0x3] =	sbarrier.arrive $0xFFFF  }
0x5b: {  	_ =	shalt  }

// kernel: kernel.9.cloned.1.call-start
scs
__scs_entry_jumppad:
0x0: {  	(pc) =	sbr.rel $0x88, $3  }
0x1: {  	(tag) =	ssettag $0x0;
	lr =	simm.s32 $0x1  }
0x2: {  	[smem:$0x3F4D] =	sst lr;
	_ =	strace $0xD0000000  }
0x3: {  	_ = 	snop  }
0x4: {  	_ = 	snop  }
0x5: {  	_ = 	snop  }
0x6: {  	_ = 	snop  }
0x7: {  	_ = 	snop  }
__scs_overlays_trampoline_lowered:
0x8: {  	[smem:$0x3F5C] =	sst s0  }
0x9: {  	[smem:$0x3F5D] =	sst s1  }
0xa: {  	[smem:$0x3F5E] =	sst s2  }
0xb: {  	[smem:$0x3F5F] =	sst s3  }
0xc: {  	[smem:$0x3F60] =	sst s4  }
0xd: {  	[smem:$0x3F61] =	sst s5  }
0xe: {  	[smem:$0x3F62] =	sst s6  }
0xf: {  	[smem:$0x3F63] =	sst s7  }
0x10: {  	[smem:$0x3F64] =	sst s8  }
0x11: {  	[smem:$0x3F65] =	sst s9;
	s0 =	simm.s32 @!p0 $0x0  }
0x12: {  	s1 =	sld [smem:$0x3F4B];
	s0 =	simm.s32 @p0 $0x1  }
0x13: {  	[smem:$0x3F66] =	sst s0;
	s0 =	simm.s32 @!p1 $0x0  }
0x14: {  	s2 =	sld [smem:$0x3F4A];
	s0 =	simm.s32 @p1 $0x1  }
0x15: {  	[smem:$0x3F67] =	sst s0;
	s0 =	simm.s32 @!p2 $0x0  }
0x16: {  	s3 =	sld [smem:$0x3FDB];
	s0 =	simm.s32 @p2 $0x1  }
0x17: {  	s4 =	simm.s32 $0x1BF5;
	[smem:$0x3F69] =	sst s0  }
0x18: {  	s0 =	sld [smem:$0x3F4C];
	_ =	swait.ge [sflag:s4], $0x0  }
0x19: {  	s7 =	sld [smem:$0x3F4D]  }
0x1a: {  	s8 =	sadd.s32 $0xFFFFE003, lr  }
0x1b: {  	s9 =	sadd.s32 $0xFFFFFEF7, lr;
	s5 =	simm.s32 $0xFFFFFFFF;
	p2 =	slt.u32 s8, $0xFFFFF086  }
0x1c: {  	p1 =	slt.u32 s9, $0xF7A;
	s5 =	simm.s32 @!p2 $0x0  }
0x1d: {  	s5 =	simm.s32 @p1 $0x1;
	p0 =	seq.s32 s7, s2  }
0x1e: {  	s7 =	smul.u32 @!p0 $0xF7A, s2;
	p2 =	seq.s32 @!p0 s5, $0x0  }
0x1f: {  	s9 =	smul.u32 $0xF7A, s1;
	s8 =	simm.s32 @!p0 $0x1BF5;
	p2 =	por !p2, p0  }
0x20: {  	[sflag:s8] =	ssyncset.s32 @!p0 $0xFFFFF086;
	s6 =	sadd.s32 @!p0 s3, s7;
	s7 =	simm.s32 @!p0 $0x108  }
0x21: {  	s3 =	sadd.s32 s3, s9;
	s6 =	sadd.s32 @!p0 $0x88, s6;
	s7 =	simm.s32 @p2 $0x1082  }
0x22: {  	[simem:s7], [sflag:s8] =	dma.local @!p0 [hbm:s6], $0xF7A  }
0x23: {  	s9 =	sor.u32 $0xD0000000, s2;
	s6 =	simm.s32 $0x108;
	_ =	swait.ge @!p0 [sflag:s8], $0x0  }
0x24: {  	s3 =	sadd.s32 $0x88, s3;
	s6 =	simm.s32 @!p1 $0x1082;
	[sflag:s4] =	ssyncset.s32 $0xFFFFF086  }
0x25: {  	[simem:s6], [sflag:s4] =	dma.local [hbm:s3], $0xF7A  }
0x26: {  	[smem:$0x3F4D] =	sst s1;
	(tag) =	ssettag s2;
	_ =	strace s9  }
0x27: {  	s1 =	sld [smem:$0x3F5D]  }
0x28: {  	s2 =	sld [smem:$0x3F5E]  }
0x29: {  	s4 =	sld [smem:$0x3F60]  }
0x2a: {  	p0 =	seq.s32 s5, $0x0;
	s5 =	sld [smem:$0x3F61]  }
0x2b: {  	s6 =	sld [smem:$0x3F62]  }
0x2c: {  	s7 =	sld [smem:$0x3F63]  }
0x2d: {  	s3 =	simm.s32 $0x108;
	s8 =	sld [smem:$0x3F64]  }
0x2e: {  	s3 =	simm.s32 @!p0 $0x1082;
	s9 =	sld [smem:$0x3F65]  }
0x2f: {  	lr =	sadd.s32 s0, s3;
	s0 =	sld [smem:$0x3F5C]  }
0x30: {  	s3 =	sld [smem:$0x3F5F]  }
0x31: {  	[smem:$0x3F68] =	sst s10  }
0x32: {  	s10 =	sld [smem:$0x3F66];
	_ =	sdelay $0x3  }
0x33: {  	p0 =	seq.s32 s10, $0x1;
	s10 =	sld [smem:$0x3F68];
	_ =	sdelay $0x3  }
0x34: {  	[smem:$0x3F68] =	sst s10  }
0x35: {  	s10 =	sld [smem:$0x3F67];
	_ =	sdelay $0x3  }
0x36: {  	p1 =	seq.s32 s10, $0x1;
	s10 =	sld [smem:$0x3F68];
	_ =	sdelay $0x3  }
0x37: {  	[smem:$0x3F68] =	sst s10  }
0x38: {  	s10 =	sld [smem:$0x3F69]  }
0x39: {  	_ = 	snop;
	(pc) =	sbr.ind lr, $3  }
0x3a: {  	_ = 	snop  }
0x3b: {  	_ = 	snop  }
0x3c: {  	p2 =	seq.s32 s10, $0x1;
	s10 =	sld [smem:$0x3F68]  }
0x3d: {  	_ =	shalt  }
0x3e: {  	_ =	shalt  }
0x3f: {  	_ =	shalt  }
0x40: {  	_ =	shalt  }
0x41: {  	_ =	shalt  }
0x42: {  	_ =	shalt  }
0x43: {  	_ =	shalt  }
0x44: {  	_ =	shalt  }
0x45: {  	_ =	shalt  }
0x46: {  	_ =	shalt  }
0x47: {  	_ =	shalt  }
0x48: {  	_ =	shalt  }
0x49: {  	_ =	shalt  }
0x4a: {  	_ =	shalt  }
0x4b: {  	_ =	shalt  }
0x4c: {  	_ =	shalt  }
0x4d: {  	_ =	shalt  }
0x4e: {  	_ =	shalt  }
0x4f: {  	_ =	shalt  }
0x50: {  	_ =	shalt  }
0x51: {  	_ =	shalt  }
0x52: {  	_ =	shalt  }
0x53: {  	_ =	shalt  }
0x54: {  	_ =	shalt  }
0x55: {  	_ =	shalt  }
0x56: {  	_ =	shalt  }
0x57: {  	_ =	shalt  }
0x58: {  	_ =	shalt  }
0x59: {  	_ =	shalt  }
0x5a: {  	_ =	shalt  }
0x5b: {  	_ =	shalt  }
0x5c: {  	_ =	shalt  }
0x5d: {  	_ =	shalt  }
0x5e: {  	_ =	shalt  }
0x5f: {  	_ =	shalt  }
0x60: {  	_ =	shalt  }
0x61: {  	_ =	shalt  }
0x62: {  	_ =	shalt  }
0x63: {  	_ =	shalt  }
0x64: {  	_ =	shalt  }
0x65: {  	_ =	shalt  }
0x66: {  	_ =	shalt  }
0x67: {  	_ =	shalt  }
0x68: {  	_ =	shalt  }
0x69: {  	_ =	shalt  }
0x6a: {  	_ =	shalt  }
0x6b: {  	_ =	shalt  }
0x6c: {  	_ =	shalt  }
0x6d: {  	_ =	shalt  }
0x6e: {  	_ =	shalt  }
0x6f: {  	_ =	shalt  }
0x70: {  	_ =	shalt  }
0x71: {  	_ =	shalt  }
0x72: {  	_ =	shalt  }
0x73: {  	_ =	shalt  }
0x74: {  	_ =	shalt  }
0x75: {  	_ =	shalt  }
0x76: {  	_ =	shalt  }
0x77: {  	_ =	shalt  }
0x78: {  	_ =	shalt  }
0x79: {  	_ =	shalt  }
0x7a: {  	_ =	shalt  }
0x7b: {  	_ =	shalt  }
0x7c: {  	_ =	shalt  }
0x7d: {  	_ =	shalt  }
0x7e: {  	_ =	shalt  }
0x7f: {  	_ =	shalt  }
0x80: {  	_ =	shalt  }
0x81: {  	_ =	shalt  }
0x82: {  	_ =	shalt  }
0x83: {  	_ =	shalt  }
0x84: {  	_ =	shalt  }
0x85: {  	_ =	shalt  }
0x86: {  	_ =	shalt  }
0x87: {  	_ =	shalt  }
.Lfunc_end0:
.L_simem_size_0:
called_computation.1_lowered:
.L_overlay_start_0:
0x88: {  	s2 =	sld [smem:$0x3FD9]  }
0x89: {  	s3 =	sld [smem:$0x3FFE];
	_ =	sdelay $0x1  }
0x8a: {  	s1 =	srdreg.scid  }
0x8b: {  	s0 =	sand.u32 $0x1, s1  }
0x8c: {  	s14 =	sshll.u32 s0, $0xA;
	s2 =	sadd.s32 s3, s2  }
0x8d: {  	s2 =	sadd.s32 s2, s14  }
0x8e: {  	[smem:$0x3F74] =	sst s2  }
0x8f: {  	_ = 	snop  }
0x90: {  	s2 =	sld [smem:$0x3FD0];
	_ =	sdelay $0x2  }
0x91: {  	s15 =	simm.s32 $0xA;
	s4 =	simm.s32 $0x10  }
0x92: {  	[smem:s4], [sflag:s15] =	dma.local [hbm:s2], $0x1  }
0x93: {  	_ =	swait.eq [sflag:s15], $0x1  }
0x94: {  	[sflag:s15] =	ssyncset.done $0x0  }
0x95: {  	[sflag:s15] =	ssyncadd.s32 $0xFFFFFFFF  }
0x96: {  	s16 =	sld [smem:$0x11];
	(tm) =	ssettm $0x1  }
0x97: {  	s17 =	sld [smem:$0x3FFB];
	_ =	sdelay $0x3  }
0x98: {  	_ =	strace s17  }
0x99: {  	s3 =	sld [smem:$0x3FFC];
	_ =	sdelay $0x3  }
0x9a: {  	_ =	strace s3  }
0x9b: {  	s3 =	sld [smem:$0x3FFD];
	_ =	sdelay $0x3  }
0x9c: {  	_ =	strace s3  }
0x9d: {  	_ =	strace $0x8FFFFFFF  }
0x9e: {  	s18 =	sld [smem:$0x3FDB];
	_ =	sdelay $0x1  }
0x9f: {  	s19 =	simm.s32 $_scs_section_size  }
0xa0: {  	s5 =	simm.s32 $_size__tile_overlayer_lowered;
	s6 =	simm.s32 $_tile_overlayer_lowered  }
0xa1: {  	s22 =	simm.s32 $0x1BFF;
	s21 =	sshll.u32 s6, $0x1;
	s3 =	sadd.s32 s19, s18  }
0xa2: {  	s7 =	simm.s32 $0x0;
	s20 =	sshll.u32 s5, $0x1;
	s5 =	sadd.s32 s21, s3  }
0xa3: {  	[timem:s7], [sflag:s22] =	dma.local [hbm:s5], s20  }
0xa4: {  	_ =	swait.ge [sflag:s22], s20  }
0xa5: {  	s4 =	ssub.s32 $0x0, s20;
	[sflag:s22] =	ssyncset.done $0x0  }
0xa6: {  	[sflag:s22] =	ssyncadd.s32 s4;
	_ =	sdelay $0x1  }
0xa7: {  	s23 =	simm.s32 $0x1B8B  }
0xa8: {  	_ =	swait.ge [sflag:s23], $0x1  }
0xa9: {  	[sflag:s23] =	ssyncset.done $0x0  }
0xaa: {  	s25 =	simm.s32 $0x1B8E;
	s24 =	sld [smem:$0x3FFE];
	[sflag:s23] =	ssyncadd.s32 $0xFFFFFFFF  }
0xab: {  	s26 =	simm.s32 $execute0_lowered;
	[smem:$0x3FD2] =	sst s25  }
0xac: {  	s5 =	sshll.u32 s26, $0x1;
	_ =	strace $0x80000049;
	[dreg:$0x1] =	wrdreg $0xFFFFFFFF  }
0xad: {  	s28 =	simm.s32 $_size_execute0_lowered;
	s3 =	sadd.s32 s3, s5;
	[dreg:$0x0] =	wrdreg $0x0  }
0xae: {  	s5 =	sshll.u32 s28, $0x1;
	[dreg:$0x2] =	wrdreg s3  }
0xaf: {  	[dreg:$0x3] =	wrdreg s5  }
0xb0: {  	[dreg:$0x4] =	wrdreg $0xC0  }
0xb1: {  	_ =	task [dreg:s7], $0x5FFFF  }
0xb2: {  	[dreg:$0x1] =	wrdreg $0xFFFFFFFF  }
0xb3: {  	[dreg:$0x0] =	wrdreg $0x60  }
0xb4: {  	[dreg:$0x2] =	wrdreg s24  }
0xb5: {  	[dreg:$0x3] =	wrdreg s16  }
0xb6: {  	[dreg:$0x4] =	wrdreg $0x9  }
0xb7: {  	_ =	task.clear_ibuf [dreg:s7], $0x5FFFF;
	_ =	strace $0x90000049  }
0xb8: {  	s29 =	simm.s32 $0x9;
	_ =	strace $0x8000004B  }
0xb9: {  	_ =	swait.ge [sflag:s29], $0x1  }
0xba: {  	[sflag:s29] =	ssyncadd.s32 $0xFFFFFFFF  }
0xbb: {  	_ =	strace $0x9000004B  }
0xbc: {  	_ =	sfence  }
0xbd: {  	s30 =	sld [smem:$0x0];
	_ =	sdelay $0x2  }
0xbe: {  	s31 =	sshll.u32 s1, $0xD;
	s1 =	sshrl.u32 s1, $0x2  }
0xbf: {  	s3 =	sand.u32 $0x4000, s31;
	s1 =	sadd.s32 s1, s30  }
0xc0: {  	s0 =	sor.u32 s3, s0;
	s1 =	sshll.u32 s1, $0x11  }
0xc1: {  	s0 =	sor.u32 s1, s0  }
0xc2: {  	s0 =	sadd.s32 $0x8F2B, s0  }
0xc3: {  	[sflag:s0] =	ssyncadd.remote.s32 $0x1  }
0xc4: {  	_ =	sfence.sel $0xFFFF  }
0xc5: {  	[dreg:$0x0] =	wrdreg $0xFFFFFFFF;
	(pc) =	sbr.abs _section_cstart, $3  }
0xc6: {  	[dreg:$0x1] =	wrdreg $0xFFFFFFFF  }
0xc7: {  	_ =	task.clear_ibuf [dreg:s7], $0x2FFFF;
	_ =	strace $0x9FFFFFFF  }
0xc8: {  	(tm) =	ssettm $0x7FFFFFFF  }
0xc9: {  	_ =	shalt  }
tec
execute0_lowered:
.L_overlay_start_1:
0x0: {  	(tag) =	ssettag $0x1  }
0x1: {  	s5 =	rddreg [dreg:$0x0]  }
0x2: {  	s1 =	srdreg.scid;
	s0 =	stileid.u32  }
0x3: {  	s7 =	rddreg [dreg:$0x1];
	s2 =	simm.s32 $0x0;
	s12 =	simm.s32 $0x17000  }
0x4: {  	s13 =	simm.s32 $0x1;
	s14 =	simm.s32 $0xA400;
	s15 =	simm.s32 $0xA600  }
0x5: {  	s16 =	simm.s32 $0x190;
	s4 =	sand.u32 $0x1, s1;
	s3 =	sshll.u32 s0, $0x1  }
0x6: {  	s17 =	simm.s32 $0xA800;
	s1 =	rddreg [dreg:$0x2];
	s8 =	sor.u32 s4, s3  }
0x7: {  	s18 =	simm.s32 $0x0;
	[smem:$0x7FF] =	sst s2;
	s6 =	smul.u32 $0x1400, s8  }
.Ltmp0:
0x8: {  	_ =	strace $0x8000004A;
	s9 =	ssub.s32 $0x2, s4;
	(pc) =	sbr.rel .LBB2_1-.Ltmp0, $4  }
0x9: {  	s3 =	sadd.s32 $0x53D200, s5;
	s4 =	sadd.s32 $0x9E00, s5;
	s31 =	sshrl.u32 s9, $0x1  }
0xa: {  	s7 =	sadd.s32 s7, s8;
	s8 =	sshll.u32 s8, $0xE;
	s10 =	sadd.s32 s6, s5  }
0xb: {  	s11 =	ssub.s32 s9, s31;
	s5 =	sadd.s32 $0x19E00, s5;
	s6 =	sadd.s32 $0xA1F200, s10  }
0xc: {  	s9 =	sadd.s32 $0xA47200, s10;
	s10 =	smax.u32 s11, $0x1;
	s11 =	simm.s32 $0x2  }
.LBB2_5:
0xd: {  	s18 =	sadd.s32 $0x1, s18  }
0xe: {  	p0 =	sne.s32 s18, s10  }
.Ltmp1:
0xf: {  	_ = 	snop;
	(pc) =	sbr.rel @!p0 .LBB2_6-.Ltmp1, $4  }
0x10: {  	[hbm4b:s9+s2] =	stream.linear.scatter [tilespmem:s2], [sflag:$0x2], $0xA000, $0x38;
	[tilespmem:$0x17080] =	vst v63  }
0x11: {  	_ =	swait.ge [sflag:s11], $0xA000  }
0x12: {  	[sflag:s11] =	ssyncset.done $0x0  }
0x13: {  	[sflag:s11] =	ssyncadd.s32 $0xFFFF6000  }
.LBB2_1:
0x14: {  	[tilespmem:s2], [sflag:$0x2] =	stream.linear.gather [hbm4b:s6+s2], $0xA000, $0x38;
	[tilespmem:$0x17080] =	vst v63  }
0x15: {  	_ =	swait.ge [sflag:s11], $0xA000  }
0x16: {  	[sflag:s11] =	ssyncset.done $0x0  }
0x17: {  	[sflag:s11] =	ssyncadd.s32 $0xFFFF6000  }
0x18: {  	[tilespmem:s12], [sflag:$0x2] =	stream.linear.gather [hbm4b:s7+s2], $0x8, $0x38;
	[tilespmem:$0x17080] =	vst v63  }
0x19: {  	_ =	swait.ge [sflag:s11], $0x8  }
0x1a: {  	[sflag:s11] =	ssyncset.done $0x0  }
0x1b: {  	[sflag:s11] =	ssyncadd.s32 $0xFFFFFFF8  }
0x1c: {  	v0 =	vld [tilespmem:$0x17000];
	_ =	sdelay $0x4  }
0x1d: {  	(v2sf) =	vpush v0, $0x0;
	_ =	sdelay $0xe  }
0x1e: {  	s19 =	spop (v2sf)  }
0x1f: {  	s20 =	sadd.s32 $0x18F, s19  }
0x20: {  	s21 =	smulhi.u32 $0x51EB851F, s20;
	s22 =	sshra.s32 s20, $0x1F  }
0x21: {  	s22 =	smul.u32 $0x51EB851F, s22;
	_ =	sdelay $0x1  }
0x22: {  	s21 =	sadd.s32 s22, s21  }
0x23: {  	s22 =	sshrl.u32 s21, $0x1F;
	s21 =	sshra.s32 s21, $0x7  }
0x24: {  	s21 =	sadd.s32 s22, s21  }
0x25: {  	s22 =	smul.u32 $0xFFFFFE70, s21  }
0x26: {  	s19 =	ssub.s32 $0xFFFFFE71, s19  }
0x27: {  	p0 =	slt.s32 s20, $0x1;
	p1 =	sne.s32 s22, s19  }
0x28: {  	p0 =	por !p0, !p1  }
0x29: {  	s19 =	simm.s32 $0x1;
	p0 =	por !p0, !p0  }
0x2a: {  	s19 =	simm.s32 @!p0 $0x0  }
0x2b: {  	s19 =	ssub.s32 s21, s19  }
0x2c: {  	p0 =	slt.s32 s19, $0x1  }
.Ltmp2:
0x2d: {  	_ = 	snop;
	(pc) =	sbr.rel @p0 .LBB2_5-.Ltmp2, $2  }
0x2e: {  	_ =	sdelay $0x2  }
0x2f: {  	s20 =	simm.s32 $0x0  }
.LBB2_2:
0x30: {  	s21 =	smul.u32 $0x190, s20;
	_ =	sdelay $0x1  }
0x31: {  	s21 =	sadd.s32 s8, s21  }
0x32: {  	s21 =	sshrl.u32 s21, $0x3  }
0x33: {  	s23 =	simm.s32 $0x0;
	s22 =	sadd.s32 s4, s21  }
0x34: {  	[tilespmem:s14], [sflag:$0x2] =	stream.linear.gather [hbm4b:s22+s23], $0x190, $0x38;
	[tilespmem:$0x17080] =	vst v63  }
0x35: {  	_ =	swait.ge [sflag:s11], $0x190  }
0x36: {  	[sflag:s11] =	ssyncset.done $0x0  }
0x37: {  	s21 =	sadd.s32 s5, s21;
	[sflag:s11] =	ssyncadd.s32 $0xFFFFFE70  }
0x38: {  	[tilespmem:s15], [sflag:$0x2] =	stream.linear.gather [hbm4b:s21+s23], $0x190, $0x38;
	[tilespmem:$0x17080] =	vst v63  }
0x39: {  	_ =	swait.ge [sflag:s11], $0x190  }
0x3a: {  	[sflag:s11] =	ssyncset.done $0x0  }
0x3b: {  	[sflag:s11] =	ssyncadd.s32 $0xFFFFFE70  }
0x3c: {  	[tilespmem:s17], [sflag:$0x1] =	stream.indirect.gather [hbm4b:s3+s16], $0x80, s14, s16, $0xb8;
	[tilespmem:$0x17080] =	vst v63  }
0x3d: {  	_ =	swait.ge [sflag:s13], $0xC800  }
0x3e: {  	[sflag:s13] =	ssyncset.done $0x0  }
0x3f: {  	s30 =	simm.s32 $0x0;
	[sflag:s13] =	ssyncadd.s32 $0xFFFF3800  }
0x40: {  	v0 =	vld [tilespmem:s30+$0xA600];
	_ =	sdelay $0x4  }
0x41: {  	(v2sf) =	vpush v0, $0x0;
	_ =	sdelay $0xe  }
0x42: {  	s31 =	spop (v2sf)  }
0x43: {  	s21 =	simm.s32 $0xA840;
	s22 =	sshll.u32 s31, $0x9  }
0x44: {  	v0 =	vld [tilespmem:s21+$0xFFFFFFC0];
	s22 =	sshra.s32 s22, $0x2  }
0x45: {  	v1 =	vld [tilespmem:s22+$0x0];
	_ =	sdelay $0x4  }
0x46: {  	v0 =	vmax.f32 v1, v0  }
0x47: {  	[tilespmem:s22+$0x0] =	vst v0;
	v0 =	vld [tilespmem:s22+$0x10]  }
0x48: {  	v1 =	vld [tilespmem:s21+$0xFFFFFFD0];
	_ =	sdelay $0x4  }
0x49: {  	v0 =	vmax.f32 v0, v1  }
0x4a: {  	[tilespmem:s22+$0x10] =	vst v0;
	v0 =	vld [tilespmem:s22+$0x20]  }
0x4b: {  	v1 =	vld [tilespmem:s21+$0xFFFFFFE0];
	_ =	sdelay $0x4  }
0x4c: {  	v0 =	vmax.f32 v0, v1  }
0x4d: {  	[tilespmem:s22+$0x20] =	vst v0;
	v0 =	vld [tilespmem:s22+$0x30]  }
0x4e: {  	v1 =	vld [tilespmem:s21+$0xFFFFFFF0];
	_ =	sdelay $0x4  }
0x4f: {  	v0 =	vmax.f32 v0, v1  }
0x50: {  	[tilespmem:s22+$0x30] =	vst v0;
	v0 =	vld [tilespmem:s22+$0x40]  }
0x51: {  	v1 =	vld [tilespmem:s21+$0x0];
	_ =	sdelay $0x4  }
0x52: {  	v0 =	vmax.f32 v0, v1  }
0x53: {  	[tilespmem:s22+$0x40] =	vst v0;
	v0 =	vld [tilespmem:s22+$0x50]  }
0x54: {  	v1 =	vld [tilespmem:s21+$0x10];
	_ =	sdelay $0x4  }
0x55: {  	v0 =	vmax.f32 v0, v1  }
0x56: {  	[tilespmem:s22+$0x50] =	vst v0;
	v0 =	vld [tilespmem:s22+$0x60]  }
0x57: {  	v1 =	vld [tilespmem:s21+$0x20];
	_ =	sdelay $0x4  }
0x58: {  	v0 =	vmax.f32 v0, v1  }
0x59: {  	[tilespmem:s22+$0x60] =	vst v0;
	v0 =	vld [tilespmem:s22+$0x70]  }
0x5a: {  	v1 =	vld [tilespmem:s21+$0x30];
	_ =	sdelay $0x4  }
0x5b: {  	s25 =	simm.s32 $0x8;
	s23 =	simm.s32 $0x4;
	v0 =	vmax.f32 v0, v1  }
.LBB2_3:
0x5c: {  	s26 =	sshra.s32 s23, $0x2  }
0x5d: {  	[tilespmem:s22+$0x70] =	vst v0;
	s21 =	sadd.s32 $0x80, s21;
	s23 =	smov.u32 s25;
	s24 =	sadd.s32 $0x4, s25  }
0x5e: {  	p0 =	sne.s32 s25, $0x63C;
	v0 =	vld [tilespmem:s26+$0xA600];
	_ =	sdelay $0x4  }
0x5f: {  	(v2sf) =	vpush v0, $0x0;
	_ =	sdelay $0xe  }
0x60: {  	s22 =	spop (v2sf)  }
0x61: {  	s22 =	sshll.u32 s22, $0x9  }
0x62: {  	s22 =	sshra.s32 s22, $0x2;
	v0 =	vld [tilespmem:s21+$0xFFFFFFC0]  }
0x63: {  	v1 =	vld [tilespmem:s22+$0x0];
	_ =	sdelay $0x4  }
0x64: {  	v0 =	vmax.f32 v1, v0  }
0x65: {  	[tilespmem:s22+$0x0] =	vst v0;
	v0 =	vld [tilespmem:s22+$0x10]  }
0x66: {  	v1 =	vld [tilespmem:s21+$0xFFFFFFD0];
	_ =	sdelay $0x4  }
0x67: {  	v0 =	vmax.f32 v0, v1  }
0x68: {  	[tilespmem:s22+$0x10] =	vst v0;
	v0 =	vld [tilespmem:s22+$0x20]  }
0x69: {  	v1 =	vld [tilespmem:s21+$0xFFFFFFE0];
	_ =	sdelay $0x4  }
0x6a: {  	v0 =	vmax.f32 v0, v1  }
0x6b: {  	[tilespmem:s22+$0x20] =	vst v0;
	v0 =	vld [tilespmem:s22+$0x30]  }
0x6c: {  	v1 =	vld [tilespmem:s21+$0xFFFFFFF0];
	_ =	sdelay $0x4  }
0x6d: {  	v0 =	vmax.f32 v0, v1  }
0x6e: {  	[tilespmem:s22+$0x30] =	vst v0;
	v0 =	vld [tilespmem:s22+$0x40]  }
0x6f: {  	v1 =	vld [tilespmem:s21+$0x0];
	_ =	sdelay $0x4  }
0x70: {  	v0 =	vmax.f32 v0, v1  }
0x71: {  	[tilespmem:s22+$0x40] =	vst v0;
	v0 =	vld [tilespmem:s22+$0x50]  }
0x72: {  	v1 =	vld [tilespmem:s21+$0x10];
	_ =	sdelay $0x4  }
0x73: {  	v0 =	vmax.f32 v0, v1  }
0x74: {  	[tilespmem:s22+$0x50] =	vst v0;
	v0 =	vld [tilespmem:s22+$0x60]  }
0x75: {  	v1 =	vld [tilespmem:s21+$0x20];
	_ =	sdelay $0x4  }
0x76: {  	v0 =	vmax.f32 v0, v1  }
0x77: {  	[tilespmem:s22+$0x60] =	vst v0;
	v0 =	vld [tilespmem:s22+$0x70]  }
0x78: {  	v1 =	vld [tilespmem:s21+$0x30]  }
.Ltmp3:
0x79: {  	(pc) =	sbr.rel @p0 .LBB2_3-.Ltmp3, $2  }
0x7a: {  	_ =	sdelay $0x2  }
0x7b: {  	s25 =	smov.u32 s24;
	v0 =	vmax.f32 v0, v1  }
0x7c: {  	s23 =	sshra.s32 s23, $0x2;
	[tilespmem:s22+$0x70] =	vst v0  }
0x7d: {  	v0 =	vld [tilespmem:s23+$0xA600];
	_ =	sdelay $0x4  }
0x7e: {  	(v2sf) =	vpush v0, $0x0;
	_ =	sdelay $0xe  }
0x7f: {  	s31 =	spop (v2sf)  }
0x80: {  	s21 =	sadd.s32 $0x80, s21;
	s22 =	sshll.u32 s31, $0x9  }
0x81: {  	v49 =	vld [tilespmem:s21+$0xFFFFFFC0];
	s22 =	sshra.s32 s22, $0x2  }
0x82: {  	v1 =	vld [tilespmem:s22+$0x0];
	_ =	sdelay $0x4  }
0x83: {  	v0 =	vmax.f32 v1, v49  }
0x84: {  	v50 =	vld [tilespmem:s22+$0x10];
	[tilespmem:s22+$0x0] =	vst v0  }
0x85: {  	v51 =	vld [tilespmem:s21+$0xFFFFFFD0];
	_ =	sdelay $0x4  }
0x86: {  	v0 =	vmax.f32 v50, v51  }
0x87: {  	v52 =	vld [tilespmem:s22+$0x20];
	[tilespmem:s22+$0x10] =	vst v0  }
0x88: {  	v53 =	vld [tilespmem:s21+$0xFFFFFFE0];
	_ =	sdelay $0x4  }
0x89: {  	v0 =	vmax.f32 v52, v53  }
0x8a: {  	v54 =	vld [tilespmem:s22+$0x30];
	[tilespmem:s22+$0x20] =	vst v0  }
0x8b: {  	v55 =	vld [tilespmem:s21+$0xFFFFFFF0];
	_ =	sdelay $0x4  }
0x8c: {  	v0 =	vmax.f32 v54, v55  }
0x8d: {  	v56 =	vld [tilespmem:s22+$0x40];
	[tilespmem:s22+$0x30] =	vst v0  }
0x8e: {  	v57 =	vld [tilespmem:s21+$0x0];
	_ =	sdelay $0x4  }
0x8f: {  	v0 =	vmax.f32 v56, v57  }
0x90: {  	v58 =	vld [tilespmem:s22+$0x50];
	[tilespmem:s22+$0x40] =	vst v0  }
0x91: {  	v59 =	vld [tilespmem:s21+$0x10];
	_ =	sdelay $0x4  }
0x92: {  	v0 =	vmax.f32 v58, v59  }
0x93: {  	v60 =	vld [tilespmem:s22+$0x60];
	[tilespmem:s22+$0x50] =	vst v0  }
0x94: {  	v61 =	vld [tilespmem:s21+$0x20];
	_ =	sdelay $0x4  }
0x95: {  	v0 =	vmax.f32 v60, v61  }
0x96: {  	v62 =	vld [tilespmem:s22+$0x70];
	[tilespmem:s22+$0x60] =	vst v0  }
0x97: {  	s20 =	sadd.s32 $0x1, s20;
	v63 =	vld [tilespmem:s21+$0x30]  }
0x98: {  	p0 =	sne.s32 s20, s19  }
.Ltmp4:
0x99: {  	_ = 	snop;
	(pc) =	sbr.rel @p0 .LBB2_2-.Ltmp4, $4  }
.Ltmp5:
0x9a: {  	_ = 	snop;
	(pc) =	sbr.rel @!p0 .LBB2_5-.Ltmp5, $4  }
0x9b: {  	_ = 	snop  }
0x9c: {  	v0 =	vmax.f32 v62, v63  }
0x9d: {  	[tilespmem:s22+$0x70] =	vst v0  }
0x9e: {  	_ = 	snop  }
.LBB2_6:
0x9f: {  	_ =	sfence.sel $0x180000  }
0xa0: {  	[bflag:$0x0] =	sbarrier.arrive $0xFFFF  }
0xa1: {  	p0 =	sne.s32 s0, $0x0;
	_ =	strace $0x9000004A  }
0xa2: {  	s0 =	sadd.s32 @!p0 $0x100000, s1;
	[bflag:$0x2] =	sbarrier.arrive $0xFFFF  }
0xa3: {  	[sflag:s0] =	ssyncadd.tile.s32 @!p0 $0x1;
	_ =	shalt  }
.Lfunc_end2:
_tile_overlayer_lowered:
.L_overlay_start_2:
0xa4: {  	(tag) =	ssettag $0x2  }
0xa5: {  	s0 =	rddreg [dreg:$0x0];
	s2 =	stileid.u32  }
0xa6: {  	s1 =	rddreg [dreg:$0x1];
	p0 =	sne.s32 s2, $0x0  }
0xa7: {  	s3 =	rddreg [dreg:$0x2];
	[bflag:$0x3] =	sbarrier.arrive $0xFFFF;
	s2 =	simm.s32 @!p0 $0x1C02  }
0xa8: {  	[timem:s3], [sflag:s2] =	dma.local @!p0 [hbm:s0], s1  }
0xa9: {  	s0 =	simm.s32 @!p0 $0x2  }
0xaa: {  	_ =	swait.ge @!p0 [sflag:s0], s1  }
0xab: {  	s1 =	ssub.s32 @!p0 $0x0, s1;
	[sflag:s0] =	ssyncset.done @!p0 $0x0  }
0xac: {  	[sflag:s0] =	ssyncadd.s32 @!p0 s1  }
0xad: {  	[bflag:$0x3] =	sbarrier.arrive $0xFFFF  }
0xae: {  	_ =	shalt  }

</sc_bundles>
